<compile_context>
chip_gen: v7x
topology: tpu7x:2x2x1
jax: 0.10.2.dev20260603
libtpu: 0.0.44.dev20260713+nightly
codegen_flags: <defaults>
</compile_context>

<pallas_src>
import functools

import jax
import jax.numpy as jnp
from jax import lax
from jax.experimental import pallas as pl
from jax.experimental.pallas import tpu as pltpu
from jax.experimental.pallas import tpu_sc as plsc

NC = 2
NS = 16
NW = NC * NS
L = 16
STRIP = 128
RING = 4
SIDES = 2


@functools.partial(jax.jit, static_argnames=("B", "D"))
def _gmf(uidx, iidx, ut_t, it_t, w_flat, b_vec, *, B, D):
    bpw = B // NW
    n_groups = bpw // L

    mesh = plsc.VectorSubcoreMesh(
        core_axis_name="c", subcore_axis_name="s",
        num_cores=NC, num_subcores=NS,
    )

    @functools.partial(
        pl.kernel,
        out_type=jax.ShapeDtypeStruct((B,), jnp.float32),
        mesh=mesh,
        compiler_params=pltpu.CompilerParams(
            needs_layout_passes=False, use_tc_tiling_on_sc=True),
        scratch_types=[
            pltpu.VMEM((bpw,), jnp.int32),
            pltpu.VMEM((bpw,), jnp.int32),
            pltpu.VMEM((SIDES * RING, D, STRIP), jnp.float32),
            pltpu.VMEM((SIDES * RING, D, STRIP), jnp.float32),
            pltpu.VMEM((D,), jnp.float32),
            pltpu.VMEM((L,), jnp.float32),
            pltpu.VMEM((bpw,), jnp.float32),
        ] + [pltpu.SemaphoreType.DMA] * SIDES,
    )
    def k(uidx_hbm, iidx_hbm, ut_hbm, it_hbm, w_hbm, b_hbm, out_hbm,
          ui_v, ii_v, us_v, is_v, w_v, b_v, out_v, *sems):
        wid = lax.axis_index("s") * NC + lax.axis_index("c")
        base = wid * bpw
        pltpu.sync_copy(uidx_hbm.at[pl.ds(base, bpw)], ui_v)
        pltpu.sync_copy(iidx_hbm.at[pl.ds(base, bpw)], ii_v)
        pltpu.sync_copy(w_hbm, w_v)
        pltpu.sync_copy(b_hbm, b_v)

        lane = lax.iota(jnp.int32, L)
        wlo = w_v[pl.ds(0, L)]
        whi = w_v[pl.ds(L, L)]
        bias = b_v[...]

        n_batches = L // RING

        def group(g, carry):
            uv = ui_v[pl.ds(g * L, L)]
            iv = ii_v[pl.ds(g * L, L)]

            def fire(jb):
                side = jb % SIDES
                cps = []
                for j in range(RING):
                    e = jb * RING + j
                    slot = side * RING + j
                    u0 = pl.multiple_of((uv[e] >> 7) * STRIP, STRIP)
                    i0 = pl.multiple_of((iv[e] >> 7) * STRIP, STRIP)
                    cps.append(pltpu.async_copy(
                        ut_hbm.at[:, pl.ds(u0, STRIP)], us_v.at[slot], sems[side]))
                    cps.append(pltpu.async_copy(
                        it_hbm.at[:, pl.ds(i0, STRIP)], is_v.at[slot], sems[side]))
                return cps

            acc = bias
            pending = {0: fire(0)}
            for jb in range(n_batches):
                if jb + 1 < n_batches:
                    pending[jb + 1] = fire(jb + 1)
                for cp in pending.pop(jb):
                    cp.wait()
                side = jb % SIDES
                for j in range(RING):
                    e = jb * RING + j
                    slot = side * RING + j
                    cu = jnp.full((L,), 0, jnp.int32) + (uv[e] & (STRIP - 1))
                    ci = jnp.full((L,), 0, jnp.int32) + (iv[e] & (STRIP - 1))
                    u_lo = plsc.load_gather(us_v.at[slot], [lane, cu])
                    u_hi = plsc.load_gather(us_v.at[slot], [lane + L, cu])
                    i_lo = plsc.load_gather(is_v.at[slot], [lane, ci])
                    i_hi = plsc.load_gather(is_v.at[slot], [lane + L, ci])
                    s = jnp.sum(u_lo * i_lo * wlo + u_hi * i_hi * whi)
                    acc = jnp.where(lane == e, acc + s, acc)
            out_v[pl.ds(g * L, L)] = 1.0 / (1.0 + jnp.exp(-acc))
            return carry

        lax.fori_loop(0, n_groups, group, 0)
        pltpu.sync_copy(out_v, out_hbm.at[pl.ds(base, bpw)])

    return k(uidx, iidx, ut_t, it_t, w_flat, b_vec)


def kernel(user_indices, item_indices, user_table, item_table, W, b):
    B = user_indices.shape[0]
    D = user_table.shape[1]
    w_flat = W.reshape(D).astype(jnp.float32)
    b_vec = jnp.broadcast_to(b.reshape(1), (L,)).astype(jnp.float32)
    out = _gmf(user_indices.astype(jnp.int32), item_indices.astype(jnp.int32),
               user_table.T, item_table.T, w_flat, b_vec, B=B, D=D)
    return out.reshape(B, 1)

# --- scband reference (transcript-rebuilt; emitter-appended) ---
"""Pipeline reference for scband-gmfwith-output-28604482191650 (READ-ONLY COPY).

The authoritative reference and input builder live on the scoring server;
editing this copy changes nothing except your own understanding.
"""

import jax, jax.numpy as jnp
import numpy as np

NUM_USERS = 1000000
NUM_ITEMS = 1000000
LATENT_DIM = 32
BATCH = 16384


def setup_inputs(seed: int = 0) -> dict:
    key = jax.random.key(seed)
    k1, k2, k3, k4, k5, k6 = jax.random.split(key, 6)
    user_indices = jax.random.randint(k1, (BATCH,), 0, NUM_USERS, dtype=jnp.int64 if jax.config.jax_enable_x64 else jnp.int32)
    item_indices = jax.random.randint(k2, (BATCH,), 0, NUM_ITEMS, dtype=jnp.int64 if jax.config.jax_enable_x64 else jnp.int32)
    user_table = jax.random.normal(k3, (NUM_USERS, LATENT_DIM), dtype=jnp.float32) * 0.01
    item_table = jax.random.normal(k4, (NUM_ITEMS, LATENT_DIM), dtype=jnp.float32) * 0.01
    W = jax.random.normal(k5, (1, LATENT_DIM), dtype=jnp.float32) * 0.01
    b = jnp.zeros((1,), dtype=jnp.float32)
    return {"user_indices": user_indices, "item_indices": item_indices,
            "user_table": user_table, "item_table": item_table, "W": W, "b": b}


def reference(user_indices, item_indices, user_table, item_table, W, b):
    # GMF: element-wise product of user and item embeddings
    eu = jnp.take(user_table, user_indices, axis=0)   # [B, D] gather
    ei = jnp.take(item_table, item_indices, axis=0)   # [B, D] gather
    element_product = eu * ei                          # [B, D]
    # affine_output: Linear(latent_dim -> 1)
    logits = element_product @ W.T + b                 # [B, 1]
    rating = jax.nn.sigmoid(logits)                    # [B, 1]
    return rating

if __name__ == "__main__":
    import jax
    _d = setup_inputs()
    print(jax.jit(kernel)(*tuple(_d.values())))

</pallas_src>

<mosaic_0001>
#map = affine_map<(d0, d1) -> (0)>
#map1 = affine_map<(d0, d1) -> (0, 0)>
module attributes {stable_mosaic.version = 14 : i64} {
  func.func @k(%arg0: i32, %arg1: i32, %arg2: memref<16384xi32, #tpu.memory_space<hbm>>, %arg3: memref<16384xi32, #tpu.memory_space<hbm>>, %arg4: memref<32x1000000xf32, #tpu.memory_space<hbm>>, %arg5: memref<32x1000000xf32, #tpu.memory_space<hbm>>, %arg6: memref<32xf32, #tpu.memory_space<hbm>>, %arg7: memref<16xf32, #tpu.memory_space<hbm>>, %arg8: memref<16384xf32, #tpu.memory_space<hbm>>, %arg9: memref<512xi32, #tpu.memory_space<vmem>>, %arg10: memref<512xi32, #tpu.memory_space<vmem>>, %arg11: memref<8x32x128xf32, #tpu.memory_space<vmem>>, %arg12: memref<8x32x128xf32, #tpu.memory_space<vmem>>, %arg13: memref<32xf32, #tpu.memory_space<vmem>>, %arg14: memref<16xf32, #tpu.memory_space<vmem>>, %arg15: memref<512xf32, #tpu.memory_space<vmem>>, %arg16: memref<!tpu.dma_semaphore, #tpu.memory_space<semaphore_mem>>, %arg17: memref<!tpu.dma_semaphore, #tpu.memory_space<semaphore_mem>>) attributes {dimension_semantics = [#tpu.dimension_semantics<core_parallel>, #tpu.dimension_semantics<subcore_parallel>], iteration_bounds = array<i64: 2, 16>, scalar_prefetch = 0 : i64, scratch_operands = 9 : i64, tpu.core_type = #tpu.core_type<sc_vector_subcore>, window_params = [{transform_indices = #map}, {transform_indices = #map}, {transform_indices = #map1}, {transform_indices = #map1}, {transform_indices = #map}, {transform_indices = #map}, {transform_indices = #map}]} {
    %mul3A = arith.constant 2 : i32
    %mul3A_0 = arith.muli %arg1, %mul3A : i32
    %add3A = arith.addi %mul3A_0, %arg0 : i32
    %mul3A_1 = arith.constant 512 : i32
    %mul3A_2 = arith.muli %add3A, %mul3A_1 : i32
    "tpu.region"() ({
      %run_scoped3A = tpu.sem_alloc : memref<!tpu.dma_semaphore, #tpu.memory_space<semaphore_mem>>
      %dma_start3A = tpu.memref_slice %arg2[%mul3A_2] : memref<16384xi32, #tpu.memory_space<hbm>> -> memref<512xi32, #tpu.memory_space<hbm>>
      %dma_start3A_13 = tpu.memref_slice %arg2[%mul3A_2] : memref<16384xi32, #tpu.memory_space<hbm>> -> memref<512xi32, #tpu.memory_space<hbm>>
      tpu.enqueue_dma source(%dma_start3A_13 : memref<512xi32, #tpu.memory_space<hbm>>) target(%arg9 : memref<512xi32, #tpu.memory_space<vmem>>) target_semaphore(%run_scoped3A : memref<!tpu.dma_semaphore, #tpu.memory_space<semaphore_mem>>)
      %dma_wait3A = tpu.memref_slice %arg2[%mul3A_2] : memref<16384xi32, #tpu.memory_space<hbm>> -> memref<512xi32, #tpu.memory_space<hbm>>
      %dma_wait3A_14 = tpu.memref_slice %arg2[%mul3A_2] : memref<16384xi32, #tpu.memory_space<hbm>> -> memref<512xi32, #tpu.memory_space<hbm>>
      tpu.wait_dma2 semaphore(%run_scoped3A : memref<!tpu.dma_semaphore, #tpu.memory_space<semaphore_mem>>) src(%dma_wait3A_14 : memref<512xi32, #tpu.memory_space<hbm>>) dst(%arg9 : memref<512xi32, #tpu.memory_space<vmem>>)
      tpu.yield
    }) : () -> ()
    "tpu.region"() ({
      %run_scoped3A = tpu.sem_alloc : memref<!tpu.dma_semaphore, #tpu.memory_space<semaphore_mem>>
      %dma_start3A = tpu.memref_slice %arg3[%mul3A_2] : memref<16384xi32, #tpu.memory_space<hbm>> -> memref<512xi32, #tpu.memory_space<hbm>>
      %dma_start3A_13 = tpu.memref_slice %arg3[%mul3A_2] : memref<16384xi32, #tpu.memory_space<hbm>> -> memref<512xi32, #tpu.memory_space<hbm>>
      tpu.enqueue_dma source(%dma_start3A_13 : memref<512xi32, #tpu.memory_space<hbm>>) target(%arg10 : memref<512xi32, #tpu.memory_space<vmem>>) target_semaphore(%run_scoped3A : memref<!tpu.dma_semaphore, #tpu.memory_space<semaphore_mem>>)
      %dma_wait3A = tpu.memref_slice %arg3[%mul3A_2] : memref<16384xi32, #tpu.memory_space<hbm>> -> memref<512xi32, #tpu.memory_space<hbm>>
      %dma_wait3A_14 = tpu.memref_slice %arg3[%mul3A_2] : memref<16384xi32, #tpu.memory_space<hbm>> -> memref<512xi32, #tpu.memory_space<hbm>>
      tpu.wait_dma2 semaphore(%run_scoped3A : memref<!tpu.dma_semaphore, #tpu.memory_space<semaphore_mem>>) src(%dma_wait3A_14 : memref<512xi32, #tpu.memory_space<hbm>>) dst(%arg10 : memref<512xi32, #tpu.memory_space<vmem>>)
      tpu.yield
    }) : () -> ()
    "tpu.region"() ({
      %run_scoped3A = tpu.sem_alloc : memref<!tpu.dma_semaphore, #tpu.memory_space<semaphore_mem>>
      tpu.enqueue_dma source(%arg6 : memref<32xf32, #tpu.memory_space<hbm>>) target(%arg13 : memref<32xf32, #tpu.memory_space<vmem>>) target_semaphore(%run_scoped3A : memref<!tpu.dma_semaphore, #tpu.memory_space<semaphore_mem>>)
      tpu.wait_dma2 semaphore(%run_scoped3A : memref<!tpu.dma_semaphore, #tpu.memory_space<semaphore_mem>>) src(%arg6 : memref<32xf32, #tpu.memory_space<hbm>>) dst(%arg13 : memref<32xf32, #tpu.memory_space<vmem>>)
      tpu.yield
    }) : () -> ()
    "tpu.region"() ({
      %run_scoped3A = tpu.sem_alloc : memref<!tpu.dma_semaphore, #tpu.memory_space<semaphore_mem>>
      tpu.enqueue_dma source(%arg7 : memref<16xf32, #tpu.memory_space<hbm>>) target(%arg14 : memref<16xf32, #tpu.memory_space<vmem>>) target_semaphore(%run_scoped3A : memref<!tpu.dma_semaphore, #tpu.memory_space<semaphore_mem>>)
      tpu.wait_dma2 semaphore(%run_scoped3A : memref<!tpu.dma_semaphore, #tpu.memory_space<semaphore_mem>>) src(%arg7 : memref<16xf32, #tpu.memory_space<hbm>>) dst(%arg14 : memref<16xf32, #tpu.memory_space<vmem>>)
      tpu.yield
    }) : () -> ()
    %iota3A = tpu.iota {dimensions = array<i32: 0>} : vector<16xi32>
    %get3A = arith.constant 0 : index
    %get3A_3 = tpu.vector_load %arg13[%get3A] {strides = array<i32>} : memref<32xf32, #tpu.memory_space<vmem>>, vector<16xf32>,
    %get3A_4 = arith.constant 16 : index
    %get3A_5 = tpu.vector_load %arg13[%get3A_4] {strides = array<i32>} : memref<32xf32, #tpu.memory_space<vmem>>, vector<16xf32>,
    %get3A_6 = arith.constant 0 : index
    %get3A_7 = tpu.vector_load %arg14[%get3A_6] {strides = array<i32>} : memref<16xf32, #tpu.memory_space<vmem>>, vector<16xf32>,
    %scan3A = arith.constant 0 : i32
    %scan3A_8 = arith.constant 0 : i32
    %scan3A_9 = arith.constant 32 : i32
    %scan3A_10 = arith.addi %scan3A_8, %scan3A_9 : i32
    %scan3A_11 = arith.constant 1 : i32
    scf.for %scan3A_13 = %scan3A_8 to %scan3A_10 step %scan3A_11  : i32 {
      %mul3A_14 = arith.constant 16 : i32
      %mul3A_15 = arith.muli %scan3A_13, %mul3A_14 : i32
      %get3A_16 = arith.index_cast %mul3A_15 : i32 to index
      %get3A_17 = tpu.vector_load %arg9[%get3A_16] {strides = array<i32>} : memref<512xi32, #tpu.memory_space<vmem>>, vector<16xi32>,
      %mul3A_18 = arith.constant 16 : i32
      %mul3A_19 = arith.muli %scan3A_13, %mul3A_18 : i32
      %get3A_20 = arith.index_cast %mul3A_19 : i32 to index
      %get3A_21 = tpu.vector_load %arg10[%get3A_20] {strides = array<i32>} : memref<512xi32, #tpu.memory_space<vmem>>, vector<16xi32>,
      %slice3A = vector.extract_strided_slice %get3A_17 {offsets = [0], sizes = [1], strides = [1]} : vector<16xi32> to vector<1xi32>
      %squeeze3A = vector.extract %slice3A[0] : i32 from vector<1xi32>
      %shift_right_arithmetic3A = arith.constant 7 : i32
      %shift_right_arithmetic3A_22 = arith.shrsi %squeeze3A, %shift_right_arithmetic3A : i32
      %mul3A_23 = arith.constant 128 : i32
      %mul3A_24 = arith.muli %shift_right_arithmetic3A_22, %mul3A_23 : i32
      %multiple_of3A = tpu.assume_multiple %mul3A_24, 128 : i32
      %slice3A_25 = vector.extract_strided_slice %get3A_21 {offsets = [0], sizes = [1], strides = [1]} : vector<16xi32> to vector<1xi32>
      %squeeze3A_26 = vector.extract %slice3A_25[0] : i32 from vector<1xi32>
      %shift_right_arithmetic3A_27 = arith.constant 7 : i32
      %shift_right_arithmetic3A_28 = arith.shrsi %squeeze3A_26, %shift_right_arithmetic3A_27 : i32
      %mul3A_29 = arith.constant 128 : i32
      %mul3A_30 = arith.muli %shift_right_arithmetic3A_28, %mul3A_29 : i32
      %multiple_of3A_31 = tpu.assume_multiple %mul3A_30, 128 : i32
      %dma_start3A = arith.constant 0 : i32
      %dma_start3A_32 = arith.constant 0 : i32
      %dma_start3A_33 = arith.constant 0 : i32
      %dma_start3A_34 = tpu.memref_slice %arg11[%dma_start3A, %dma_start3A_32, %dma_start3A_33] : memref<8x32x128xf32, #tpu.memory_space<vmem>> -> memref<1x32x128xf32, #tpu.memory_space<vmem>>
      %dma_start3A_35 = tpu.memref_squeeze %dma_start3A_34 : memref<1x32x128xf32, #tpu.memory_space<vmem>> -> memref<32x128xf32, #tpu.memory_space<vmem>>
      %dma_start3A_36 = arith.constant 0 : i32
      %dma_start3A_37 = tpu.memref_slice %arg4[%dma_start3A_36, %multiple_of3A] : memref<32x1000000xf32, #tpu.memory_space<hbm>> -> memref<32x128xf32, #tpu.memory_space<hbm>>
      %dma_start3A_38 = arith.constant 0 : i32
      %dma_start3A_39 = arith.constant 0 : i32
      %dma_start3A_40 = tpu.memref_slice %arg11[%dma_start3A, %dma_start3A_38, %dma_start3A_39] : memref<8x32x128xf32, #tpu.memory_space<vmem>> -> memref<1x32x128xf32, #tpu.memory_space<vmem>>
      %dma_start3A_41 = tpu.memref_squeeze %dma_start3A_40 : memref<1x32x128xf32, #tpu.memory_space<vmem>> -> memref<32x128xf32, #tpu.memory_space<vmem>>
      %dma_start3A_42 = arith.constant 0 : i32
      %dma_start3A_43 = tpu.memref_slice %arg4[%dma_start3A_42, %multiple_of3A] : memref<32x1000000xf32, #tpu.memory_space<hbm>> -> memref<32x128xf32, #tpu.memory_space<hbm>>
      tpu.enqueue_dma source(%dma_start3A_43 : memref<32x128xf32, #tpu.memory_space<hbm>>) target(%dma_start3A_41 : memref<32x128xf32, #tpu.memory_space<vmem>>) target_semaphore(%arg16 : memref<!tpu.dma_semaphore, #tpu.memory_space<semaphore_mem>>)
      %dma_start3A_44 = arith.constant 0 : i32
      %dma_start3A_45 = arith.constant 0 : i32
      %dma_start3A_46 = arith.constant 0 : i32
      %dma_start3A_47 = tpu.memref_slice %arg12[%dma_start3A_44, %dma_start3A_45, %dma_start3A_46] : memref<8x32x128xf32, #tpu.memory_space<vmem>> -> memref<1x32x128xf32, #tpu.memory_space<vmem>>
      %dma_start3A_48 = tpu.memref_squeeze %dma_start3A_47 : memref<1x32x128xf32, #tpu.memory_space<vmem>> -> memref<32x128xf32, #tpu.memory_space<vmem>>
      %dma_start3A_49 = arith.constant 0 : i32
      %dma_start3A_50 = tpu.memref_slice %arg5[%dma_start3A_49, %multiple_of3A_31] : memref<32x1000000xf32, #tpu.memory_space<hbm>> -> memref<32x128xf32, #tpu.memory_space<hbm>>
      %dma_start3A_51 = arith.constant 0 : i32
      %dma_start3A_52 = arith.constant 0 : i32
      %dma_start3A_53 = tpu.memref_slice %arg12[%dma_start3A_44, %dma_start3A_51, %dma_start3A_52] : memref<8x32x128xf32, #tpu.memory_space<vmem>> -> memref<1x32x128xf32, #tpu.memory_space<vmem>>
      %dma_start3A_54 = tpu.memref_squeeze %dma_start3A_53 : memref<1x32x128xf32, #tpu.memory_space<vmem>> -> memref<32x128xf32, #tpu.memory_space<vmem>>
      %dma_start3A_55 = arith.constant 0 : i32
      %dma_start3A_56 = tpu.memref_slice %arg5[%dma_start3A_55, %multiple_of3A_31] : memref<32x1000000xf32, #tpu.memory_space<hbm>> -> memref<32x128xf32, #tpu.memory_space<hbm>>
      tpu.enqueue_dma source(%dma_start3A_56 : memref<32x128xf32, #tpu.memory_space<hbm>>) target(%dma_start3A_54 : memref<32x128xf32, #tpu.memory_space<vmem>>) target_semaphore(%arg16 : memref<!tpu.dma_semaphore, #tpu.memory_space<semaphore_mem>>)
      %slice3A_57 = vector.extract_strided_slice %get3A_17 {offsets = [1], sizes = [1], strides = [1]} : vector<16xi32> to vector<1xi32>
      %squeeze3A_58 = vector.extract %slice3A_57[0] : i32 from vector<1xi32>
      %shift_right_arithmetic3A_59 = arith.constant 7 : i32
      %shift_right_arithmetic3A_60 = arith.shrsi %squeeze3A_58, %shift_right_arithmetic3A_59 : i32
      %mul3A_61 = arith.constant 128 : i32
      %mul3A_62 = arith.muli %shift_right_arithmetic3A_60, %mul3A_61 : i32
      %multiple_of3A_63 = tpu.assume_multiple %mul3A_62, 128 : i32
      %slice3A_64 = vector.extract_strided_slice %get3A_21 {offsets = [1], sizes = [1], strides = [1]} : vector<16xi32> to vector<1xi32>
      %squeeze3A_65 = vector.extract %slice3A_64[0] : i32 from vector<1xi32>
      %shift_right_arithmetic3A_66 = arith.constant 7 : i32
      %shift_right_arithmetic3A_67 = arith.shrsi %squeeze3A_65, %shift_right_arithmetic3A_66 : i32
      %mul3A_68 = arith.constant 128 : i32
      %mul3A_69 = arith.muli %shift_right_arithmetic3A_67, %mul3A_68 : i32
      %multiple_of3A_70 = tpu.assume_multiple %mul3A_69, 128 : i32
      %dma_start3A_71 = arith.constant 1 : i32
      %dma_start3A_72 = arith.constant 0 : i32
      %dma_start3A_73 = arith.constant 0 : i32
      %dma_start3A_74 = tpu.memref_slice %arg11[%dma_start3A_71, %dma_start3A_72, %dma_start3A_73] : memref<8x32x128xf32, #tpu.memory_space<vmem>> -> memref<1x32x128xf32, #tpu.memory_space<vmem>>
      %dma_start3A_75 = tpu.memref_squeeze %dma_start3A_74 : memref<1x32x128xf32, #tpu.memory_space<vmem>> -> memref<32x128xf32, #tpu.memory_space<vmem>>
      %dma_start3A_76 = arith.constant 0 : i32
      %dma_start3A_77 = tpu.memref_slice %arg4[%dma_start3A_76, %multiple_of3A_63] : memref<32x1000000xf32, #tpu.memory_space<hbm>> -> memref<32x128xf32, #tpu.memory_space<hbm>>
      %dma_start3A_78 = arith.constant 0 : i32
      %dma_start3A_79 = arith.constant 0 : i32
      %dma_start3A_80 = tpu.memref_slice %arg11[%dma_start3A_71, %dma_start3A_78, %dma_start3A_79] : memref<8x32x128xf32, #tpu.memory_space<vmem>> -> memref<1x32x128xf32, #tpu.memory_space<vmem>>
      %dma_start3A_81 = tpu.memref_squeeze %dma_start3A_80 : memref<1x32x128xf32, #tpu.memory_space<vmem>> -> memref<32x128xf32, #tpu.memory_space<vmem>>
      %dma_start3A_82 = arith.constant 0 : i32
      %dma_start3A_83 = tpu.memref_slice %arg4[%dma_start3A_82, %multiple_of3A_63] : memref<32x1000000xf32, #tpu.memory_space<hbm>> -> memref<32x128xf32, #tpu.memory_space<hbm>>
      tpu.enqueue_dma source(%dma_start3A_83 : memref<32x128xf32, #tpu.memory_space<hbm>>) target(%dma_start3A_81 : memref<32x128xf32, #tpu.memory_space<vmem>>) target_semaphore(%arg16 : memref<!tpu.dma_semaphore, #tpu.memory_space<semaphore_mem>>)
      %dma_start3A_84 = arith.constant 1 : i32
      %dma_start3A_85 = arith.constant 0 : i32
      %dma_start3A_86 = arith.constant 0 : i32
      %dma_start3A_87 = tpu.memref_slice %arg12[%dma_start3A_84, %dma_start3A_85, %dma_start3A_86] : memref<8x32x128xf32, #tpu.memory_space<vmem>> -> memref<1x32x128xf32, #tpu.memory_space<vmem>>
      %dma_start3A_88 = tpu.memref_squeeze %dma_start3A_87 : memref<1x32x128xf32, #tpu.memory_space<vmem>> -> memref<32x128xf32, #tpu.memory_space<vmem>>
      %dma_start3A_89 = arith.constant 0 : i32
      %dma_start3A_90 = tpu.memref_slice %arg5[%dma_start3A_89, %multiple_of3A_70] : memref<32x1000000xf32, #tpu.memory_space<hbm>> -> memref<32x128xf32, #tpu.memory_space<hbm>>
      %dma_start3A_91 = arith.constant 0 : i32
      %dma_start3A_92 = arith.constant 0 : i32
      %dma_start3A_93 = tpu.memref_slice %arg12[%dma_start3A_84, %dma_start3A_91, %dma_start3A_92] : memref<8x32x128xf32, #tpu.memory_space<vmem>> -> memref<1x32x128xf32, #tpu.memory_space<vmem>>
      %dma_start3A_94 = tpu.memref_squeeze %dma_start3A_93 : memref<1x32x128xf32, #tpu.memory_space<vmem>> -> memref<32x128xf32, #tpu.memory_space<vmem>>
      %dma_start3A_95 = arith.constant 0 : i32
      %dma_start3A_96 = tpu.memref_slice %arg5[%dma_start3A_95, %multiple_of3A_70] : memref<32x1000000xf32, #tpu.memory_space<hbm>> -> memref<32x128xf32, #tpu.memory_space<hbm>>
      tpu.enqueue_dma source(%dma_start3A_96 : memref<32x128xf32, #tpu.memory_space<hbm>>) target(%dma_start3A_94 : memref<32x128xf32, #tpu.memory_space<vmem>>) target_semaphore(%arg16 : memref<!tpu.dma_semaphore, #tpu.memory_space<semaphore_mem>>)
      %slice3A_97 = vector.extract_strided_slice %get3A_17 {offsets = [2], sizes = [1], strides = [1]} : vector<16xi32> to vector<1xi32>
      %squeeze3A_98 = vector.extract %slice3A_97[0] : i32 from vector<1xi32>
      %shift_right_arithmetic3A_99 = arith.constant 7 : i32
      %shift_right_arithmetic3A_100 = arith.shrsi %squeeze3A_98, %shift_right_arithmetic3A_99 : i32
      %mul3A_101 = arith.constant 128 : i32
      %mul3A_102 = arith.muli %shift_right_arithmetic3A_100, %mul3A_101 : i32
      %multiple_of3A_103 = tpu.assume_multiple %mul3A_102, 128 : i32
      %slice3A_104 = vector.extract_strided_slice %get3A_21 {offsets = [2], sizes = [1], strides = [1]} : vector<16xi32> to vector<1xi32>
      %squeeze3A_105 = vector.extract %slice3A_104[0] : i32 from vector<1xi32>
      %shift_right_arithmetic3A_106 = arith.constant 7 : i32
      %shift_right_arithmetic3A_107 = arith.shrsi %squeeze3A_105, %shift_right_arithmetic3A_106 : i32
      %mul3A_108 = arith.constant 128 : i32
      %mul3A_109 = arith.muli %shift_right_arithmetic3A_107, %mul3A_108 : i32
      %multiple_of3A_110 = tpu.assume_multiple %mul3A_109, 128 : i32
      %dma_start3A_111 = arith.constant 2 : i32
      %dma_start3A_112 = arith.constant 0 : i32
      %dma_start3A_113 = arith.constant 0 : i32
      %dma_start3A_114 = tpu.memref_slice %arg11[%dma_start3A_111, %dma_start3A_112, %dma_start3A_113] : memref<8x32x128xf32, #tpu.memory_space<vmem>> -> memref<1x32x128xf32, #tpu.memory_space<vmem>>
      %dma_start3A_115 = tpu.memref_squeeze %dma_start3A_114 : memref<1x32x128xf32, #tpu.memory_space<vmem>> -> memref<32x128xf32, #tpu.memory_space<vmem>>
      %dma_start3A_116 = arith.constant 0 : i32
      %dma_start3A_117 = tpu.memref_slice %arg4[%dma_start3A_116, %multiple_of3A_103] : memref<32x1000000xf32, #tpu.memory_space<hbm>> -> memref<32x128xf32, #tpu.memory_space<hbm>>
      %dma_start3A_118 = arith.constant 0 : i32
      %dma_start3A_119 = arith.constant 0 : i32
      %dma_start3A_120 = tpu.memref_slice %arg11[%dma_start3A_111, %dma_start3A_118, %dma_start3A_119] : memref<8x32x128xf32, #tpu.memory_space<vmem>> -> memref<1x32x128xf32, #tpu.memory_space<vmem>>
      %dma_start3A_121 = tpu.memref_squeeze %dma_start3A_120 : memref<1x32x128xf32, #tpu.memory_space<vmem>> -> memref<32x128xf32, #tpu.memory_space<vmem>>
      %dma_start3A_122 = arith.constant 0 : i32
      %dma_start3A_123 = tpu.memref_slice %arg4[%dma_start3A_122, %multiple_of3A_103] : memref<32x1000000xf32, #tpu.memory_space<hbm>> -> memref<32x128xf32, #tpu.memory_space<hbm>>
      tpu.enqueue_dma source(%dma_start3A_123 : memref<32x128xf32, #tpu.memory_space<hbm>>) target(%dma_start3A_121 : memref<32x128xf32, #tpu.memory_space<vmem>>) target_semaphore(%arg16 : memref<!tpu.dma_semaphore, #tpu.memory_space<semaphore_mem>>)
      %dma_start3A_124 = arith.constant 2 : i32
      %dma_start3A_125 = arith.constant 0 : i32
      %dma_start3A_126 = arith.constant 0 : i32
      %dma_start3A_127 = tpu.memref_slice %arg12[%dma_start3A_124, %dma_start3A_125, %dma_start3A_126] : memref<8x32x128xf32, #tpu.memory_space<vmem>> -> memref<1x32x128xf32, #tpu.memory_space<vmem>>
      %dma_start3A_128 = tpu.memref_squeeze %dma_start3A_127 : memref<1x32x128xf32, #tpu.memory_space<vmem>> -> memref<32x128xf32, #tpu.memory_space<vmem>>
      %dma_start3A_129 = arith.constant 0 : i32
      %dma_start3A_130 = tpu.memref_slice %arg5[%dma_start3A_129, %multiple_of3A_110] : memref<32x1000000xf32, #tpu.memory_space<hbm>> -> memref<32x128xf32, #tpu.memory_space<hbm>>
      %dma_start3A_131 = arith.constant 0 : i32
      %dma_start3A_132 = arith.constant 0 : i32
      %dma_start3A_133 = tpu.memref_slice %arg12[%dma_start3A_124, %dma_start3A_131, %dma_start3A_132] : memref<8x32x128xf32, #tpu.memory_space<vmem>> -> memref<1x32x128xf32, #tpu.memory_space<vmem>>
      %dma_start3A_134 = tpu.memref_squeeze %dma_start3A_133 : memref<1x32x128xf32, #tpu.memory_space<vmem>> -> memref<32x128xf32, #tpu.memory_space<vmem>>
      %dma_start3A_135 = arith.constant 0 : i32
      %dma_start3A_136 = tpu.memref_slice %arg5[%dma_start3A_135, %multiple_of3A_110] : memref<32x1000000xf32, #tpu.memory_space<hbm>> -> memref<32x128xf32, #tpu.memory_space<hbm>>
      tpu.enqueue_dma source(%dma_start3A_136 : memref<32x128xf32, #tpu.memory_space<hbm>>) target(%dma_start3A_134 : memref<32x128xf32, #tpu.memory_space<vmem>>) target_semaphore(%arg16 : memref<!tpu.dma_semaphore, #tpu.memory_space<semaphore_mem>>)
      %slice3A_137 = vector.extract_strided_slice %get3A_17 {offsets = [3], sizes = [1], strides = [1]} : vector<16xi32> to vector<1xi32>
      %squeeze3A_138 = vector.extract %slice3A_137[0] : i32 from vector<1xi32>
      %shift_right_arithmetic3A_139 = arith.constant 7 : i32
      %shift_right_arithmetic3A_140 = arith.shrsi %squeeze3A_138, %shift_right_arithmetic3A_139 : i32
      %mul3A_141 = arith.constant 128 : i32
      %mul3A_142 = arith.muli %shift_right_arithmetic3A_140, %mul3A_141 : i32
      %multiple_of3A_143 = tpu.assume_multiple %mul3A_142, 128 : i32
      %slice3A_144 = vector.extract_strided_slice %get3A_21 {offsets = [3], sizes = [1], strides = [1]} : vector<16xi32> to vector<1xi32>
      %squeeze3A_145 = vector.extract %slice3A_144[0] : i32 from vector<1xi32>
      %shift_right_arithmetic3A_146 = arith.constant 7 : i32
      %shift_right_arithmetic3A_147 = arith.shrsi %squeeze3A_145, %shift_right_arithmetic3A_146 : i32
      %mul3A_148 = arith.constant 128 : i32
      %mul3A_149 = arith.muli %shift_right_arithmetic3A_147, %mul3A_148 : i32
      %multiple_of3A_150 = tpu.assume_multiple %mul3A_149, 128 : i32
      %dma_start3A_151 = arith.constant 3 : i32
      %dma_start3A_152 = arith.constant 0 : i32
      %dma_start3A_153 = arith.constant 0 : i32
      %dma_start3A_154 = tpu.memref_slice %arg11[%dma_start3A_151, %dma_start3A_152, %dma_start3A_153] : memref<8x32x128xf32, #tpu.memory_space<vmem>> -> memref<1x32x128xf32, #tpu.memory_space<vmem>>
      %dma_start3A_155 = tpu.memref_squeeze %dma_start3A_154 : memref<1x32x128xf32, #tpu.memory_space<vmem>> -> memref<32x128xf32, #tpu.memory_space<vmem>>
      %dma_start3A_156 = arith.constant 0 : i32
      %dma_start3A_157 = tpu.memref_slice %arg4[%dma_start3A_156, %multiple_of3A_143] : memref<32x1000000xf32, #tpu.memory_space<hbm>> -> memref<32x128xf32, #tpu.memory_space<hbm>>
      %dma_start3A_158 = arith.constant 0 : i32
      %dma_start3A_159 = arith.constant 0 : i32
      %dma_start3A_160 = tpu.memref_slice %arg11[%dma_start3A_151, %dma_start3A_158, %dma_start3A_159] : memref<8x32x128xf32, #tpu.memory_space<vmem>> -> memref<1x32x128xf32, #tpu.memory_space<vmem>>
      %dma_start3A_161 = tpu.memref_squeeze %dma_start3A_160 : memref<1x32x128xf32, #tpu.memory_space<vmem>> -> memref<32x128xf32, #tpu.memory_space<vmem>>
      %dma_start3A_162 = arith.constant 0 : i32
      %dma_start3A_163 = tpu.memref_slice %arg4[%dma_start3A_162, %multiple_of3A_143] : memref<32x1000000xf32, #tpu.memory_space<hbm>> -> memref<32x128xf32, #tpu.memory_space<hbm>>
      tpu.enqueue_dma source(%dma_start3A_163 : memref<32x128xf32, #tpu.memory_space<hbm>>) target(%dma_start3A_161 : memref<32x128xf32, #tpu.memory_space<vmem>>) target_semaphore(%arg16 : memref<!tpu.dma_semaphore, #tpu.memory_space<semaphore_mem>>)
      %dma_start3A_164 = arith.constant 3 : i32
      %dma_start3A_165 = arith.constant 0 : i32
      %dma_start3A_166 = arith.constant 0 : i32
      %dma_start3A_167 = tpu.memref_slice %arg12[%dma_start3A_164, %dma_start3A_165, %dma_start3A_166] : memref<8x32x128xf32, #tpu.memory_space<vmem>> -> memref<1x32x128xf32, #tpu.memory_space<vmem>>
      %dma_start3A_168 = tpu.memref_squeeze %dma_start3A_167 : memref<1x32x128xf32, #tpu.memory_space<vmem>> -> memref<32x128xf32, #tpu.memory_space<vmem>>
      %dma_start3A_169 = arith.constant 0 : i32
      %dma_start3A_170 = tpu.memref_slice %arg5[%dma_start3A_169, %multiple_of3A_150] : memref<32x1000000xf32, #tpu.memory_space<hbm>> -> memref<32x128xf32, #tpu.memory_space<hbm>>
      %dma_start3A_171 = arith.constant 0 : i32
      %dma_start3A_172 = arith.constant 0 : i32
      %dma_start3A_173 = tpu.memref_slice %arg12[%dma_start3A_164, %dma_start3A_171, %dma_start3A_172] : memref<8x32x128xf32, #tpu.memory_space<vmem>> -> memref<1x32x128xf32, #tpu.memory_space<vmem>>
      %dma_start3A_174 = tpu.memref_squeeze %dma_start3A_173 : memref<1x32x128xf32, #tpu.memory_space<vmem>> -> memref<32x128xf32, #tpu.memory_space<vmem>>
      %dma_start3A_175 = arith.constant 0 : i32
      %dma_start3A_176 = tpu.memref_slice %arg5[%dma_start3A_175, %multiple_of3A_150] : memref<32x1000000xf32, #tpu.memory_space<hbm>> -> memref<32x128xf32, #tpu.memory_space<hbm>>
      tpu.enqueue_dma source(%dma_start3A_176 : memref<32x128xf32, #tpu.memory_space<hbm>>) target(%dma_start3A_174 : memref<32x128xf32, #tpu.memory_space<vmem>>) target_semaphore(%arg16 : memref<!tpu.dma_semaphore, #tpu.memory_space<semaphore_mem>>)
      %slice3A_177 = vector.extract_strided_slice %get3A_17 {offsets = [4], sizes = [1], strides = [1]} : vector<16xi32> to vector<1xi32>
      %squeeze3A_178 = vector.extract %slice3A_177[0] : i32 from vector<1xi32>
      %shift_right_arithmetic3A_179 = arith.constant 7 : i32
      %shift_right_arithmetic3A_180 = arith.shrsi %squeeze3A_178, %shift_right_arithmetic3A_179 : i32
      %mul3A_181 = arith.constant 128 : i32
      %mul3A_182 = arith.muli %shift_right_arithmetic3A_180, %mul3A_181 : i32
      %multiple_of3A_183 = tpu.assume_multiple %mul3A_182, 128 : i32
      %slice3A_184 = vector.extract_strided_slice %get3A_21 {offsets = [4], sizes = [1], strides = [1]} : vector<16xi32> to vector<1xi32>
      %squeeze3A_185 = vector.extract %slice3A_184[0] : i32 from vector<1xi32>
      %shift_right_arithmetic3A_186 = arith.constant 7 : i32
      %shift_right_arithmetic3A_187 = arith.shrsi %squeeze3A_185, %shift_right_arithmetic3A_186 : i32
      %mul3A_188 = arith.constant 128 : i32
      %mul3A_189 = arith.muli %shift_right_arithmetic3A_187, %mul3A_188 : i32
      %multiple_of3A_190 = tpu.assume_multiple %mul3A_189, 128 : i32
      %dma_start3A_191 = arith.constant 4 : i32
      %dma_start3A_192 = arith.constant 0 : i32
      %dma_start3A_193 = arith.constant 0 : i32
      %dma_start3A_194 = tpu.memref_slice %arg11[%dma_start3A_191, %dma_start3A_192, %dma_start3A_193] : memref<8x32x128xf32, #tpu.memory_space<vmem>> -> memref<1x32x128xf32, #tpu.memory_space<vmem>>
      %dma_start3A_195 = tpu.memref_squeeze %dma_start3A_194 : memref<1x32x128xf32, #tpu.memory_space<vmem>> -> memref<32x128xf32, #tpu.memory_space<vmem>>
      %dma_start3A_196 = arith.constant 0 : i32
      %dma_start3A_197 = tpu.memref_slice %arg4[%dma_start3A_196, %multiple_of3A_183] : memref<32x1000000xf32, #tpu.memory_space<hbm>> -> memref<32x128xf32, #tpu.memory_space<hbm>>
      %dma_start3A_198 = arith.constant 0 : i32
      %dma_start3A_199 = arith.constant 0 : i32
      %dma_start3A_200 = tpu.memref_slice %arg11[%dma_start3A_191, %dma_start3A_198, %dma_start3A_199] : memref<8x32x128xf32, #tpu.memory_space<vmem>> -> memref<1x32x128xf32, #tpu.memory_space<vmem>>
      %dma_start3A_201 = tpu.memref_squeeze %dma_start3A_200 : memref<1x32x128xf32, #tpu.memory_space<vmem>> -> memref<32x128xf32, #tpu.memory_space<vmem>>
      %dma_start3A_202 = arith.constant 0 : i32
      %dma_start3A_203 = tpu.memref_slice %arg4[%dma_start3A_202, %multiple_of3A_183] : memref<32x1000000xf32, #tpu.memory_space<hbm>> -> memref<32x128xf32, #tpu.memory_space<hbm>>
      tpu.enqueue_dma source(%dma_start3A_203 : memref<32x128xf32, #tpu.memory_space<hbm>>) target(%dma_start3A_201 : memref<32x128xf32, #tpu.memory_space<vmem>>) target_semaphore(%arg17 : memref<!tpu.dma_semaphore, #tpu.memory_space<semaphore_mem>>)
      %dma_start3A_204 = arith.constant 4 : i32
      %dma_start3A_205 = arith.constant 0 : i32
      %dma_start3A_206 = arith.constant 0 : i32
      %dma_start3A_207 = tpu.memref_slice %arg12[%dma_start3A_204, %dma_start3A_205, %dma_start3A_206] : memref<8x32x128xf32, #tpu.memory_space<vmem>> -> memref<1x32x128xf32, #tpu.memory_space<vmem>>
      %dma_start3A_208 = tpu.memref_squeeze %dma_start3A_207 : memref<1x32x128xf32, #tpu.memory_space<vmem>> -> memref<32x128xf32, #tpu.memory_space<vmem>>
      %dma_start3A_209 = arith.constant 0 : i32
      %dma_start3A_210 = tpu.memref_slice %arg5[%dma_start3A_209, %multiple_of3A_190] : memref<32x1000000xf32, #tpu.memory_space<hbm>> -> memref<32x128xf32, #tpu.memory_space<hbm>>
      %dma_start3A_211 = arith.constant 0 : i32
      %dma_start3A_212 = arith.constant 0 : i32
      %dma_start3A_213 = tpu.memref_slice %arg12[%dma_start3A_204, %dma_start3A_211, %dma_start3A_212] : memref<8x32x128xf32, #tpu.memory_space<vmem>> -> memref<1x32x128xf32, #tpu.memory_space<vmem>>
      %dma_start3A_214 = tpu.memref_squeeze %dma_start3A_213 : memref<1x32x128xf32, #tpu.memory_space<vmem>> -> memref<32x128xf32, #tpu.memory_space<vmem>>
      %dma_start3A_215 = arith.constant 0 : i32
      %dma_start3A_216 = tpu.memref_slice %arg5[%dma_start3A_215, %multiple_of3A_190] : memref<32x1000000xf32, #tpu.memory_space<hbm>> -> memref<32x128xf32, #tpu.memory_space<hbm>>
      tpu.enqueue_dma source(%dma_start3A_216 : memref<32x128xf32, #tpu.memory_space<hbm>>) target(%dma_start3A_214 : memref<32x128xf32, #tpu.memory_space<vmem>>) target_semaphore(%arg17 : memref<!tpu.dma_semaphore, #tpu.memory_space<semaphore_mem>>)
      %slice3A_217 = vector.extract_strided_slice %get3A_17 {offsets = [5], sizes = [1], strides = [1]} : vector<16xi32> to vector<1xi32>
      %squeeze3A_218 = vector.extract %slice3A_217[0] : i32 from vector<1xi32>
      %shift_right_arithmetic3A_219 = arith.constant 7 : i32
      %shift_right_arithmetic3A_220 = arith.shrsi %squeeze3A_218, %shift_right_arithmetic3A_219 : i32
      %mul3A_221 = arith.constant 128 : i32
      %mul3A_222 = arith.muli %shift_right_arithmetic3A_220, %mul3A_221 : i32
      %multiple_of3A_223 = tpu.assume_multiple %mul3A_222, 128 : i32
      %slice3A_224 = vector.extract_strided_slice %get3A_21 {offsets = [5], sizes = [1], strides = [1]} : vector<16xi32> to vector<1xi32>
      %squeeze3A_225 = vector.extract %slice3A_224[0] : i32 from vector<1xi32>
      %shift_right_arithmetic3A_226 = arith.constant 7 : i32
      %shift_right_arithmetic3A_227 = arith.shrsi %squeeze3A_225, %shift_right_arithmetic3A_226 : i32
      %mul3A_228 = arith.constant 128 : i32
      %mul3A_229 = arith.muli %shift_right_arithmetic3A_227, %mul3A_228 : i32
      %multiple_of3A_230 = tpu.assume_multiple %mul3A_229, 128 : i32
      %dma_start3A_231 = arith.constant 5 : i32
      %dma_start3A_232 = arith.constant 0 : i32
      %dma_start3A_233 = arith.constant 0 : i32
      %dma_start3A_234 = tpu.memref_slice %arg11[%dma_start3A_231, %dma_start3A_232, %dma_start3A_233] : memref<8x32x128xf32, #tpu.memory_space<vmem>> -> memref<1x32x128xf32, #tpu.memory_space<vmem>>
      %dma_start3A_235 = tpu.memref_squeeze %dma_start3A_234 : memref<1x32x128xf32, #tpu.memory_space<vmem>> -> memref<32x128xf32, #tpu.memory_space<vmem>>
      %dma_start3A_236 = arith.constant 0 : i32
      %dma_start3A_237 = tpu.memref_slice %arg4[%dma_start3A_236, %multiple_of3A_223] : memref<32x1000000xf32, #tpu.memory_space<hbm>> -> memref<32x128xf32, #tpu.memory_space<hbm>>
      %dma_start3A_238 = arith.constant 0 : i32
      %dma_start3A_239 = arith.constant 0 : i32
      %dma_start3A_240 = tpu.memref_slice %arg11[%dma_start3A_231, %dma_start3A_238, %dma_start3A_239] : memref<8x32x128xf32, #tpu.memory_space<vmem>> -> memref<1x32x128xf32, #tpu.memory_space<vmem>>
      %dma_start3A_241 = tpu.memref_squeeze %dma_start3A_240 : memref<1x32x128xf32, #tpu.memory_space<vmem>> -> memref<32x128xf32, #tpu.memory_space<vmem>>
      %dma_start3A_242 = arith.constant 0 : i32
      %dma_start3A_243 = tpu.memref_slice %arg4[%dma_start3A_242, %multiple_of3A_223] : memref<32x1000000xf32, #tpu.memory_space<hbm>> -> memref<32x128xf32, #tpu.memory_space<hbm>>
      tpu.enqueue_dma source(%dma_start3A_243 : memref<32x128xf32, #tpu.memory_space<hbm>>) target(%dma_start3A_241 : memref<32x128xf32, #tpu.memory_space<vmem>>) target_semaphore(%arg17 : memref<!tpu.dma_semaphore, #tpu.memory_space<semaphore_mem>>)
      %dma_start3A_244 = arith.constant 5 : i32
      %dma_start3A_245 = arith.constant 0 : i32
      %dma_start3A_246 = arith.constant 0 : i32
      %dma_start3A_247 = tpu.memref_slice %arg12[%dma_start3A_244, %dma_start3A_245, %dma_start3A_246] : memref<8x32x128xf32, #tpu.memory_space<vmem>> -> memref<1x32x128xf32, #tpu.memory_space<vmem>>
      %dma_start3A_248 = tpu.memref_squeeze %dma_start3A_247 : memref<1x32x128xf32, #tpu.memory_space<vmem>> -> memref<32x128xf32, #tpu.memory_space<vmem>>
      %dma_start3A_249 = arith.constant 0 : i32
      %dma_start3A_250 = tpu.memref_slice %arg5[%dma_start3A_249, %multiple_of3A_230] : memref<32x1000000xf32, #tpu.memory_space<hbm>> -> memref<32x128xf32, #tpu.memory_space<hbm>>
      %dma_start3A_251 = arith.constant 0 : i32
      %dma_start3A_252 = arith.constant 0 : i32
      %dma_start3A_253 = tpu.memref_slice %arg12[%dma_start3A_244, %dma_start3A_251, %dma_start3A_252] : memref<8x32x128xf32, #tpu.memory_space<vmem>> -> memref<1x32x128xf32, #tpu.memory_space<vmem>>
      %dma_start3A_254 = tpu.memref_squeeze %dma_start3A_253 : memref<1x32x128xf32, #tpu.memory_space<vmem>> -> memref<32x128xf32, #tpu.memory_space<vmem>>
      %dma_start3A_255 = arith.constant 0 : i32
      %dma_start3A_256 = tpu.memref_slice %arg5[%dma_start3A_255, %multiple_of3A_230] : memref<32x1000000xf32, #tpu.memory_space<hbm>> -> memref<32x128xf32, #tpu.memory_space<hbm>>
      tpu.enqueue_dma source(%dma_start3A_256 : memref<32x128xf32, #tpu.memory_space<hbm>>) target(%dma_start3A_254 : memref<32x128xf32, #tpu.memory_space<vmem>>) target_semaphore(%arg17 : memref<!tpu.dma_semaphore, #tpu.memory_space<semaphore_mem>>)
      %slice3A_257 = vector.extract_strided_slice %get3A_17 {offsets = [6], sizes = [1], strides = [1]} : vector<16xi32> to vector<1xi32>
      %squeeze3A_258 = vector.extract %slice3A_257[0] : i32 from vector<1xi32>
      %shift_right_arithmetic3A_259 = arith.constant 7 : i32
      %shift_right_arithmetic3A_260 = arith.shrsi %squeeze3A_258, %shift_right_arithmetic3A_259 : i32
      %mul3A_261 = arith.constant 128 : i32
      %mul3A_262 = arith.muli %shift_right_arithmetic3A_260, %mul3A_261 : i32
      %multiple_of3A_263 = tpu.assume_multiple %mul3A_262, 128 : i32
      %slice3A_264 = vector.extract_strided_slice %get3A_21 {offsets = [6], sizes = [1], strides = [1]} : vector<16xi32> to vector<1xi32>
      %squeeze3A_265 = vector.extract %slice3A_264[0] : i32 from vector<1xi32>
      %shift_right_arithmetic3A_266 = arith.constant 7 : i32
      %shift_right_arithmetic3A_267 = arith.shrsi %squeeze3A_265, %shift_right_arithmetic3A_266 : i32
      %mul3A_268 = arith.constant 128 : i32
      %mul3A_269 = arith.muli %shift_right_arithmetic3A_267, %mul3A_268 : i32
      %multiple_of3A_270 = tpu.assume_multiple %mul3A_269, 128 : i32
      %dma_start3A_271 = arith.constant 6 : i32
      %dma_start3A_272 = arith.constant 0 : i32
      %dma_start3A_273 = arith.constant 0 : i32
      %dma_start3A_274 = tpu.memref_slice %arg11[%dma_start3A_271, %dma_start3A_272, %dma_start3A_273] : memref<8x32x128xf32, #tpu.memory_space<vmem>> -> memref<1x32x128xf32, #tpu.memory_space<vmem>>
      %dma_start3A_275 = tpu.memref_squeeze %dma_start3A_274 : memref<1x32x128xf32, #tpu.memory_space<vmem>> -> memref<32x128xf32, #tpu.memory_space<vmem>>
      %dma_start3A_276 = arith.constant 0 : i32
      %dma_start3A_277 = tpu.memref_slice %arg4[%dma_start3A_276, %multiple_of3A_263] : memref<32x1000000xf32, #tpu.memory_space<hbm>> -> memref<32x128xf32, #tpu.memory_space<hbm>>
      %dma_start3A_278 = arith.constant 0 : i32
      %dma_start3A_279 = arith.constant 0 : i32
      %dma_start3A_280 = tpu.memref_slice %arg11[%dma_start3A_271, %dma_start3A_278, %dma_start3A_279] : memref<8x32x128xf32, #tpu.memory_space<vmem>> -> memref<1x32x128xf32, #tpu.memory_space<vmem>>
      %dma_start3A_281 = tpu.memref_squeeze %dma_start3A_280 : memref<1x32x128xf32, #tpu.memory_space<vmem>> -> memref<32x128xf32, #tpu.memory_space<vmem>>
      %dma_start3A_282 = arith.constant 0 : i32
      %dma_start3A_283 = tpu.memref_slice %arg4[%dma_start3A_282, %multiple_of3A_263] : memref<32x1000000xf32, #tpu.memory_space<hbm>> -> memref<32x128xf32, #tpu.memory_space<hbm>>
      tpu.enqueue_dma source(%dma_start3A_283 : memref<32x128xf32, #tpu.memory_space<hbm>>) target(%dma_start3A_281 : memref<32x128xf32, #tpu.memory_space<vmem>>) target_semaphore(%arg17 : memref<!tpu.dma_semaphore, #tpu.memory_space<semaphore_mem>>)
      %dma_start3A_284 = arith.constant 6 : i32
      %dma_start3A_285 = arith.constant 0 : i32
      %dma_start3A_286 = arith.constant 0 : i32
      %dma_start3A_287 = tpu.memref_slice %arg12[%dma_start3A_284, %dma_start3A_285, %dma_start3A_286] : memref<8x32x128xf32, #tpu.memory_space<vmem>> -> memref<1x32x128xf32, #tpu.memory_space<vmem>>
      %dma_start3A_288 = tpu.memref_squeeze %dma_start3A_287 : memref<1x32x128xf32, #tpu.memory_space<vmem>> -> memref<32x128xf32, #tpu.memory_space<vmem>>
      %dma_start3A_289 = arith.constant 0 : i32
      %dma_start3A_290 = tpu.memref_slice %arg5[%dma_start3A_289, %multiple_of3A_270] : memref<32x1000000xf32, #tpu.memory_space<hbm>> -> memref<32x128xf32, #tpu.memory_space<hbm>>
      %dma_start3A_291 = arith.constant 0 : i32
      %dma_start3A_292 = arith.constant 0 : i32
      %dma_start3A_293 = tpu.memref_slice %arg12[%dma_start3A_284, %dma_start3A_291, %dma_start3A_292] : memref<8x32x128xf32, #tpu.memory_space<vmem>> -> memref<1x32x128xf32, #tpu.memory_space<vmem>>
      %dma_start3A_294 = tpu.memref_squeeze %dma_start3A_293 : memref<1x32x128xf32, #tpu.memory_space<vmem>> -> memref<32x128xf32, #tpu.memory_space<vmem>>
      %dma_start3A_295 = arith.constant 0 : i32
      %dma_start3A_296 = tpu.memref_slice %arg5[%dma_start3A_295, %multiple_of3A_270] : memref<32x1000000xf32, #tpu.memory_space<hbm>> -> memref<32x128xf32, #tpu.memory_space<hbm>>
      tpu.enqueue_dma source(%dma_start3A_296 : memref<32x128xf32, #tpu.memory_space<hbm>>) target(%dma_start3A_294 : memref<32x128xf32, #tpu.memory_space<vmem>>) target_semaphore(%arg17 : memref<!tpu.dma_semaphore, #tpu.memory_space<semaphore_mem>>)
      %slice3A_297 = vector.extract_strided_slice %get3A_17 {offsets = [7], sizes = [1], strides = [1]} : vector<16xi32> to vector<1xi32>
      %squeeze3A_298 = vector.extract %slice3A_297[0] : i32 from vector<1xi32>
      %shift_right_arithmetic3A_299 = arith.constant 7 : i32
      %shift_right_arithmetic3A_300 = arith.shrsi %squeeze3A_298, %shift_right_arithmetic3A_299 : i32
      %mul3A_301 = arith.constant 128 : i32
      %mul3A_302 = arith.muli %shift_right_arithmetic3A_300, %mul3A_301 : i32
      %multiple_of3A_303 = tpu.assume_multiple %mul3A_302, 128 : i32
      %slice3A_304 = vector.extract_strided_slice %get3A_21 {offsets = [7], sizes = [1], strides = [1]} : vector<16xi32> to vector<1xi32>
      %squeeze3A_305 = vector.extract %slice3A_304[0] : i32 from vector<1xi32>
      %shift_right_arithmetic3A_306 = arith.constant 7 : i32
      %shift_right_arithmetic3A_307 = arith.shrsi %squeeze3A_305, %shift_right_arithmetic3A_306 : i32
      %mul3A_308 = arith.constant 128 : i32
      %mul3A_309 = arith.muli %shift_right_arithmetic3A_307, %mul3A_308 : i32
      %multiple_of3A_310 = tpu.assume_multiple %mul3A_309, 128 : i32
      %dma_start3A_311 = arith.constant 7 : i32
      %dma_start3A_312 = arith.constant 0 : i32
      %dma_start3A_313 = arith.constant 0 : i32
      %dma_start3A_314 = tpu.memref_slice %arg11[%dma_start3A_311, %dma_start3A_312, %dma_start3A_313] : memref<8x32x128xf32, #tpu.memory_space<vmem>> -> memref<1x32x128xf32, #tpu.memory_space<vmem>>
      %dma_start3A_315 = tpu.memref_squeeze %dma_start3A_314 : memref<1x32x128xf32, #tpu.memory_space<vmem>> -> memref<32x128xf32, #tpu.memory_space<vmem>>
      %dma_start3A_316 = arith.constant 0 : i32
      %dma_start3A_317 = tpu.memref_slice %arg4[%dma_start3A_316, %multiple_of3A_303] : memref<32x1000000xf32, #tpu.memory_space<hbm>> -> memref<32x128xf32, #tpu.memory_space<hbm>>
      %dma_start3A_318 = arith.constant 0 : i32
      %dma_start3A_319 = arith.constant 0 : i32
      %dma_start3A_320 = tpu.memref_slice %arg11[%dma_start3A_311, %dma_start3A_318, %dma_start3A_319] : memref<8x32x128xf32, #tpu.memory_space<vmem>> -> memref<1x32x128xf32, #tpu.memory_space<vmem>>
      %dma_start3A_321 = tpu.memref_squeeze %dma_start3A_320 : memref<1x32x128xf32, #tpu.memory_space<vmem>> -> memref<32x128xf32, #tpu.memory_space<vmem>>
      %dma_start3A_322 = arith.constant 0 : i32
      %dma_start3A_323 = tpu.memref_slice %arg4[%dma_start3A_322, %multiple_of3A_303] : memref<32x1000000xf32, #tpu.memory_space<hbm>> -> memref<32x128xf32, #tpu.memory_space<hbm>>
      tpu.enqueue_dma source(%dma_start3A_323 : memref<32x128xf32, #tpu.memory_space<hbm>>) target(%dma_start3A_321 : memref<32x128xf32, #tpu.memory_space<vmem>>) target_semaphore(%arg17 : memref<!tpu.dma_semaphore, #tpu.memory_space<semaphore_mem>>)
      %dma_start3A_324 = arith.constant 7 : i32
      %dma_start3A_325 = arith.constant 0 : i32
      %dma_start3A_326 = arith.constant 0 : i32
      %dma_start3A_327 = tpu.memref_slice %arg12[%dma_start3A_324, %dma_start3A_325, %dma_start3A_326] : memref<8x32x128xf32, #tpu.memory_space<vmem>> -> memref<1x32x128xf32, #tpu.memory_space<vmem>>
      %dma_start3A_328 = tpu.memref_squeeze %dma_start3A_327 : memref<1x32x128xf32, #tpu.memory_space<vmem>> -> memref<32x128xf32, #tpu.memory_space<vmem>>
      %dma_start3A_329 = arith.constant 0 : i32
      %dma_start3A_330 = tpu.memref_slice %arg5[%dma_start3A_329, %multiple_of3A_310] : memref<32x1000000xf32, #tpu.memory_space<hbm>> -> memref<32x128xf32, #tpu.memory_space<hbm>>
      %dma_start3A_331 = arith.constant 0 : i32
      %dma_start3A_332 = arith.constant 0 : i32
      %dma_start3A_333 = tpu.memref_slice %arg12[%dma_start3A_324, %dma_start3A_331, %dma_start3A_332] : memref<8x32x128xf32, #tpu.memory_space<vmem>> -> memref<1x32x128xf32, #tpu.memory_space<vmem>>
      %dma_start3A_334 = tpu.memref_squeeze %dma_start3A_333 : memref<1x32x128xf32, #tpu.memory_space<vmem>> -> memref<32x128xf32, #tpu.memory_space<vmem>>
      %dma_start3A_335 = arith.constant 0 : i32
      %dma_start3A_336 = tpu.memref_slice %arg5[%dma_start3A_335, %multiple_of3A_310] : memref<32x1000000xf32, #tpu.memory_space<hbm>> -> memref<32x128xf32, #tpu.memory_space<hbm>>
      tpu.enqueue_dma source(%dma_start3A_336 : memref<32x128xf32, #tpu.memory_space<hbm>>) target(%dma_start3A_334 : memref<32x128xf32, #tpu.memory_space<vmem>>) target_semaphore(%arg17 : memref<!tpu.dma_semaphore, #tpu.memory_space<semaphore_mem>>)
      %dma_wait3A = arith.constant 0 : i32
      %dma_wait3A_337 = arith.constant 0 : i32
      %dma_wait3A_338 = arith.constant 0 : i32
      %dma_wait3A_339 = tpu.memref_slice %arg11[%dma_wait3A, %dma_wait3A_337, %dma_wait3A_338] : memref<8x32x128xf32, #tpu.memory_space<vmem>> -> memref<1x32x128xf32, #tpu.memory_space<vmem>>
      %dma_wait3A_340 = tpu.memref_squeeze %dma_wait3A_339 : memref<1x32x128xf32, #tpu.memory_space<vmem>> -> memref<32x128xf32, #tpu.memory_space<vmem>>
      %dma_wait3A_341 = arith.constant 0 : i32
      %dma_wait3A_342 = tpu.memref_slice %arg4[%dma_wait3A_341, %multiple_of3A] : memref<32x1000000xf32, #tpu.memory_space<hbm>> -> memref<32x128xf32, #tpu.memory_space<hbm>>
      %dma_wait3A_343 = arith.constant 0 : i32
      %dma_wait3A_344 = arith.constant 0 : i32
      %dma_wait3A_345 = tpu.memref_slice %arg11[%dma_wait3A, %dma_wait3A_343, %dma_wait3A_344] : memref<8x32x128xf32, #tpu.memory_space<vmem>> -> memref<1x32x128xf32, #tpu.memory_space<vmem>>
      %dma_wait3A_346 = tpu.memref_squeeze %dma_wait3A_345 : memref<1x32x128xf32, #tpu.memory_space<vmem>> -> memref<32x128xf32, #tpu.memory_space<vmem>>
      %dma_wait3A_347 = arith.constant 0 : i32
      %dma_wait3A_348 = tpu.memref_slice %arg4[%dma_wait3A_347, %multiple_of3A] : memref<32x1000000xf32, #tpu.memory_space<hbm>> -> memref<32x128xf32, #tpu.memory_space<hbm>>
      tpu.wait_dma2 semaphore(%arg16 : memref<!tpu.dma_semaphore, #tpu.memory_space<semaphore_mem>>) src(%dma_wait3A_348 : memref<32x128xf32, #tpu.memory_space<hbm>>) dst(%dma_wait3A_346 : memref<32x128xf32, #tpu.memory_space<vmem>>)
      %dma_wait3A_349 = arith.constant 0 : i32
      %dma_wait3A_350 = arith.constant 0 : i32
      %dma_wait3A_351 = arith.constant 0 : i32
      %dma_wait3A_352 = tpu.memref_slice %arg12[%dma_wait3A_349, %dma_wait3A_350, %dma_wait3A_351] : memref<8x32x128xf32, #tpu.memory_space<vmem>> -> memref<1x32x128xf32, #tpu.memory_space<vmem>>
      %dma_wait3A_353 = tpu.memref_squeeze %dma_wait3A_352 : memref<1x32x128xf32, #tpu.memory_space<vmem>> -> memref<32x128xf32, #tpu.memory_space<vmem>>
      %dma_wait3A_354 = arith.constant 0 : i32
      %dma_wait3A_355 = tpu.memref_slice %arg5[%dma_wait3A_354, %multiple_of3A_31] : memref<32x1000000xf32, #tpu.memory_space<hbm>> -> memref<32x128xf32, #tpu.memory_space<hbm>>
      %dma_wait3A_356 = arith.constant 0 : i32
      %dma_wait3A_357 = arith.constant 0 : i32
      %dma_wait3A_358 = tpu.memref_slice %arg12[%dma_wait3A_349, %dma_wait3A_356, %dma_wait3A_357] : memref<8x32x128xf32, #tpu.memory_space<vmem>> -> memref<1x32x128xf32, #tpu.memory_space<vmem>>
      %dma_wait3A_359 = tpu.memref_squeeze %dma_wait3A_358 : memref<1x32x128xf32, #tpu.memory_space<vmem>> -> memref<32x128xf32, #tpu.memory_space<vmem>>
      %dma_wait3A_360 = arith.constant 0 : i32
      %dma_wait3A_361 = tpu.memref_slice %arg5[%dma_wait3A_360, %multiple_of3A_31] : memref<32x1000000xf32, #tpu.memory_space<hbm>> -> memref<32x128xf32, #tpu.memory_space<hbm>>
      tpu.wait_dma2 semaphore(%arg16 : memref<!tpu.dma_semaphore, #tpu.memory_space<semaphore_mem>>) src(%dma_wait3A_361 : memref<32x128xf32, #tpu.memory_space<hbm>>) dst(%dma_wait3A_359 : memref<32x128xf32, #tpu.memory_space<vmem>>)
      %dma_wait3A_362 = arith.constant 1 : i32
      %dma_wait3A_363 = arith.constant 0 : i32
      %dma_wait3A_364 = arith.constant 0 : i32
      %dma_wait3A_365 = tpu.memref_slice %arg11[%dma_wait3A_362, %dma_wait3A_363, %dma_wait3A_364] : memref<8x32x128xf32, #tpu.memory_space<vmem>> -> memref<1x32x128xf32, #tpu.memory_space<vmem>>
      %dma_wait3A_366 = tpu.memref_squeeze %dma_wait3A_365 : memref<1x32x128xf32, #tpu.memory_space<vmem>> -> memref<32x128xf32, #tpu.memory_space<vmem>>
      %dma_wait3A_367 = arith.constant 0 : i32
      %dma_wait3A_368 = tpu.memref_slice %arg4[%dma_wait3A_367, %multiple_of3A_63] : memref<32x1000000xf32, #tpu.memory_space<hbm>> -> memref<32x128xf32, #tpu.memory_space<hbm>>
      %dma_wait3A_369 = arith.constant 0 : i32
      %dma_wait3A_370 = arith.constant 0 : i32
      %dma_wait3A_371 = tpu.memref_slice %arg11[%dma_wait3A_362, %dma_wait3A_369, %dma_wait3A_370] : memref<8x32x128xf32, #tpu.memory_space<vmem>> -> memref<1x32x128xf32, #tpu.memory_space<vmem>>
      %dma_wait3A_372 = tpu.memref_squeeze %dma_wait3A_371 : memref<1x32x128xf32, #tpu.memory_space<vmem>> -> memref<32x128xf32, #tpu.memory_space<vmem>>
      %dma_wait3A_373 = arith.constant 0 : i32
      %dma_wait3A_374 = tpu.memref_slice %arg4[%dma_wait3A_373, %multiple_of3A_63] : memref<32x1000000xf32, #tpu.memory_space<hbm>> -> memref<32x128xf32, #tpu.memory_space<hbm>>
      tpu.wait_dma2 semaphore(%arg16 : memref<!tpu.dma_semaphore, #tpu.memory_space<semaphore_mem>>) src(%dma_wait3A_374 : memref<32x128xf32, #tpu.memory_space<hbm>>) dst(%dma_wait3A_372 : memref<32x128xf32, #tpu.memory_space<vmem>>)
      %dma_wait3A_375 = arith.constant 1 : i32
      %dma_wait3A_376 = arith.constant 0 : i32
      %dma_wait3A_377 = arith.constant 0 : i32
      %dma_wait3A_378 = tpu.memref_slice %arg12[%dma_wait3A_375, %dma_wait3A_376, %dma_wait3A_377] : memref<8x32x128xf32, #tpu.memory_space<vmem>> -> memref<1x32x128xf32, #tpu.memory_space<vmem>>
      %dma_wait3A_379 = tpu.memref_squeeze %dma_wait3A_378 : memref<1x32x128xf32, #tpu.memory_space<vmem>> -> memref<32x128xf32, #tpu.memory_space<vmem>>
      %dma_wait3A_380 = arith.constant 0 : i32
      %dma_wait3A_381 = tpu.memref_slice %arg5[%dma_wait3A_380, %multiple_of3A_70] : memref<32x1000000xf32, #tpu.memory_space<hbm>> -> memref<32x128xf32, #tpu.memory_space<hbm>>
      %dma_wait3A_382 = arith.constant 0 : i32
      %dma_wait3A_383 = arith.constant 0 : i32
      %dma_wait3A_384 = tpu.memref_slice %arg12[%dma_wait3A_375, %dma_wait3A_382, %dma_wait3A_383] : memref<8x32x128xf32, #tpu.memory_space<vmem>> -> memref<1x32x128xf32, #tpu.memory_space<vmem>>
      %dma_wait3A_385 = tpu.memref_squeeze %dma_wait3A_384 : memref<1x32x128xf32, #tpu.memory_space<vmem>> -> memref<32x128xf32, #tpu.memory_space<vmem>>
      %dma_wait3A_386 = arith.constant 0 : i32
      %dma_wait3A_387 = tpu.memref_slice %arg5[%dma_wait3A_386, %multiple_of3A_70] : memref<32x1000000xf32, #tpu.memory_space<hbm>> -> memref<32x128xf32, #tpu.memory_space<hbm>>
      tpu.wait_dma2 semaphore(%arg16 : memref<!tpu.dma_semaphore, #tpu.memory_space<semaphore_mem>>) src(%dma_wait3A_387 : memref<32x128xf32, #tpu.memory_space<hbm>>) dst(%dma_wait3A_385 : memref<32x128xf32, #tpu.memory_space<vmem>>)
      %dma_wait3A_388 = arith.constant 2 : i32
      %dma_wait3A_389 = arith.constant 0 : i32
      %dma_wait3A_390 = arith.constant 0 : i32
      %dma_wait3A_391 = tpu.memref_slice %arg11[%dma_wait3A_388, %dma_wait3A_389, %dma_wait3A_390] : memref<8x32x128xf32, #tpu.memory_space<vmem>> -> memref<1x32x128xf32, #tpu.memory_space<vmem>>
      %dma_wait3A_392 = tpu.memref_squeeze %dma_wait3A_391 : memref<1x32x128xf32, #tpu.memory_space<vmem>> -> memref<32x128xf32, #tpu.memory_space<vmem>>
      %dma_wait3A_393 = arith.constant 0 : i32
      %dma_wait3A_394 = tpu.memref_slice %arg4[%dma_wait3A_393, %multiple_of3A_103] : memref<32x1000000xf32, #tpu.memory_space<hbm>> -> memref<32x128xf32, #tpu.memory_space<hbm>>
      %dma_wait3A_395 = arith.constant 0 : i32
      %dma_wait3A_396 = arith.constant 0 : i32
      %dma_wait3A_397 = tpu.memref_slice %arg11[%dma_wait3A_388, %dma_wait3A_395, %dma_wait3A_396] : memref<8x32x128xf32, #tpu.memory_space<vmem>> -> memref<1x32x128xf32, #tpu.memory_space<vmem>>
      %dma_wait3A_398 = tpu.memref_squeeze %dma_wait3A_397 : memref<1x32x128xf32, #tpu.memory_space<vmem>> -> memref<32x128xf32, #tpu.memory_space<vmem>>
      %dma_wait3A_399 = arith.constant 0 : i32
      %dma_wait3A_400 = tpu.memref_slice %arg4[%dma_wait3A_399, %multiple_of3A_103] : memref<32x1000000xf32, #tpu.memory_space<hbm>> -> memref<32x128xf32, #tpu.memory_space<hbm>>
      tpu.wait_dma2 semaphore(%arg16 : memref<!tpu.dma_semaphore, #tpu.memory_space<semaphore_mem>>) src(%dma_wait3A_400 : memref<32x128xf32, #tpu.memory_space<hbm>>) dst(%dma_wait3A_398 : memref<32x128xf32, #tpu.memory_space<vmem>>)
      %dma_wait3A_401 = arith.constant 2 : i32
      %dma_wait3A_402 = arith.constant 0 : i32
      %dma_wait3A_403 = arith.constant 0 : i32
      %dma_wait3A_404 = tpu.memref_slice %arg12[%dma_wait3A_401, %dma_wait3A_402, %dma_wait3A_403] : memref<8x32x128xf32, #tpu.memory_space<vmem>> -> memref<1x32x128xf32, #tpu.memory_space<vmem>>
      %dma_wait3A_405 = tpu.memref_squeeze %dma_wait3A_404 : memref<1x32x128xf32, #tpu.memory_space<vmem>> -> memref<32x128xf32, #tpu.memory_space<vmem>>
      %dma_wait3A_406 = arith.constant 0 : i32
      %dma_wait3A_407 = tpu.memref_slice %arg5[%dma_wait3A_406, %multiple_of3A_110] : memref<32x1000000xf32, #tpu.memory_space<hbm>> -> memref<32x128xf32, #tpu.memory_space<hbm>>
      %dma_wait3A_408 = arith.constant 0 : i32
      %dma_wait3A_409 = arith.constant 0 : i32
      %dma_wait3A_410 = tpu.memref_slice %arg12[%dma_wait3A_401, %dma_wait3A_408, %dma_wait3A_409] : memref<8x32x128xf32, #tpu.memory_space<vmem>> -> memref<1x32x128xf32, #tpu.memory_space<vmem>>
      %dma_wait3A_411 = tpu.memref_squeeze %dma_wait3A_410 : memref<1x32x128xf32, #tpu.memory_space<vmem>> -> memref<32x128xf32, #tpu.memory_space<vmem>>
      %dma_wait3A_412 = arith.constant 0 : i32
      %dma_wait3A_413 = tpu.memref_slice %arg5[%dma_wait3A_412, %multiple_of3A_110] : memref<32x1000000xf32, #tpu.memory_space<hbm>> -> memref<32x128xf32, #tpu.memory_space<hbm>>
      tpu.wait_dma2 semaphore(%arg16 : memref<!tpu.dma_semaphore, #tpu.memory_space<semaphore_mem>>) src(%dma_wait3A_413 : memref<32x128xf32, #tpu.memory_space<hbm>>) dst(%dma_wait3A_411 : memref<32x128xf32, #tpu.memory_space<vmem>>)
      %dma_wait3A_414 = arith.constant 3 : i32
      %dma_wait3A_415 = arith.constant 0 : i32
      %dma_wait3A_416 = arith.constant 0 : i32
      %dma_wait3A_417 = tpu.memref_slice %arg11[%dma_wait3A_414, %dma_wait3A_415, %dma_wait3A_416] : memref<8x32x128xf32, #tpu.memory_space<vmem>> -> memref<1x32x128xf32, #tpu.memory_space<vmem>>
      %dma_wait3A_418 = tpu.memref_squeeze %dma_wait3A_417 : memref<1x32x128xf32, #tpu.memory_space<vmem>> -> memref<32x128xf32, #tpu.memory_space<vmem>>
      %dma_wait3A_419 = arith.constant 0 : i32
      %dma_wait3A_420 = tpu.memref_slice %arg4[%dma_wait3A_419, %multiple_of3A_143] : memref<32x1000000xf32, #tpu.memory_space<hbm>> -> memref<32x128xf32, #tpu.memory_space<hbm>>
      %dma_wait3A_421 = arith.constant 0 : i32
      %dma_wait3A_422 = arith.constant 0 : i32
      %dma_wait3A_423 = tpu.memref_slice %arg11[%dma_wait3A_414, %dma_wait3A_421, %dma_wait3A_422] : memref<8x32x128xf32, #tpu.memory_space<vmem>> -> memref<1x32x128xf32, #tpu.memory_space<vmem>>
      %dma_wait3A_424 = tpu.memref_squeeze %dma_wait3A_423 : memref<1x32x128xf32, #tpu.memory_space<vmem>> -> memref<32x128xf32, #tpu.memory_space<vmem>>
      %dma_wait3A_425 = arith.constant 0 : i32
      %dma_wait3A_426 = tpu.memref_slice %arg4[%dma_wait3A_425, %multiple_of3A_143] : memref<32x1000000xf32, #tpu.memory_space<hbm>> -> memref<32x128xf32, #tpu.memory_space<hbm>>
      tpu.wait_dma2 semaphore(%arg16 : memref<!tpu.dma_semaphore, #tpu.memory_space<semaphore_mem>>) src(%dma_wait3A_426 : memref<32x128xf32, #tpu.memory_space<hbm>>) dst(%dma_wait3A_424 : memref<32x128xf32, #tpu.memory_space<vmem>>)
      %dma_wait3A_427 = arith.constant 3 : i32
      %dma_wait3A_428 = arith.constant 0 : i32
      %dma_wait3A_429 = arith.constant 0 : i32
      %dma_wait3A_430 = tpu.memref_slice %arg12[%dma_wait3A_427, %dma_wait3A_428, %dma_wait3A_429] : memref<8x32x128xf32, #tpu.memory_space<vmem>> -> memref<1x32x128xf32, #tpu.memory_space<vmem>>
      %dma_wait3A_431 = tpu.memref_squeeze %dma_wait3A_430 : memref<1x32x128xf32, #tpu.memory_space<vmem>> -> memref<32x128xf32, #tpu.memory_space<vmem>>
      %dma_wait3A_432 = arith.constant 0 : i32
      %dma_wait3A_433 = tpu.memref_slice %arg5[%dma_wait3A_432, %multiple_of3A_150] : memref<32x1000000xf32, #tpu.memory_space<hbm>> -> memref<32x128xf32, #tpu.memory_space<hbm>>
      %dma_wait3A_434 = arith.constant 0 : i32
      %dma_wait3A_435 = arith.constant 0 : i32
      %dma_wait3A_436 = tpu.memref_slice %arg12[%dma_wait3A_427, %dma_wait3A_434, %dma_wait3A_435] : memref<8x32x128xf32, #tpu.memory_space<vmem>> -> memref<1x32x128xf32, #tpu.memory_space<vmem>>
      %dma_wait3A_437 = tpu.memref_squeeze %dma_wait3A_436 : memref<1x32x128xf32, #tpu.memory_space<vmem>> -> memref<32x128xf32, #tpu.memory_space<vmem>>
      %dma_wait3A_438 = arith.constant 0 : i32
      %dma_wait3A_439 = tpu.memref_slice %arg5[%dma_wait3A_438, %multiple_of3A_150] : memref<32x1000000xf32, #tpu.memory_space<hbm>> -> memref<32x128xf32, #tpu.memory_space<hbm>>
      tpu.wait_dma2 semaphore(%arg16 : memref<!tpu.dma_semaphore, #tpu.memory_space<semaphore_mem>>) src(%dma_wait3A_439 : memref<32x128xf32, #tpu.memory_space<hbm>>) dst(%dma_wait3A_437 : memref<32x128xf32, #tpu.memory_space<vmem>>)
      %broadcast_in_dim3A = arith.constant 0 : i32
      %broadcast_in_dim3A_440 = vector.broadcast %broadcast_in_dim3A : i32 to vector<16xi32>
      %slice3A_441 = vector.extract_strided_slice %get3A_17 {offsets = [0], sizes = [1], strides = [1]} : vector<16xi32> to vector<1xi32>
      %squeeze3A_442 = vector.extract %slice3A_441[0] : i32 from vector<1xi32>
      %and3A = arith.constant 127 : i32
      %and3A_443 = arith.andi %squeeze3A_442, %and3A : i32
      %add3A_444 = vector.broadcast %and3A_443 : i32 to vector<16xi32>
      %add3A_445 = arith.addi %broadcast_in_dim3A_440, %add3A_444 : vector<16xi32>
      %broadcast_in_dim3A_446 = arith.constant 0 : i32
      %broadcast_in_dim3A_447 = vector.broadcast %broadcast_in_dim3A_446 : i32 to vector<16xi32>
      %slice3A_448 = vector.extract_strided_slice %get3A_21 {offsets = [0], sizes = [1], strides = [1]} : vector<16xi32> to vector<1xi32>
      %squeeze3A_449 = vector.extract %slice3A_448[0] : i32 from vector<1xi32>
      %and3A_450 = arith.constant 127 : i32
      %and3A_451 = arith.andi %squeeze3A_449, %and3A_450 : i32
      %add3A_452 = vector.broadcast %and3A_451 : i32 to vector<16xi32>
      %add3A_453 = arith.addi %broadcast_in_dim3A_447, %add3A_452 : vector<16xi32>
      %gather3A = arith.constant 0 : i32
      %gather3A_454 = arith.constant 0 : i32
      %gather3A_455 = arith.constant 0 : i32
      %gather3A_456 = tpu.memref_slice %arg11[%gather3A, %gather3A_454, %gather3A_455] : memref<8x32x128xf32, #tpu.memory_space<vmem>> -> memref<1x32x128xf32, #tpu.memory_space<vmem>>
      %gather3A_457 = tpu.memref_squeeze %gather3A_456 : memref<1x32x128xf32, #tpu.memory_space<vmem>> -> memref<32x128xf32, #tpu.memory_space<vmem>>
      %gather3A_458 = tpu.vector_load_idx %gather3A_457[%iota3A, %add3A_445] : memref<32x128xf32, #tpu.memory_space<vmem>>[vector<16xi32>, vector<16xi32>], vector<16xf32>,
      %add3A_459 = arith.constant 16 : i32
      %add3A_460 = vector.broadcast %add3A_459 : i32 to vector<16xi32>
      %add3A_461 = arith.addi %iota3A, %add3A_460 : vector<16xi32>
      %gather3A_462 = arith.constant 0 : i32
      %gather3A_463 = arith.constant 0 : i32
      %gather3A_464 = arith.constant 0 : i32
      %gather3A_465 = tpu.memref_slice %arg11[%gather3A_462, %gather3A_463, %gather3A_464] : memref<8x32x128xf32, #tpu.memory_space<vmem>> -> memref<1x32x128xf32, #tpu.memory_space<vmem>>
      %gather3A_466 = tpu.memref_squeeze %gather3A_465 : memref<1x32x128xf32, #tpu.memory_space<vmem>> -> memref<32x128xf32, #tpu.memory_space<vmem>>
      %gather3A_467 = tpu.vector_load_idx %gather3A_466[%add3A_461, %add3A_445] : memref<32x128xf32, #tpu.memory_space<vmem>>[vector<16xi32>, vector<16xi32>], vector<16xf32>,
      %gather3A_468 = arith.constant 0 : i32
      %gather3A_469 = arith.constant 0 : i32
      %gather3A_470 = arith.constant 0 : i32
      %gather3A_471 = tpu.memref_slice %arg12[%gather3A_468, %gather3A_469, %gather3A_470] : memref<8x32x128xf32, #tpu.memory_space<vmem>> -> memref<1x32x128xf32, #tpu.memory_space<vmem>>
      %gather3A_472 = tpu.memref_squeeze %gather3A_471 : memref<1x32x128xf32, #tpu.memory_space<vmem>> -> memref<32x128xf32, #tpu.memory_space<vmem>>
      %gather3A_473 = tpu.vector_load_idx %gather3A_472[%iota3A, %add3A_453] : memref<32x128xf32, #tpu.memory_space<vmem>>[vector<16xi32>, vector<16xi32>], vector<16xf32>,
      %add3A_474 = arith.constant 16 : i32
      %add3A_475 = vector.broadcast %add3A_474 : i32 to vector<16xi32>
      %add3A_476 = arith.addi %iota3A, %add3A_475 : vector<16xi32>
      %gather3A_477 = arith.constant 0 : i32
      %gather3A_478 = arith.constant 0 : i32
      %gather3A_479 = arith.constant 0 : i32
      %gather3A_480 = tpu.memref_slice %arg12[%gather3A_477, %gather3A_478, %gather3A_479] : memref<8x32x128xf32, #tpu.memory_space<vmem>> -> memref<1x32x128xf32, #tpu.memory_space<vmem>>
      %gather3A_481 = tpu.memref_squeeze %gather3A_480 : memref<1x32x128xf32, #tpu.memory_space<vmem>> -> memref<32x128xf32, #tpu.memory_space<vmem>>
      %gather3A_482 = tpu.vector_load_idx %gather3A_481[%add3A_476, %add3A_453] : memref<32x128xf32, #tpu.memory_space<vmem>>[vector<16xi32>, vector<16xi32>], vector<16xf32>,
      %mul3A_483 = arith.mulf %gather3A_458, %gather3A_473 : vector<16xf32>
      %mul3A_484 = arith.mulf %mul3A_483, %get3A_3 : vector<16xf32>
      %mul3A_485 = arith.mulf %gather3A_467, %gather3A_482 : vector<16xf32>
      %mul3A_486 = arith.mulf %mul3A_485, %get3A_5 : vector<16xf32>
      %add3A_487 = arith.addf %mul3A_484, %mul3A_486 : vector<16xf32>
      %reduce_sum3A = arith.constant true
      %reduce_sum3A_488 = vector.broadcast %reduce_sum3A : i1 to vector<16xi1>
      %reduce_sum3A_489 = tpu.scan <sum>, %add3A_487 masked %reduce_sum3A_488 : vector<16xf32>, vector<16xi1> -> vector<16xf32>
      %reduce_sum3A_490 = vector.extract %reduce_sum3A_489[15] : f32 from vector<16xf32>
      %eq3A = arith.constant 0 : i32
      %eq3A_491 = vector.broadcast %eq3A : i32 to vector<16xi32>
      %eq3A_492 = arith.cmpi eq, %iota3A, %eq3A_491 : vector<16xi32>
      %add3A_493 = vector.broadcast %reduce_sum3A_490 : f32 to vector<16xf32>
      %add3A_494 = arith.addf %get3A_7, %add3A_493 : vector<16xf32>
      %select_n3A = arith.select %eq3A_492, %add3A_494, %get3A_7 : vector<16xi1>, vector<16xf32>
      %broadcast_in_dim3A_495 = arith.constant 0 : i32
      %broadcast_in_dim3A_496 = vector.broadcast %broadcast_in_dim3A_495 : i32 to vector<16xi32>
      %slice3A_497 = vector.extract_strided_slice %get3A_17 {offsets = [1], sizes = [1], strides = [1]} : vector<16xi32> to vector<1xi32>
      %squeeze3A_498 = vector.extract %slice3A_497[0] : i32 from vector<1xi32>
      %and3A_499 = arith.constant 127 : i32
      %and3A_500 = arith.andi %squeeze3A_498, %and3A_499 : i32
      %add3A_501 = vector.broadcast %and3A_500 : i32 to vector<16xi32>
      %add3A_502 = arith.addi %broadcast_in_dim3A_496, %add3A_501 : vector<16xi32>
      %broadcast_in_dim3A_503 = arith.constant 0 : i32
      %broadcast_in_dim3A_504 = vector.broadcast %broadcast_in_dim3A_503 : i32 to vector<16xi32>
      %slice3A_505 = vector.extract_strided_slice %get3A_21 {offsets = [1], sizes = [1], strides = [1]} : vector<16xi32> to vector<1xi32>
      %squeeze3A_506 = vector.extract %slice3A_505[0] : i32 from vector<1xi32>
      %and3A_507 = arith.constant 127 : i32
      %and3A_508 = arith.andi %squeeze3A_506, %and3A_507 : i32
      %add3A_509 = vector.broadcast %and3A_508 : i32 to vector<16xi32>
      %add3A_510 = arith.addi %broadcast_in_dim3A_504, %add3A_509 : vector<16xi32>
      %gather3A_511 = arith.constant 1 : i32
      %gather3A_512 = arith.constant 0 : i32
      %gather3A_513 = arith.constant 0 : i32
      %gather3A_514 = tpu.memref_slice %arg11[%gather3A_511, %gather3A_512, %gather3A_513] : memref<8x32x128xf32, #tpu.memory_space<vmem>> -> memref<1x32x128xf32, #tpu.memory_space<vmem>>
      %gather3A_515 = tpu.memref_squeeze %gather3A_514 : memref<1x32x128xf32, #tpu.memory_space<vmem>> -> memref<32x128xf32, #tpu.memory_space<vmem>>
      %gather3A_516 = tpu.vector_load_idx %gather3A_515[%iota3A, %add3A_502] : memref<32x128xf32, #tpu.memory_space<vmem>>[vector<16xi32>, vector<16xi32>], vector<16xf32>,
      %add3A_517 = arith.constant 16 : i32
      %add3A_518 = vector.broadcast %add3A_517 : i32 to vector<16xi32>
      %add3A_519 = arith.addi %iota3A, %add3A_518 : vector<16xi32>
      %gather3A_520 = arith.constant 1 : i32
      %gather3A_521 = arith.constant 0 : i32
      %gather3A_522 = arith.constant 0 : i32
      %gather3A_523 = tpu.memref_slice %arg11[%gather3A_520, %gather3A_521, %gather3A_522] : memref<8x32x128xf32, #tpu.memory_space<vmem>> -> memref<1x32x128xf32, #tpu.memory_space<vmem>>
      %gather3A_524 = tpu.memref_squeeze %gather3A_523 : memref<1x32x128xf32, #tpu.memory_space<vmem>> -> memref<32x128xf32, #tpu.memory_space<vmem>>
      %gather3A_525 = tpu.vector_load_idx %gather3A_524[%add3A_519, %add3A_502] : memref<32x128xf32, #tpu.memory_space<vmem>>[vector<16xi32>, vector<16xi32>], vector<16xf32>,
      %gather3A_526 = arith.constant 1 : i32
      %gather3A_527 = arith.constant 0 : i32
      %gather3A_528 = arith.constant 0 : i32
      %gather3A_529 = tpu.memref_slice %arg12[%gather3A_526, %gather3A_527, %gather3A_528] : memref<8x32x128xf32, #tpu.memory_space<vmem>> -> memref<1x32x128xf32, #tpu.memory_space<vmem>>
      %gather3A_530 = tpu.memref_squeeze %gather3A_529 : memref<1x32x128xf32, #tpu.memory_space<vmem>> -> memref<32x128xf32, #tpu.memory_space<vmem>>
      %gather3A_531 = tpu.vector_load_idx %gather3A_530[%iota3A, %add3A_510] : memref<32x128xf32, #tpu.memory_space<vmem>>[vector<16xi32>, vector<16xi32>], vector<16xf32>,
      %add3A_532 = arith.constant 16 : i32
      %add3A_533 = vector.broadcast %add3A_532 : i32 to vector<16xi32>
      %add3A_534 = arith.addi %iota3A, %add3A_533 : vector<16xi32>
      %gather3A_535 = arith.constant 1 : i32
      %gather3A_536 = arith.constant 0 : i32
      %gather3A_537 = arith.constant 0 : i32
      %gather3A_538 = tpu.memref_slice %arg12[%gather3A_535, %gather3A_536, %gather3A_537] : memref<8x32x128xf32, #tpu.memory_space<vmem>> -> memref<1x32x128xf32, #tpu.memory_space<vmem>>
      %gather3A_539 = tpu.memref_squeeze %gather3A_538 : memref<1x32x128xf32, #tpu.memory_space<vmem>> -> memref<32x128xf32, #tpu.memory_space<vmem>>
      %gather3A_540 = tpu.vector_load_idx %gather3A_539[%add3A_534, %add3A_510] : memref<32x128xf32, #tpu.memory_space<vmem>>[vector<16xi32>, vector<16xi32>], vector<16xf32>,
      %mul3A_541 = arith.mulf %gather3A_516, %gather3A_531 : vector<16xf32>
      %mul3A_542 = arith.mulf %mul3A_541, %get3A_3 : vector<16xf32>
      %mul3A_543 = arith.mulf %gather3A_525, %gather3A_540 : vector<16xf32>
      %mul3A_544 = arith.mulf %mul3A_543, %get3A_5 : vector<16xf32>
      %add3A_545 = arith.addf %mul3A_542, %mul3A_544 : vector<16xf32>
      %reduce_sum3A_546 = arith.constant true
      %reduce_sum3A_547 = vector.broadcast %reduce_sum3A_546 : i1 to vector<16xi1>
      %reduce_sum3A_548 = tpu.scan <sum>, %add3A_545 masked %reduce_sum3A_547 : vector<16xf32>, vector<16xi1> -> vector<16xf32>
      %reduce_sum3A_549 = vector.extract %reduce_sum3A_548[15] : f32 from vector<16xf32>
      %eq3A_550 = arith.constant 1 : i32
      %eq3A_551 = vector.broadcast %eq3A_550 : i32 to vector<16xi32>
      %eq3A_552 = arith.cmpi eq, %iota3A, %eq3A_551 : vector<16xi32>
      %add3A_553 = vector.broadcast %reduce_sum3A_549 : f32 to vector<16xf32>
      %add3A_554 = arith.addf %select_n3A, %add3A_553 : vector<16xf32>
      %select_n3A_555 = arith.select %eq3A_552, %add3A_554, %select_n3A : vector<16xi1>, vector<16xf32>
      %broadcast_in_dim3A_556 = arith.constant 0 : i32
      %broadcast_in_dim3A_557 = vector.broadcast %broadcast_in_dim3A_556 : i32 to vector<16xi32>
      %slice3A_558 = vector.extract_strided_slice %get3A_17 {offsets = [2], sizes = [1], strides = [1]} : vector<16xi32> to vector<1xi32>
      %squeeze3A_559 = vector.extract %slice3A_558[0] : i32 from vector<1xi32>
      %and3A_560 = arith.constant 127 : i32
      %and3A_561 = arith.andi %squeeze3A_559, %and3A_560 : i32
      %add3A_562 = vector.broadcast %and3A_561 : i32 to vector<16xi32>
      %add3A_563 = arith.addi %broadcast_in_dim3A_557, %add3A_562 : vector<16xi32>
      %broadcast_in_dim3A_564 = arith.constant 0 : i32
      %broadcast_in_dim3A_565 = vector.broadcast %broadcast_in_dim3A_564 : i32 to vector<16xi32>
      %slice3A_566 = vector.extract_strided_slice %get3A_21 {offsets = [2], sizes = [1], strides = [1]} : vector<16xi32> to vector<1xi32>
      %squeeze3A_567 = vector.extract %slice3A_566[0] : i32 from vector<1xi32>
      %and3A_568 = arith.constant 127 : i32
      %and3A_569 = arith.andi %squeeze3A_567, %and3A_568 : i32
      %add3A_570 = vector.broadcast %and3A_569 : i32 to vector<16xi32>
      %add3A_571 = arith.addi %broadcast_in_dim3A_565, %add3A_570 : vector<16xi32>
      %gather3A_572 = arith.constant 2 : i32
      %gather3A_573 = arith.constant 0 : i32
      %gather3A_574 = arith.constant 0 : i32
      %gather3A_575 = tpu.memref_slice %arg11[%gather3A_572, %gather3A_573, %gather3A_574] : memref<8x32x128xf32, #tpu.memory_space<vmem>> -> memref<1x32x128xf32, #tpu.memory_space<vmem>>
      %gather3A_576 = tpu.memref_squeeze %gather3A_575 : memref<1x32x128xf32, #tpu.memory_space<vmem>> -> memref<32x128xf32, #tpu.memory_space<vmem>>
      %gather3A_577 = tpu.vector_load_idx %gather3A_576[%iota3A, %add3A_563] : memref<32x128xf32, #tpu.memory_space<vmem>>[vector<16xi32>, vector<16xi32>], vector<16xf32>,
      %add3A_578 = arith.constant 16 : i32
      %add3A_579 = vector.broadcast %add3A_578 : i32 to vector<16xi32>
      %add3A_580 = arith.addi %iota3A, %add3A_579 : vector<16xi32>
      %gather3A_581 = arith.constant 2 : i32
      %gather3A_582 = arith.constant 0 : i32
      %gather3A_583 = arith.constant 0 : i32
      %gather3A_584 = tpu.memref_slice %arg11[%gather3A_581, %gather3A_582, %gather3A_583] : memref<8x32x128xf32, #tpu.memory_space<vmem>> -> memref<1x32x128xf32, #tpu.memory_space<vmem>>
      %gather3A_585 = tpu.memref_squeeze %gather3A_584 : memref<1x32x128xf32, #tpu.memory_space<vmem>> -> memref<32x128xf32, #tpu.memory_space<vmem>>
      %gather3A_586 = tpu.vector_load_idx %gather3A_585[%add3A_580, %add3A_563] : memref<32x128xf32, #tpu.memory_space<vmem>>[vector<16xi32>, vector<16xi32>], vector<16xf32>,
      %gather3A_587 = arith.constant 2 : i32
      %gather3A_588 = arith.constant 0 : i32
      %gather3A_589 = arith.constant 0 : i32
      %gather3A_590 = tpu.memref_slice %arg12[%gather3A_587, %gather3A_588, %gather3A_589] : memref<8x32x128xf32, #tpu.memory_space<vmem>> -> memref<1x32x128xf32, #tpu.memory_space<vmem>>
      %gather3A_591 = tpu.memref_squeeze %gather3A_590 : memref<1x32x128xf32, #tpu.memory_space<vmem>> -> memref<32x128xf32, #tpu.memory_space<vmem>>
      %gather3A_592 = tpu.vector_load_idx %gather3A_591[%iota3A, %add3A_571] : memref<32x128xf32, #tpu.memory_space<vmem>>[vector<16xi32>, vector<16xi32>], vector<16xf32>,
      %add3A_593 = arith.constant 16 : i32
      %add3A_594 = vector.broadcast %add3A_593 : i32 to vector<16xi32>
      %add3A_595 = arith.addi %iota3A, %add3A_594 : vector<16xi32>
      %gather3A_596 = arith.constant 2 : i32
      %gather3A_597 = arith.constant 0 : i32
      %gather3A_598 = arith.constant 0 : i32
      %gather3A_599 = tpu.memref_slice %arg12[%gather3A_596, %gather3A_597, %gather3A_598] : memref<8x32x128xf32, #tpu.memory_space<vmem>> -> memref<1x32x128xf32, #tpu.memory_space<vmem>>
      %gather3A_600 = tpu.memref_squeeze %gather3A_599 : memref<1x32x128xf32, #tpu.memory_space<vmem>> -> memref<32x128xf32, #tpu.memory_space<vmem>>
      %gather3A_601 = tpu.vector_load_idx %gather3A_600[%add3A_595, %add3A_571] : memref<32x128xf32, #tpu.memory_space<vmem>>[vector<16xi32>, vector<16xi32>], vector<16xf32>,
      %mul3A_602 = arith.mulf %gather3A_577, %gather3A_592 : vector<16xf32>
      %mul3A_603 = arith.mulf %mul3A_602, %get3A_3 : vector<16xf32>
      %mul3A_604 = arith.mulf %gather3A_586, %gather3A_601 : vector<16xf32>
      %mul3A_605 = arith.mulf %mul3A_604, %get3A_5 : vector<16xf32>
      %add3A_606 = arith.addf %mul3A_603, %mul3A_605 : vector<16xf32>
      %reduce_sum3A_607 = arith.constant true
      %reduce_sum3A_608 = vector.broadcast %reduce_sum3A_607 : i1 to vector<16xi1>
      %reduce_sum3A_609 = tpu.scan <sum>, %add3A_606 masked %reduce_sum3A_608 : vector<16xf32>, vector<16xi1> -> vector<16xf32>
      %reduce_sum3A_610 = vector.extract %reduce_sum3A_609[15] : f32 from vector<16xf32>
      %eq3A_611 = arith.constant 2 : i32
      %eq3A_612 = vector.broadcast %eq3A_611 : i32 to vector<16xi32>
      %eq3A_613 = arith.cmpi eq, %iota3A, %eq3A_612 : vector<16xi32>
      %add3A_614 = vector.broadcast %reduce_sum3A_610 : f32 to vector<16xf32>
      %add3A_615 = arith.addf %select_n3A_555, %add3A_614 : vector<16xf32>
      %select_n3A_616 = arith.select %eq3A_613, %add3A_615, %select_n3A_555 : vector<16xi1>, vector<16xf32>
      %broadcast_in_dim3A_617 = arith.constant 0 : i32
      %broadcast_in_dim3A_618 = vector.broadcast %broadcast_in_dim3A_617 : i32 to vector<16xi32>
      %slice3A_619 = vector.extract_strided_slice %get3A_17 {offsets = [3], sizes = [1], strides = [1]} : vector<16xi32> to vector<1xi32>
      %squeeze3A_620 = vector.extract %slice3A_619[0] : i32 from vector<1xi32>
      %and3A_621 = arith.constant 127 : i32
      %and3A_622 = arith.andi %squeeze3A_620, %and3A_621 : i32
      %add3A_623 = vector.broadcast %and3A_622 : i32 to vector<16xi32>
      %add3A_624 = arith.addi %broadcast_in_dim3A_618, %add3A_623 : vector<16xi32>
      %broadcast_in_dim3A_625 = arith.constant 0 : i32
      %broadcast_in_dim3A_626 = vector.broadcast %broadcast_in_dim3A_625 : i32 to vector<16xi32>
      %slice3A_627 = vector.extract_strided_slice %get3A_21 {offsets = [3], sizes = [1], strides = [1]} : vector<16xi32> to vector<1xi32>
      %squeeze3A_628 = vector.extract %slice3A_627[0] : i32 from vector<1xi32>
      %and3A_629 = arith.constant 127 : i32
      %and3A_630 = arith.andi %squeeze3A_628, %and3A_629 : i32
      %add3A_631 = vector.broadcast %and3A_630 : i32 to vector<16xi32>
      %add3A_632 = arith.addi %broadcast_in_dim3A_626, %add3A_631 : vector<16xi32>
      %gather3A_633 = arith.constant 3 : i32
      %gather3A_634 = arith.constant 0 : i32
      %gather3A_635 = arith.constant 0 : i32
      %gather3A_636 = tpu.memref_slice %arg11[%gather3A_633, %gather3A_634, %gather3A_635] : memref<8x32x128xf32, #tpu.memory_space<vmem>> -> memref<1x32x128xf32, #tpu.memory_space<vmem>>
      %gather3A_637 = tpu.memref_squeeze %gather3A_636 : memref<1x32x128xf32, #tpu.memory_space<vmem>> -> memref<32x128xf32, #tpu.memory_space<vmem>>
      %gather3A_638 = tpu.vector_load_idx %gather3A_637[%iota3A, %add3A_624] : memref<32x128xf32, #tpu.memory_space<vmem>>[vector<16xi32>, vector<16xi32>], vector<16xf32>,
      %add3A_639 = arith.constant 16 : i32
      %add3A_640 = vector.broadcast %add3A_639 : i32 to vector<16xi32>
      %add3A_641 = arith.addi %iota3A, %add3A_640 : vector<16xi32>
      %gather3A_642 = arith.constant 3 : i32
      %gather3A_643 = arith.constant 0 : i32
      %gather3A_644 = arith.constant 0 : i32
      %gather3A_645 = tpu.memref_slice %arg11[%gather3A_642, %gather3A_643, %gather3A_644] : memref<8x32x128xf32, #tpu.memory_space<vmem>> -> memref<1x32x128xf32, #tpu.memory_space<vmem>>
      %gather3A_646 = tpu.memref_squeeze %gather3A_645 : memref<1x32x128xf32, #tpu.memory_space<vmem>> -> memref<32x128xf32, #tpu.memory_space<vmem>>
      %gather3A_647 = tpu.vector_load_idx %gather3A_646[%add3A_641, %add3A_624] : memref<32x128xf32, #tpu.memory_space<vmem>>[vector<16xi32>, vector<16xi32>], vector<16xf32>,
      %gather3A_648 = arith.constant 3 : i32
      %gather3A_649 = arith.constant 0 : i32
      %gather3A_650 = arith.constant 0 : i32
      %gather3A_651 = tpu.memref_slice %arg12[%gather3A_648, %gather3A_649, %gather3A_650] : memref<8x32x128xf32, #tpu.memory_space<vmem>> -> memref<1x32x128xf32, #tpu.memory_space<vmem>>
      %gather3A_652 = tpu.memref_squeeze %gather3A_651 : memref<1x32x128xf32, #tpu.memory_space<vmem>> -> memref<32x128xf32, #tpu.memory_space<vmem>>
      %gather3A_653 = tpu.vector_load_idx %gather3A_652[%iota3A, %add3A_632] : memref<32x128xf32, #tpu.memory_space<vmem>>[vector<16xi32>, vector<16xi32>], vector<16xf32>,
      %add3A_654 = arith.constant 16 : i32
      %add3A_655 = vector.broadcast %add3A_654 : i32 to vector<16xi32>
      %add3A_656 = arith.addi %iota3A, %add3A_655 : vector<16xi32>
      %gather3A_657 = arith.constant 3 : i32
      %gather3A_658 = arith.constant 0 : i32
      %gather3A_659 = arith.constant 0 : i32
      %gather3A_660 = tpu.memref_slice %arg12[%gather3A_657, %gather3A_658, %gather3A_659] : memref<8x32x128xf32, #tpu.memory_space<vmem>> -> memref<1x32x128xf32, #tpu.memory_space<vmem>>
      %gather3A_661 = tpu.memref_squeeze %gather3A_660 : memref<1x32x128xf32, #tpu.memory_space<vmem>> -> memref<32x128xf32, #tpu.memory_space<vmem>>
      %gather3A_662 = tpu.vector_load_idx %gather3A_661[%add3A_656, %add3A_632] : memref<32x128xf32, #tpu.memory_space<vmem>>[vector<16xi32>, vector<16xi32>], vector<16xf32>,
      %mul3A_663 = arith.mulf %gather3A_638, %gather3A_653 : vector<16xf32>
      %mul3A_664 = arith.mulf %mul3A_663, %get3A_3 : vector<16xf32>
      %mul3A_665 = arith.mulf %gather3A_647, %gather3A_662 : vector<16xf32>
      %mul3A_666 = arith.mulf %mul3A_665, %get3A_5 : vector<16xf32>
      %add3A_667 = arith.addf %mul3A_664, %mul3A_666 : vector<16xf32>
      %reduce_sum3A_668 = arith.constant true
      %reduce_sum3A_669 = vector.broadcast %reduce_sum3A_668 : i1 to vector<16xi1>
      %reduce_sum3A_670 = tpu.scan <sum>, %add3A_667 masked %reduce_sum3A_669 : vector<16xf32>, vector<16xi1> -> vector<16xf32>
      %reduce_sum3A_671 = vector.extract %reduce_sum3A_670[15] : f32 from vector<16xf32>
      %eq3A_672 = arith.constant 3 : i32
      %eq3A_673 = vector.broadcast %eq3A_672 : i32 to vector<16xi32>
      %eq3A_674 = arith.cmpi eq, %iota3A, %eq3A_673 : vector<16xi32>
      %add3A_675 = vector.broadcast %reduce_sum3A_671 : f32 to vector<16xf32>
      %add3A_676 = arith.addf %select_n3A_616, %add3A_675 : vector<16xf32>
      %select_n3A_677 = arith.select %eq3A_674, %add3A_676, %select_n3A_616 : vector<16xi1>, vector<16xf32>
      %slice3A_678 = vector.extract_strided_slice %get3A_17 {offsets = [8], sizes = [1], strides = [1]} : vector<16xi32> to vector<1xi32>
      %squeeze3A_679 = vector.extract %slice3A_678[0] : i32 from vector<1xi32>
      %shift_right_arithmetic3A_680 = arith.constant 7 : i32
      %shift_right_arithmetic3A_681 = arith.shrsi %squeeze3A_679, %shift_right_arithmetic3A_680 : i32
      %mul3A_682 = arith.constant 128 : i32
      %mul3A_683 = arith.muli %shift_right_arithmetic3A_681, %mul3A_682 : i32
      %multiple_of3A_684 = tpu.assume_multiple %mul3A_683, 128 : i32
      %slice3A_685 = vector.extract_strided_slice %get3A_21 {offsets = [8], sizes = [1], strides = [1]} : vector<16xi32> to vector<1xi32>
      %squeeze3A_686 = vector.extract %slice3A_685[0] : i32 from vector<1xi32>
      %shift_right_arithmetic3A_687 = arith.constant 7 : i32
      %shift_right_arithmetic3A_688 = arith.shrsi %squeeze3A_686, %shift_right_arithmetic3A_687 : i32
      %mul3A_689 = arith.constant 128 : i32
      %mul3A_690 = arith.muli %shift_right_arithmetic3A_688, %mul3A_689 : i32
      %multiple_of3A_691 = tpu.assume_multiple %mul3A_690, 128 : i32
      %dma_start3A_692 = arith.constant 0 : i32
      %dma_start3A_693 = arith.constant 0 : i32
      %dma_start3A_694 = arith.constant 0 : i32
      %dma_start3A_695 = tpu.memref_slice %arg11[%dma_start3A_692, %dma_start3A_693, %dma_start3A_694] : memref<8x32x128xf32, #tpu.memory_space<vmem>> -> memref<1x32x128xf32, #tpu.memory_space<vmem>>
      %dma_start3A_696 = tpu.memref_squeeze %dma_start3A_695 : memref<1x32x128xf32, #tpu.memory_space<vmem>> -> memref<32x128xf32, #tpu.memory_space<vmem>>
      %dma_start3A_697 = arith.constant 0 : i32
      %dma_start3A_698 = tpu.memref_slice %arg4[%dma_start3A_697, %multiple_of3A_684] : memref<32x1000000xf32, #tpu.memory_space<hbm>> -> memref<32x128xf32, #tpu.memory_space<hbm>>
      %dma_start3A_699 = arith.constant 0 : i32
      %dma_start3A_700 = arith.constant 0 : i32
      %dma_start3A_701 = tpu.memref_slice %arg11[%dma_start3A_692, %dma_start3A_699, %dma_start3A_700] : memref<8x32x128xf32, #tpu.memory_space<vmem>> -> memref<1x32x128xf32, #tpu.memory_space<vmem>>
      %dma_start3A_702 = tpu.memref_squeeze %dma_start3A_701 : memref<1x32x128xf32, #tpu.memory_space<vmem>> -> memref<32x128xf32, #tpu.memory_space<vmem>>
      %dma_start3A_703 = arith.constant 0 : i32
      %dma_start3A_704 = tpu.memref_slice %arg4[%dma_start3A_703, %multiple_of3A_684] : memref<32x1000000xf32, #tpu.memory_space<hbm>> -> memref<32x128xf32, #tpu.memory_space<hbm>>
      tpu.enqueue_dma source(%dma_start3A_704 : memref<32x128xf32, #tpu.memory_space<hbm>>) target(%dma_start3A_702 : memref<32x128xf32, #tpu.memory_space<vmem>>) target_semaphore(%arg16 : memref<!tpu.dma_semaphore, #tpu.memory_space<semaphore_mem>>)
      %dma_start3A_705 = arith.constant 0 : i32
      %dma_start3A_706 = arith.constant 0 : i32
      %dma_start3A_707 = arith.constant 0 : i32
      %dma_start3A_708 = tpu.memref_slice %arg12[%dma_start3A_705, %dma_start3A_706, %dma_start3A_707] : memref<8x32x128xf32, #tpu.memory_space<vmem>> -> memref<1x32x128xf32, #tpu.memory_space<vmem>>
      %dma_start3A_709 = tpu.memref_squeeze %dma_start3A_708 : memref<1x32x128xf32, #tpu.memory_space<vmem>> -> memref<32x128xf32, #tpu.memory_space<vmem>>
      %dma_start3A_710 = arith.constant 0 : i32
      %dma_start3A_711 = tpu.memref_slice %arg5[%dma_start3A_710, %multiple_of3A_691] : memref<32x1000000xf32, #tpu.memory_space<hbm>> -> memref<32x128xf32, #tpu.memory_space<hbm>>
      %dma_start3A_712 = arith.constant 0 : i32
      %dma_start3A_713 = arith.constant 0 : i32
      %dma_start3A_714 = tpu.memref_slice %arg12[%dma_start3A_705, %dma_start3A_712, %dma_start3A_713] : memref<8x32x128xf32, #tpu.memory_space<vmem>> -> memref<1x32x128xf32, #tpu.memory_space<vmem>>
      %dma_start3A_715 = tpu.memref_squeeze %dma_start3A_714 : memref<1x32x128xf32, #tpu.memory_space<vmem>> -> memref<32x128xf32, #tpu.memory_space<vmem>>
      %dma_start3A_716 = arith.constant 0 : i32
      %dma_start3A_717 = tpu.memref_slice %arg5[%dma_start3A_716, %multiple_of3A_691] : memref<32x1000000xf32, #tpu.memory_space<hbm>> -> memref<32x128xf32, #tpu.memory_space<hbm>>
      tpu.enqueue_dma source(%dma_start3A_717 : memref<32x128xf32, #tpu.memory_space<hbm>>) target(%dma_start3A_715 : memref<32x128xf32, #tpu.memory_space<vmem>>) target_semaphore(%arg16 : memref<!tpu.dma_semaphore, #tpu.memory_space<semaphore_mem>>)
      %slice3A_718 = vector.extract_strided_slice %get3A_17 {offsets = [9], sizes = [1], strides = [1]} : vector<16xi32> to vector<1xi32>
      %squeeze3A_719 = vector.extract %slice3A_718[0] : i32 from vector<1xi32>
      %shift_right_arithmetic3A_720 = arith.constant 7 : i32
      %shift_right_arithmetic3A_721 = arith.shrsi %squeeze3A_719, %shift_right_arithmetic3A_720 : i32
      %mul3A_722 = arith.constant 128 : i32
      %mul3A_723 = arith.muli %shift_right_arithmetic3A_721, %mul3A_722 : i32
      %multiple_of3A_724 = tpu.assume_multiple %mul3A_723, 128 : i32
      %slice3A_725 = vector.extract_strided_slice %get3A_21 {offsets = [9], sizes = [1], strides = [1]} : vector<16xi32> to vector<1xi32>
      %squeeze3A_726 = vector.extract %slice3A_725[0] : i32 from vector<1xi32>
      %shift_right_arithmetic3A_727 = arith.constant 7 : i32
      %shift_right_arithmetic3A_728 = arith.shrsi %squeeze3A_726, %shift_right_arithmetic3A_727 : i32
      %mul3A_729 = arith.constant 128 : i32
      %mul3A_730 = arith.muli %shift_right_arithmetic3A_728, %mul3A_729 : i32
      %multiple_of3A_731 = tpu.assume_multiple %mul3A_730, 128 : i32
      %dma_start3A_732 = arith.constant 1 : i32
      %dma_start3A_733 = arith.constant 0 : i32
      %dma_start3A_734 = arith.constant 0 : i32
      %dma_start3A_735 = tpu.memref_slice %arg11[%dma_start3A_732, %dma_start3A_733, %dma_start3A_734] : memref<8x32x128xf32, #tpu.memory_space<vmem>> -> memref<1x32x128xf32, #tpu.memory_space<vmem>>
      %dma_start3A_736 = tpu.memref_squeeze %dma_start3A_735 : memref<1x32x128xf32, #tpu.memory_space<vmem>> -> memref<32x128xf32, #tpu.memory_space<vmem>>
      %dma_start3A_737 = arith.constant 0 : i32
      %dma_start3A_738 = tpu.memref_slice %arg4[%dma_start3A_737, %multiple_of3A_724] : memref<32x1000000xf32, #tpu.memory_space<hbm>> -> memref<32x128xf32, #tpu.memory_space<hbm>>
      %dma_start3A_739 = arith.constant 0 : i32
      %dma_start3A_740 = arith.constant 0 : i32
      %dma_start3A_741 = tpu.memref_slice %arg11[%dma_start3A_732, %dma_start3A_739, %dma_start3A_740] : memref<8x32x128xf32, #tpu.memory_space<vmem>> -> memref<1x32x128xf32, #tpu.memory_space<vmem>>
      %dma_start3A_742 = tpu.memref_squeeze %dma_start3A_741 : memref<1x32x128xf32, #tpu.memory_space<vmem>> -> memref<32x128xf32, #tpu.memory_space<vmem>>
      %dma_start3A_743 = arith.constant 0 : i32
      %dma_start3A_744 = tpu.memref_slice %arg4[%dma_start3A_743, %multiple_of3A_724] : memref<32x1000000xf32, #tpu.memory_space<hbm>> -> memref<32x128xf32, #tpu.memory_space<hbm>>
      tpu.enqueue_dma source(%dma_start3A_744 : memref<32x128xf32, #tpu.memory_space<hbm>>) target(%dma_start3A_742 : memref<32x128xf32, #tpu.memory_space<vmem>>) target_semaphore(%arg16 : memref<!tpu.dma_semaphore, #tpu.memory_space<semaphore_mem>>)
      %dma_start3A_745 = arith.constant 1 : i32
      %dma_start3A_746 = arith.constant 0 : i32
      %dma_start3A_747 = arith.constant 0 : i32
      %dma_start3A_748 = tpu.memref_slice %arg12[%dma_start3A_745, %dma_start3A_746, %dma_start3A_747] : memref<8x32x128xf32, #tpu.memory_space<vmem>> -> memref<1x32x128xf32, #tpu.memory_space<vmem>>
      %dma_start3A_749 = tpu.memref_squeeze %dma_start3A_748 : memref<1x32x128xf32, #tpu.memory_space<vmem>> -> memref<32x128xf32, #tpu.memory_space<vmem>>
      %dma_start3A_750 = arith.constant 0 : i32
      %dma_start3A_751 = tpu.memref_slice %arg5[%dma_start3A_750, %multiple_of3A_731] : memref<32x1000000xf32, #tpu.memory_space<hbm>> -> memref<32x128xf32, #tpu.memory_space<hbm>>
      %dma_start3A_752 = arith.constant 0 : i32
      %dma_start3A_753 = arith.constant 0 : i32
      %dma_start3A_754 = tpu.memref_slice %arg12[%dma_start3A_745, %dma_start3A_752, %dma_start3A_753] : memref<8x32x128xf32, #tpu.memory_space<vmem>> -> memref<1x32x128xf32, #tpu.memory_space<vmem>>
      %dma_start3A_755 = tpu.memref_squeeze %dma_start3A_754 : memref<1x32x128xf32, #tpu.memory_space<vmem>> -> memref<32x128xf32, #tpu.memory_space<vmem>>
      %dma_start3A_756 = arith.constant 0 : i32
      %dma_start3A_757 = tpu.memref_slice %arg5[%dma_start3A_756, %multiple_of3A_731] : memref<32x1000000xf32, #tpu.memory_space<hbm>> -> memref<32x128xf32, #tpu.memory_space<hbm>>
      tpu.enqueue_dma source(%dma_start3A_757 : memref<32x128xf32, #tpu.memory_space<hbm>>) target(%dma_start3A_755 : memref<32x128xf32, #tpu.memory_space<vmem>>) target_semaphore(%arg16 : memref<!tpu.dma_semaphore, #tpu.memory_space<semaphore_mem>>)
      %slice3A_758 = vector.extract_strided_slice %get3A_17 {offsets = [10], sizes = [1], strides = [1]} : vector<16xi32> to vector<1xi32>
      %squeeze3A_759 = vector.extract %slice3A_758[0] : i32 from vector<1xi32>
      %shift_right_arithmetic3A_760 = arith.constant 7 : i32
      %shift_right_arithmetic3A_761 = arith.shrsi %squeeze3A_759, %shift_right_arithmetic3A_760 : i32
      %mul3A_762 = arith.constant 128 : i32
      %mul3A_763 = arith.muli %shift_right_arithmetic3A_761, %mul3A_762 : i32
      %multiple_of3A_764 = tpu.assume_multiple %mul3A_763, 128 : i32
      %slice3A_765 = vector.extract_strided_slice %get3A_21 {offsets = [10], sizes = [1], strides = [1]} : vector<16xi32> to vector<1xi32>
      %squeeze3A_766 = vector.extract %slice3A_765[0] : i32 from vector<1xi32>
      %shift_right_arithmetic3A_767 = arith.constant 7 : i32
      %shift_right_arithmetic3A_768 = arith.shrsi %squeeze3A_766, %shift_right_arithmetic3A_767 : i32
      %mul3A_769 = arith.constant 128 : i32
      %mul3A_770 = arith.muli %shift_right_arithmetic3A_768, %mul3A_769 : i32
      %multiple_of3A_771 = tpu.assume_multiple %mul3A_770, 128 : i32
      %dma_start3A_772 = arith.constant 2 : i32
      %dma_start3A_773 = arith.constant 0 : i32
      %dma_start3A_774 = arith.constant 0 : i32
      %dma_start3A_775 = tpu.memref_slice %arg11[%dma_start3A_772, %dma_start3A_773, %dma_start3A_774] : memref<8x32x128xf32, #tpu.memory_space<vmem>> -> memref<1x32x128xf32, #tpu.memory_space<vmem>>
      %dma_start3A_776 = tpu.memref_squeeze %dma_start3A_775 : memref<1x32x128xf32, #tpu.memory_space<vmem>> -> memref<32x128xf32, #tpu.memory_space<vmem>>
      %dma_start3A_777 = arith.constant 0 : i32
      %dma_start3A_778 = tpu.memref_slice %arg4[%dma_start3A_777, %multiple_of3A_764] : memref<32x1000000xf32, #tpu.memory_space<hbm>> -> memref<32x128xf32, #tpu.memory_space<hbm>>
      %dma_start3A_779 = arith.constant 0 : i32
      %dma_start3A_780 = arith.constant 0 : i32
      %dma_start3A_781 = tpu.memref_slice %arg11[%dma_start3A_772, %dma_start3A_779, %dma_start3A_780] : memref<8x32x128xf32, #tpu.memory_space<vmem>> -> memref<1x32x128xf32, #tpu.memory_space<vmem>>
      %dma_start3A_782 = tpu.memref_squeeze %dma_start3A_781 : memref<1x32x128xf32, #tpu.memory_space<vmem>> -> memref<32x128xf32, #tpu.memory_space<vmem>>
      %dma_start3A_783 = arith.constant 0 : i32
      %dma_start3A_784 = tpu.memref_slice %arg4[%dma_start3A_783, %multiple_of3A_764] : memref<32x1000000xf32, #tpu.memory_space<hbm>> -> memref<32x128xf32, #tpu.memory_space<hbm>>
      tpu.enqueue_dma source(%dma_start3A_784 : memref<32x128xf32, #tpu.memory_space<hbm>>) target(%dma_start3A_782 : memref<32x128xf32, #tpu.memory_space<vmem>>) target_semaphore(%arg16 : memref<!tpu.dma_semaphore, #tpu.memory_space<semaphore_mem>>)
      %dma_start3A_785 = arith.constant 2 : i32
      %dma_start3A_786 = arith.constant 0 : i32
      %dma_start3A_787 = arith.constant 0 : i32
      %dma_start3A_788 = tpu.memref_slice %arg12[%dma_start3A_785, %dma_start3A_786, %dma_start3A_787] : memref<8x32x128xf32, #tpu.memory_space<vmem>> -> memref<1x32x128xf32, #tpu.memory_space<vmem>>
      %dma_start3A_789 = tpu.memref_squeeze %dma_start3A_788 : memref<1x32x128xf32, #tpu.memory_space<vmem>> -> memref<32x128xf32, #tpu.memory_space<vmem>>
      %dma_start3A_790 = arith.constant 0 : i32
      %dma_start3A_791 = tpu.memref_slice %arg5[%dma_start3A_790, %multiple_of3A_771] : memref<32x1000000xf32, #tpu.memory_space<hbm>> -> memref<32x128xf32, #tpu.memory_space<hbm>>
      %dma_start3A_792 = arith.constant 0 : i32
      %dma_start3A_793 = arith.constant 0 : i32
      %dma_start3A_794 = tpu.memref_slice %arg12[%dma_start3A_785, %dma_start3A_792, %dma_start3A_793] : memref<8x32x128xf32, #tpu.memory_space<vmem>> -> memref<1x32x128xf32, #tpu.memory_space<vmem>>
      %dma_start3A_795 = tpu.memref_squeeze %dma_start3A_794 : memref<1x32x128xf32, #tpu.memory_space<vmem>> -> memref<32x128xf32, #tpu.memory_space<vmem>>
      %dma_start3A_796 = arith.constant 0 : i32
      %dma_start3A_797 = tpu.memref_slice %arg5[%dma_start3A_796, %multiple_of3A_771] : memref<32x1000000xf32, #tpu.memory_space<hbm>> -> memref<32x128xf32, #tpu.memory_space<hbm>>
      tpu.enqueue_dma source(%dma_start3A_797 : memref<32x128xf32, #tpu.memory_space<hbm>>) target(%dma_start3A_795 : memref<32x128xf32, #tpu.memory_space<vmem>>) target_semaphore(%arg16 : memref<!tpu.dma_semaphore, #tpu.memory_space<semaphore_mem>>)
      %slice3A_798 = vector.extract_strided_slice %get3A_17 {offsets = [11], sizes = [1], strides = [1]} : vector<16xi32> to vector<1xi32>
      %squeeze3A_799 = vector.extract %slice3A_798[0] : i32 from vector<1xi32>
      %shift_right_arithmetic3A_800 = arith.constant 7 : i32
      %shift_right_arithmetic3A_801 = arith.shrsi %squeeze3A_799, %shift_right_arithmetic3A_800 : i32
      %mul3A_802 = arith.constant 128 : i32
      %mul3A_803 = arith.muli %shift_right_arithmetic3A_801, %mul3A_802 : i32
      %multiple_of3A_804 = tpu.assume_multiple %mul3A_803, 128 : i32
      %slice3A_805 = vector.extract_strided_slice %get3A_21 {offsets = [11], sizes = [1], strides = [1]} : vector<16xi32> to vector<1xi32>
      %squeeze3A_806 = vector.extract %slice3A_805[0] : i32 from vector<1xi32>
      %shift_right_arithmetic3A_807 = arith.constant 7 : i32
      %shift_right_arithmetic3A_808 = arith.shrsi %squeeze3A_806, %shift_right_arithmetic3A_807 : i32
      %mul3A_809 = arith.constant 128 : i32
      %mul3A_810 = arith.muli %shift_right_arithmetic3A_808, %mul3A_809 : i32
      %multiple_of3A_811 = tpu.assume_multiple %mul3A_810, 128 : i32
      %dma_start3A_812 = arith.constant 3 : i32
      %dma_start3A_813 = arith.constant 0 : i32
      %dma_start3A_814 = arith.constant 0 : i32
      %dma_start3A_815 = tpu.memref_slice %arg11[%dma_start3A_812, %dma_start3A_813, %dma_start3A_814] : memref<8x32x128xf32, #tpu.memory_space<vmem>> -> memref<1x32x128xf32, #tpu.memory_space<vmem>>
      %dma_start3A_816 = tpu.memref_squeeze %dma_start3A_815 : memref<1x32x128xf32, #tpu.memory_space<vmem>> -> memref<32x128xf32, #tpu.memory_space<vmem>>
      %dma_start3A_817 = arith.constant 0 : i32
      %dma_start3A_818 = tpu.memref_slice %arg4[%dma_start3A_817, %multiple_of3A_804] : memref<32x1000000xf32, #tpu.memory_space<hbm>> -> memref<32x128xf32, #tpu.memory_space<hbm>>
      %dma_start3A_819 = arith.constant 0 : i32
      %dma_start3A_820 = arith.constant 0 : i32
      %dma_start3A_821 = tpu.memref_slice %arg11[%dma_start3A_812, %dma_start3A_819, %dma_start3A_820] : memref<8x32x128xf32, #tpu.memory_space<vmem>> -> memref<1x32x128xf32, #tpu.memory_space<vmem>>
      %dma_start3A_822 = tpu.memref_squeeze %dma_start3A_821 : memref<1x32x128xf32, #tpu.memory_space<vmem>> -> memref<32x128xf32, #tpu.memory_space<vmem>>
      %dma_start3A_823 = arith.constant 0 : i32
      %dma_start3A_824 = tpu.memref_slice %arg4[%dma_start3A_823, %multiple_of3A_804] : memref<32x1000000xf32, #tpu.memory_space<hbm>> -> memref<32x128xf32, #tpu.memory_space<hbm>>
      tpu.enqueue_dma source(%dma_start3A_824 : memref<32x128xf32, #tpu.memory_space<hbm>>) target(%dma_start3A_822 : memref<32x128xf32, #tpu.memory_space<vmem>>) target_semaphore(%arg16 : memref<!tpu.dma_semaphore, #tpu.memory_space<semaphore_mem>>)
      %dma_start3A_825 = arith.constant 3 : i32
      %dma_start3A_826 = arith.constant 0 : i32
      %dma_start3A_827 = arith.constant 0 : i32
      %dma_start3A_828 = tpu.memref_slice %arg12[%dma_start3A_825, %dma_start3A_826, %dma_start3A_827] : memref<8x32x128xf32, #tpu.memory_space<vmem>> -> memref<1x32x128xf32, #tpu.memory_space<vmem>>
      %dma_start3A_829 = tpu.memref_squeeze %dma_start3A_828 : memref<1x32x128xf32, #tpu.memory_space<vmem>> -> memref<32x128xf32, #tpu.memory_space<vmem>>
      %dma_start3A_830 = arith.constant 0 : i32
      %dma_start3A_831 = tpu.memref_slice %arg5[%dma_start3A_830, %multiple_of3A_811] : memref<32x1000000xf32, #tpu.memory_space<hbm>> -> memref<32x128xf32, #tpu.memory_space<hbm>>
      %dma_start3A_832 = arith.constant 0 : i32
      %dma_start3A_833 = arith.constant 0 : i32
      %dma_start3A_834 = tpu.memref_slice %arg12[%dma_start3A_825, %dma_start3A_832, %dma_start3A_833] : memref<8x32x128xf32, #tpu.memory_space<vmem>> -> memref<1x32x128xf32, #tpu.memory_space<vmem>>
      %dma_start3A_835 = tpu.memref_squeeze %dma_start3A_834 : memref<1x32x128xf32, #tpu.memory_space<vmem>> -> memref<32x128xf32, #tpu.memory_space<vmem>>
      %dma_start3A_836 = arith.constant 0 : i32
      %dma_start3A_837 = tpu.memref_slice %arg5[%dma_start3A_836, %multiple_of3A_811] : memref<32x1000000xf32, #tpu.memory_space<hbm>> -> memref<32x128xf32, #tpu.memory_space<hbm>>
      tpu.enqueue_dma source(%dma_start3A_837 : memref<32x128xf32, #tpu.memory_space<hbm>>) target(%dma_start3A_835 : memref<32x128xf32, #tpu.memory_space<vmem>>) target_semaphore(%arg16 : memref<!tpu.dma_semaphore, #tpu.memory_space<semaphore_mem>>)
      %dma_wait3A_838 = arith.constant 4 : i32
      %dma_wait3A_839 = arith.constant 0 : i32
      %dma_wait3A_840 = arith.constant 0 : i32
      %dma_wait3A_841 = tpu.memref_slice %arg11[%dma_wait3A_838, %dma_wait3A_839, %dma_wait3A_840] : memref<8x32x128xf32, #tpu.memory_space<vmem>> -> memref<1x32x128xf32, #tpu.memory_space<vmem>>
      %dma_wait3A_842 = tpu.memref_squeeze %dma_wait3A_841 : memref<1x32x128xf32, #tpu.memory_space<vmem>> -> memref<32x128xf32, #tpu.memory_space<vmem>>
      %dma_wait3A_843 = arith.constant 0 : i32
      %dma_wait3A_844 = tpu.memref_slice %arg4[%dma_wait3A_843, %multiple_of3A_183] : memref<32x1000000xf32, #tpu.memory_space<hbm>> -> memref<32x128xf32, #tpu.memory_space<hbm>>
      %dma_wait3A_845 = arith.constant 0 : i32
      %dma_wait3A_846 = arith.constant 0 : i32
      %dma_wait3A_847 = tpu.memref_slice %arg11[%dma_wait3A_838, %dma_wait3A_845, %dma_wait3A_846] : memref<8x32x128xf32, #tpu.memory_space<vmem>> -> memref<1x32x128xf32, #tpu.memory_space<vmem>>
      %dma_wait3A_848 = tpu.memref_squeeze %dma_wait3A_847 : memref<1x32x128xf32, #tpu.memory_space<vmem>> -> memref<32x128xf32, #tpu.memory_space<vmem>>
      %dma_wait3A_849 = arith.constant 0 : i32
      %dma_wait3A_850 = tpu.memref_slice %arg4[%dma_wait3A_849, %multiple_of3A_183] : memref<32x1000000xf32, #tpu.memory_space<hbm>> -> memref<32x128xf32, #tpu.memory_space<hbm>>
      tpu.wait_dma2 semaphore(%arg17 : memref<!tpu.dma_semaphore, #tpu.memory_space<semaphore_mem>>) src(%dma_wait3A_850 : memref<32x128xf32, #tpu.memory_space<hbm>>) dst(%dma_wait3A_848 : memref<32x128xf32, #tpu.memory_space<vmem>>)
      %dma_wait3A_851 = arith.constant 4 : i32
      %dma_wait3A_852 = arith.constant 0 : i32
      %dma_wait3A_853 = arith.constant 0 : i32
      %dma_wait3A_854 = tpu.memref_slice %arg12[%dma_wait3A_851, %dma_wait3A_852, %dma_wait3A_853] : memref<8x32x128xf32, #tpu.memory_space<vmem>> -> memref<1x32x128xf32, #tpu.memory_space<vmem>>
      %dma_wait3A_855 = tpu.memref_squeeze %dma_wait3A_854 : memref<1x32x128xf32, #tpu.memory_space<vmem>> -> memref<32x128xf32, #tpu.memory_space<vmem>>
      %dma_wait3A_856 = arith.constant 0 : i32
      %dma_wait3A_857 = tpu.memref_slice %arg5[%dma_wait3A_856, %multiple_of3A_190] : memref<32x1000000xf32, #tpu.memory_space<hbm>> -> memref<32x128xf32, #tpu.memory_space<hbm>>
      %dma_wait3A_858 = arith.constant 0 : i32
      %dma_wait3A_859 = arith.constant 0 : i32
      %dma_wait3A_860 = tpu.memref_slice %arg12[%dma_wait3A_851, %dma_wait3A_858, %dma_wait3A_859] : memref<8x32x128xf32, #tpu.memory_space<vmem>> -> memref<1x32x128xf32, #tpu.memory_space<vmem>>
      %dma_wait3A_861 = tpu.memref_squeeze %dma_wait3A_860 : memref<1x32x128xf32, #tpu.memory_space<vmem>> -> memref<32x128xf32, #tpu.memory_space<vmem>>
      %dma_wait3A_862 = arith.constant 0 : i32
      %dma_wait3A_863 = tpu.memref_slice %arg5[%dma_wait3A_862, %multiple_of3A_190] : memref<32x1000000xf32, #tpu.memory_space<hbm>> -> memref<32x128xf32, #tpu.memory_space<hbm>>
      tpu.wait_dma2 semaphore(%arg17 : memref<!tpu.dma_semaphore, #tpu.memory_space<semaphore_mem>>) src(%dma_wait3A_863 : memref<32x128xf32, #tpu.memory_space<hbm>>) dst(%dma_wait3A_861 : memref<32x128xf32, #tpu.memory_space<vmem>>)
      %dma_wait3A_864 = arith.constant 5 : i32
      %dma_wait3A_865 = arith.constant 0 : i32
      %dma_wait3A_866 = arith.constant 0 : i32
      %dma_wait3A_867 = tpu.memref_slice %arg11[%dma_wait3A_864, %dma_wait3A_865, %dma_wait3A_866] : memref<8x32x128xf32, #tpu.memory_space<vmem>> -> memref<1x32x128xf32, #tpu.memory_space<vmem>>
      %dma_wait3A_868 = tpu.memref_squeeze %dma_wait3A_867 : memref<1x32x128xf32, #tpu.memory_space<vmem>> -> memref<32x128xf32, #tpu.memory_space<vmem>>
      %dma_wait3A_869 = arith.constant 0 : i32
      %dma_wait3A_870 = tpu.memref_slice %arg4[%dma_wait3A_869, %multiple_of3A_223] : memref<32x1000000xf32, #tpu.memory_space<hbm>> -> memref<32x128xf32, #tpu.memory_space<hbm>>
      %dma_wait3A_871 = arith.constant 0 : i32
      %dma_wait3A_872 = arith.constant 0 : i32
      %dma_wait3A_873 = tpu.memref_slice %arg11[%dma_wait3A_864, %dma_wait3A_871, %dma_wait3A_872] : memref<8x32x128xf32, #tpu.memory_space<vmem>> -> memref<1x32x128xf32, #tpu.memory_space<vmem>>
      %dma_wait3A_874 = tpu.memref_squeeze %dma_wait3A_873 : memref<1x32x128xf32, #tpu.memory_space<vmem>> -> memref<32x128xf32, #tpu.memory_space<vmem>>
      %dma_wait3A_875 = arith.constant 0 : i32
      %dma_wait3A_876 = tpu.memref_slice %arg4[%dma_wait3A_875, %multiple_of3A_223] : memref<32x1000000xf32, #tpu.memory_space<hbm>> -> memref<32x128xf32, #tpu.memory_space<hbm>>
      tpu.wait_dma2 semaphore(%arg17 : memref<!tpu.dma_semaphore, #tpu.memory_space<semaphore_mem>>) src(%dma_wait3A_876 : memref<32x128xf32, #tpu.memory_space<hbm>>) dst(%dma_wait3A_874 : memref<32x128xf32, #tpu.memory_space<vmem>>)
      %dma_wait3A_877 = arith.constant 5 : i32
      %dma_wait3A_878 = arith.constant 0 : i32
      %dma_wait3A_879 = arith.constant 0 : i32
      %dma_wait3A_880 = tpu.memref_slice %arg12[%dma_wait3A_877, %dma_wait3A_878, %dma_wait3A_879] : memref<8x32x128xf32, #tpu.memory_space<vmem>> -> memref<1x32x128xf32, #tpu.memory_space<vmem>>
      %dma_wait3A_881 = tpu.memref_squeeze %dma_wait3A_880 : memref<1x32x128xf32, #tpu.memory_space<vmem>> -> memref<32x128xf32, #tpu.memory_space<vmem>>
      %dma_wait3A_882 = arith.constant 0 : i32
      %dma_wait3A_883 = tpu.memref_slice %arg5[%dma_wait3A_882, %multiple_of3A_230] : memref<32x1000000xf32, #tpu.memory_space<hbm>> -> memref<32x128xf32, #tpu.memory_space<hbm>>
      %dma_wait3A_884 = arith.constant 0 : i32
      %dma_wait3A_885 = arith.constant 0 : i32
      %dma_wait3A_886 = tpu.memref_slice %arg12[%dma_wait3A_877, %dma_wait3A_884, %dma_wait3A_885] : memref<8x32x128xf32, #tpu.memory_space<vmem>> -> memref<1x32x128xf32, #tpu.memory_space<vmem>>
      %dma_wait3A_887 = tpu.memref_squeeze %dma_wait3A_886 : memref<1x32x128xf32, #tpu.memory_space<vmem>> -> memref<32x128xf32, #tpu.memory_space<vmem>>
      %dma_wait3A_888 = arith.constant 0 : i32
      %dma_wait3A_889 = tpu.memref_slice %arg5[%dma_wait3A_888, %multiple_of3A_230] : memref<32x1000000xf32, #tpu.memory_space<hbm>> -> memref<32x128xf32, #tpu.memory_space<hbm>>
      tpu.wait_dma2 semaphore(%arg17 : memref<!tpu.dma_semaphore, #tpu.memory_space<semaphore_mem>>) src(%dma_wait3A_889 : memref<32x128xf32, #tpu.memory_space<hbm>>) dst(%dma_wait3A_887 : memref<32x128xf32, #tpu.memory_space<vmem>>)
      %dma_wait3A_890 = arith.constant 6 : i32
      %dma_wait3A_891 = arith.constant 0 : i32
      %dma_wait3A_892 = arith.constant 0 : i32
      %dma_wait3A_893 = tpu.memref_slice %arg11[%dma_wait3A_890, %dma_wait3A_891, %dma_wait3A_892] : memref<8x32x128xf32, #tpu.memory_space<vmem>> -> memref<1x32x128xf32, #tpu.memory_space<vmem>>
      %dma_wait3A_894 = tpu.memref_squeeze %dma_wait3A_893 : memref<1x32x128xf32, #tpu.memory_space<vmem>> -> memref<32x128xf32, #tpu.memory_space<vmem>>
      %dma_wait3A_895 = arith.constant 0 : i32
      %dma_wait3A_896 = tpu.memref_slice %arg4[%dma_wait3A_895, %multiple_of3A_263] : memref<32x1000000xf32, #tpu.memory_space<hbm>> -> memref<32x128xf32, #tpu.memory_space<hbm>>
      %dma_wait3A_897 = arith.constant 0 : i32
      %dma_wait3A_898 = arith.constant 0 : i32
      %dma_wait3A_899 = tpu.memref_slice %arg11[%dma_wait3A_890, %dma_wait3A_897, %dma_wait3A_898] : memref<8x32x128xf32, #tpu.memory_space<vmem>> -> memref<1x32x128xf32, #tpu.memory_space<vmem>>
      %dma_wait3A_900 = tpu.memref_squeeze %dma_wait3A_899 : memref<1x32x128xf32, #tpu.memory_space<vmem>> -> memref<32x128xf32, #tpu.memory_space<vmem>>
      %dma_wait3A_901 = arith.constant 0 : i32
      %dma_wait3A_902 = tpu.memref_slice %arg4[%dma_wait3A_901, %multiple_of3A_263] : memref<32x1000000xf32, #tpu.memory_space<hbm>> -> memref<32x128xf32, #tpu.memory_space<hbm>>
      tpu.wait_dma2 semaphore(%arg17 : memref<!tpu.dma_semaphore, #tpu.memory_space<semaphore_mem>>) src(%dma_wait3A_902 : memref<32x128xf32, #tpu.memory_space<hbm>>) dst(%dma_wait3A_900 : memref<32x128xf32, #tpu.memory_space<vmem>>)
      %dma_wait3A_903 = arith.constant 6 : i32
      %dma_wait3A_904 = arith.constant 0 : i32
      %dma_wait3A_905 = arith.constant 0 : i32
      %dma_wait3A_906 = tpu.memref_slice %arg12[%dma_wait3A_903, %dma_wait3A_904, %dma_wait3A_905] : memref<8x32x128xf32, #tpu.memory_space<vmem>> -> memref<1x32x128xf32, #tpu.memory_space<vmem>>
      %dma_wait3A_907 = tpu.memref_squeeze %dma_wait3A_906 : memref<1x32x128xf32, #tpu.memory_space<vmem>> -> memref<32x128xf32, #tpu.memory_space<vmem>>
      %dma_wait3A_908 = arith.constant 0 : i32
      %dma_wait3A_909 = tpu.memref_slice %arg5[%dma_wait3A_908, %multiple_of3A_270] : memref<32x1000000xf32, #tpu.memory_space<hbm>> -> memref<32x128xf32, #tpu.memory_space<hbm>>
      %dma_wait3A_910 = arith.constant 0 : i32
      %dma_wait3A_911 = arith.constant 0 : i32
      %dma_wait3A_912 = tpu.memref_slice %arg12[%dma_wait3A_903, %dma_wait3A_910, %dma_wait3A_911] : memref<8x32x128xf32, #tpu.memory_space<vmem>> -> memref<1x32x128xf32, #tpu.memory_space<vmem>>
      %dma_wait3A_913 = tpu.memref_squeeze %dma_wait3A_912 : memref<1x32x128xf32, #tpu.memory_space<vmem>> -> memref<32x128xf32, #tpu.memory_space<vmem>>
      %dma_wait3A_914 = arith.constant 0 : i32
      %dma_wait3A_915 = tpu.memref_slice %arg5[%dma_wait3A_914, %multiple_of3A_270] : memref<32x1000000xf32, #tpu.memory_space<hbm>> -> memref<32x128xf32, #tpu.memory_space<hbm>>
      tpu.wait_dma2 semaphore(%arg17 : memref<!tpu.dma_semaphore, #tpu.memory_space<semaphore_mem>>) src(%dma_wait3A_915 : memref<32x128xf32, #tpu.memory_space<hbm>>) dst(%dma_wait3A_913 : memref<32x128xf32, #tpu.memory_space<vmem>>)
      %dma_wait3A_916 = arith.constant 7 : i32
      %dma_wait3A_917 = arith.constant 0 : i32
      %dma_wait3A_918 = arith.constant 0 : i32
      %dma_wait3A_919 = tpu.memref_slice %arg11[%dma_wait3A_916, %dma_wait3A_917, %dma_wait3A_918] : memref<8x32x128xf32, #tpu.memory_space<vmem>> -> memref<1x32x128xf32, #tpu.memory_space<vmem>>
      %dma_wait3A_920 = tpu.memref_squeeze %dma_wait3A_919 : memref<1x32x128xf32, #tpu.memory_space<vmem>> -> memref<32x128xf32, #tpu.memory_space<vmem>>
      %dma_wait3A_921 = arith.constant 0 : i32
      %dma_wait3A_922 = tpu.memref_slice %arg4[%dma_wait3A_921, %multiple_of3A_303] : memref<32x1000000xf32, #tpu.memory_space<hbm>> -> memref<32x128xf32, #tpu.memory_space<hbm>>
      %dma_wait3A_923 = arith.constant 0 : i32
      %dma_wait3A_924 = arith.constant 0 : i32
      %dma_wait3A_925 = tpu.memref_slice %arg11[%dma_wait3A_916, %dma_wait3A_923, %dma_wait3A_924] : memref<8x32x128xf32, #tpu.memory_space<vmem>> -> memref<1x32x128xf32, #tpu.memory_space<vmem>>
      %dma_wait3A_926 = tpu.memref_squeeze %dma_wait3A_925 : memref<1x32x128xf32, #tpu.memory_space<vmem>> -> memref<32x128xf32, #tpu.memory_space<vmem>>
      %dma_wait3A_927 = arith.constant 0 : i32
      %dma_wait3A_928 = tpu.memref_slice %arg4[%dma_wait3A_927, %multiple_of3A_303] : memref<32x1000000xf32, #tpu.memory_space<hbm>> -> memref<32x128xf32, #tpu.memory_space<hbm>>
      tpu.wait_dma2 semaphore(%arg17 : memref<!tpu.dma_semaphore, #tpu.memory_space<semaphore_mem>>) src(%dma_wait3A_928 : memref<32x128xf32, #tpu.memory_space<hbm>>) dst(%dma_wait3A_926 : memref<32x128xf32, #tpu.memory_space<vmem>>)
      %dma_wait3A_929 = arith.constant 7 : i32
      %dma_wait3A_930 = arith.constant 0 : i32
      %dma_wait3A_931 = arith.constant 0 : i32
      %dma_wait3A_932 = tpu.memref_slice %arg12[%dma_wait3A_929, %dma_wait3A_930, %dma_wait3A_931] : memref<8x32x128xf32, #tpu.memory_space<vmem>> -> memref<1x32x128xf32, #tpu.memory_space<vmem>>
      %dma_wait3A_933 = tpu.memref_squeeze %dma_wait3A_932 : memref<1x32x128xf32, #tpu.memory_space<vmem>> -> memref<32x128xf32, #tpu.memory_space<vmem>>
      %dma_wait3A_934 = arith.constant 0 : i32
      %dma_wait3A_935 = tpu.memref_slice %arg5[%dma_wait3A_934, %multiple_of3A_310] : memref<32x1000000xf32, #tpu.memory_space<hbm>> -> memref<32x128xf32, #tpu.memory_space<hbm>>
      %dma_wait3A_936 = arith.constant 0 : i32
      %dma_wait3A_937 = arith.constant 0 : i32
      %dma_wait3A_938 = tpu.memref_slice %arg12[%dma_wait3A_929, %dma_wait3A_936, %dma_wait3A_937] : memref<8x32x128xf32, #tpu.memory_space<vmem>> -> memref<1x32x128xf32, #tpu.memory_space<vmem>>
      %dma_wait3A_939 = tpu.memref_squeeze %dma_wait3A_938 : memref<1x32x128xf32, #tpu.memory_space<vmem>> -> memref<32x128xf32, #tpu.memory_space<vmem>>
      %dma_wait3A_940 = arith.constant 0 : i32
      %dma_wait3A_941 = tpu.memref_slice %arg5[%dma_wait3A_940, %multiple_of3A_310] : memref<32x1000000xf32, #tpu.memory_space<hbm>> -> memref<32x128xf32, #tpu.memory_space<hbm>>
      tpu.wait_dma2 semaphore(%arg17 : memref<!tpu.dma_semaphore, #tpu.memory_space<semaphore_mem>>) src(%dma_wait3A_941 : memref<32x128xf32, #tpu.memory_space<hbm>>) dst(%dma_wait3A_939 : memref<32x128xf32, #tpu.memory_space<vmem>>)
      %broadcast_in_dim3A_942 = arith.constant 0 : i32
      %broadcast_in_dim3A_943 = vector.broadcast %broadcast_in_dim3A_942 : i32 to vector<16xi32>
      %slice3A_944 = vector.extract_strided_slice %get3A_17 {offsets = [4], sizes = [1], strides = [1]} : vector<16xi32> to vector<1xi32>
      %squeeze3A_945 = vector.extract %slice3A_944[0] : i32 from vector<1xi32>
      %and3A_946 = arith.constant 127 : i32
      %and3A_947 = arith.andi %squeeze3A_945, %and3A_946 : i32
      %add3A_948 = vector.broadcast %and3A_947 : i32 to vector<16xi32>
      %add3A_949 = arith.addi %broadcast_in_dim3A_943, %add3A_948 : vector<16xi32>
      %broadcast_in_dim3A_950 = arith.constant 0 : i32
      %broadcast_in_dim3A_951 = vector.broadcast %broadcast_in_dim3A_950 : i32 to vector<16xi32>
      %slice3A_952 = vector.extract_strided_slice %get3A_21 {offsets = [4], sizes = [1], strides = [1]} : vector<16xi32> to vector<1xi32>
      %squeeze3A_953 = vector.extract %slice3A_952[0] : i32 from vector<1xi32>
      %and3A_954 = arith.constant 127 : i32
      %and3A_955 = arith.andi %squeeze3A_953, %and3A_954 : i32
      %add3A_956 = vector.broadcast %and3A_955 : i32 to vector<16xi32>
      %add3A_957 = arith.addi %broadcast_in_dim3A_951, %add3A_956 : vector<16xi32>
      %gather3A_958 = arith.constant 4 : i32
      %gather3A_959 = arith.constant 0 : i32
      %gather3A_960 = arith.constant 0 : i32
      %gather3A_961 = tpu.memref_slice %arg11[%gather3A_958, %gather3A_959, %gather3A_960] : memref<8x32x128xf32, #tpu.memory_space<vmem>> -> memref<1x32x128xf32, #tpu.memory_space<vmem>>
      %gather3A_962 = tpu.memref_squeeze %gather3A_961 : memref<1x32x128xf32, #tpu.memory_space<vmem>> -> memref<32x128xf32, #tpu.memory_space<vmem>>
      %gather3A_963 = tpu.vector_load_idx %gather3A_962[%iota3A, %add3A_949] : memref<32x128xf32, #tpu.memory_space<vmem>>[vector<16xi32>, vector<16xi32>], vector<16xf32>,
      %add3A_964 = arith.constant 16 : i32
      %add3A_965 = vector.broadcast %add3A_964 : i32 to vector<16xi32>
      %add3A_966 = arith.addi %iota3A, %add3A_965 : vector<16xi32>
      %gather3A_967 = arith.constant 4 : i32
      %gather3A_968 = arith.constant 0 : i32
      %gather3A_969 = arith.constant 0 : i32
      %gather3A_970 = tpu.memref_slice %arg11[%gather3A_967, %gather3A_968, %gather3A_969] : memref<8x32x128xf32, #tpu.memory_space<vmem>> -> memref<1x32x128xf32, #tpu.memory_space<vmem>>
      %gather3A_971 = tpu.memref_squeeze %gather3A_970 : memref<1x32x128xf32, #tpu.memory_space<vmem>> -> memref<32x128xf32, #tpu.memory_space<vmem>>
      %gather3A_972 = tpu.vector_load_idx %gather3A_971[%add3A_966, %add3A_949] : memref<32x128xf32, #tpu.memory_space<vmem>>[vector<16xi32>, vector<16xi32>], vector<16xf32>,
      %gather3A_973 = arith.constant 4 : i32
      %gather3A_974 = arith.constant 0 : i32
      %gather3A_975 = arith.constant 0 : i32
      %gather3A_976 = tpu.memref_slice %arg12[%gather3A_973, %gather3A_974, %gather3A_975] : memref<8x32x128xf32, #tpu.memory_space<vmem>> -> memref<1x32x128xf32, #tpu.memory_space<vmem>>
      %gather3A_977 = tpu.memref_squeeze %gather3A_976 : memref<1x32x128xf32, #tpu.memory_space<vmem>> -> memref<32x128xf32, #tpu.memory_space<vmem>>
      %gather3A_978 = tpu.vector_load_idx %gather3A_977[%iota3A, %add3A_957] : memref<32x128xf32, #tpu.memory_space<vmem>>[vector<16xi32>, vector<16xi32>], vector<16xf32>,
      %add3A_979 = arith.constant 16 : i32
      %add3A_980 = vector.broadcast %add3A_979 : i32 to vector<16xi32>
      %add3A_981 = arith.addi %iota3A, %add3A_980 : vector<16xi32>
      %gather3A_982 = arith.constant 4 : i32
      %gather3A_983 = arith.constant 0 : i32
      %gather3A_984 = arith.constant 0 : i32
      %gather3A_985 = tpu.memref_slice %arg12[%gather3A_982, %gather3A_983, %gather3A_984] : memref<8x32x128xf32, #tpu.memory_space<vmem>> -> memref<1x32x128xf32, #tpu.memory_space<vmem>>
      %gather3A_986 = tpu.memref_squeeze %gather3A_985 : memref<1x32x128xf32, #tpu.memory_space<vmem>> -> memref<32x128xf32, #tpu.memory_space<vmem>>
      %gather3A_987 = tpu.vector_load_idx %gather3A_986[%add3A_981, %add3A_957] : memref<32x128xf32, #tpu.memory_space<vmem>>[vector<16xi32>, vector<16xi32>], vector<16xf32>,
      %mul3A_988 = arith.mulf %gather3A_963, %gather3A_978 : vector<16xf32>
      %mul3A_989 = arith.mulf %mul3A_988, %get3A_3 : vector<16xf32>
      %mul3A_990 = arith.mulf %gather3A_972, %gather3A_987 : vector<16xf32>
      %mul3A_991 = arith.mulf %mul3A_990, %get3A_5 : vector<16xf32>
      %add3A_992 = arith.addf %mul3A_989, %mul3A_991 : vector<16xf32>
      %reduce_sum3A_993 = arith.constant true
      %reduce_sum3A_994 = vector.broadcast %reduce_sum3A_993 : i1 to vector<16xi1>
      %reduce_sum3A_995 = tpu.scan <sum>, %add3A_992 masked %reduce_sum3A_994 : vector<16xf32>, vector<16xi1> -> vector<16xf32>
      %reduce_sum3A_996 = vector.extract %reduce_sum3A_995[15] : f32 from vector<16xf32>
      %eq3A_997 = arith.constant 4 : i32
      %eq3A_998 = vector.broadcast %eq3A_997 : i32 to vector<16xi32>
      %eq3A_999 = arith.cmpi eq, %iota3A, %eq3A_998 : vector<16xi32>
      %add3A_1000 = vector.broadcast %reduce_sum3A_996 : f32 to vector<16xf32>
      %add3A_1001 = arith.addf %select_n3A_677, %add3A_1000 : vector<16xf32>
      %select_n3A_1002 = arith.select %eq3A_999, %add3A_1001, %select_n3A_677 : vector<16xi1>, vector<16xf32>
      %broadcast_in_dim3A_1003 = arith.constant 0 : i32
      %broadcast_in_dim3A_1004 = vector.broadcast %broadcast_in_dim3A_1003 : i32 to vector<16xi32>
      %slice3A_1005 = vector.extract_strided_slice %get3A_17 {offsets = [5], sizes = [1], strides = [1]} : vector<16xi32> to vector<1xi32>
      %squeeze3A_1006 = vector.extract %slice3A_1005[0] : i32 from vector<1xi32>
      %and3A_1007 = arith.constant 127 : i32
      %and3A_1008 = arith.andi %squeeze3A_1006, %and3A_1007 : i32
      %add3A_1009 = vector.broadcast %and3A_1008 : i32 to vector<16xi32>
      %add3A_1010 = arith.addi %broadcast_in_dim3A_1004, %add3A_1009 : vector<16xi32>
      %broadcast_in_dim3A_1011 = arith.constant 0 : i32
      %broadcast_in_dim3A_1012 = vector.broadcast %broadcast_in_dim3A_1011 : i32 to vector<16xi32>
      %slice3A_1013 = vector.extract_strided_slice %get3A_21 {offsets = [5], sizes = [1], strides = [1]} : vector<16xi32> to vector<1xi32>
      %squeeze3A_1014 = vector.extract %slice3A_1013[0] : i32 from vector<1xi32>
      %and3A_1015 = arith.constant 127 : i32
      %and3A_1016 = arith.andi %squeeze3A_1014, %and3A_1015 : i32
      %add3A_1017 = vector.broadcast %and3A_1016 : i32 to vector<16xi32>
      %add3A_1018 = arith.addi %broadcast_in_dim3A_1012, %add3A_1017 : vector<16xi32>
      %gather3A_1019 = arith.constant 5 : i32
      %gather3A_1020 = arith.constant 0 : i32
      %gather3A_1021 = arith.constant 0 : i32
      %gather3A_1022 = tpu.memref_slice %arg11[%gather3A_1019, %gather3A_1020, %gather3A_1021] : memref<8x32x128xf32, #tpu.memory_space<vmem>> -> memref<1x32x128xf32, #tpu.memory_space<vmem>>
      %gather3A_1023 = tpu.memref_squeeze %gather3A_1022 : memref<1x32x128xf32, #tpu.memory_space<vmem>> -> memref<32x128xf32, #tpu.memory_space<vmem>>
      %gather3A_1024 = tpu.vector_load_idx %gather3A_1023[%iota3A, %add3A_1010] : memref<32x128xf32, #tpu.memory_space<vmem>>[vector<16xi32>, vector<16xi32>], vector<16xf32>,
      %add3A_1025 = arith.constant 16 : i32
      %add3A_1026 = vector.broadcast %add3A_1025 : i32 to vector<16xi32>
      %add3A_1027 = arith.addi %iota3A, %add3A_1026 : vector<16xi32>
      %gather3A_1028 = arith.constant 5 : i32
      %gather3A_1029 = arith.constant 0 : i32
      %gather3A_1030 = arith.constant 0 : i32
      %gather3A_1031 = tpu.memref_slice %arg11[%gather3A_1028, %gather3A_1029, %gather3A_1030] : memref<8x32x128xf32, #tpu.memory_space<vmem>> -> memref<1x32x128xf32, #tpu.memory_space<vmem>>
      %gather3A_1032 = tpu.memref_squeeze %gather3A_1031 : memref<1x32x128xf32, #tpu.memory_space<vmem>> -> memref<32x128xf32, #tpu.memory_space<vmem>>
      %gather3A_1033 = tpu.vector_load_idx %gather3A_1032[%add3A_1027, %add3A_1010] : memref<32x128xf32, #tpu.memory_space<vmem>>[vector<16xi32>, vector<16xi32>], vector<16xf32>,
      %gather3A_1034 = arith.constant 5 : i32
      %gather3A_1035 = arith.constant 0 : i32
      %gather3A_1036 = arith.constant 0 : i32
      %gather3A_1037 = tpu.memref_slice %arg12[%gather3A_1034, %gather3A_1035, %gather3A_1036] : memref<8x32x128xf32, #tpu.memory_space<vmem>> -> memref<1x32x128xf32, #tpu.memory_space<vmem>>
      %gather3A_1038 = tpu.memref_squeeze %gather3A_1037 : memref<1x32x128xf32, #tpu.memory_space<vmem>> -> memref<32x128xf32, #tpu.memory_space<vmem>>
      %gather3A_1039 = tpu.vector_load_idx %gather3A_1038[%iota3A, %add3A_1018] : memref<32x128xf32, #tpu.memory_space<vmem>>[vector<16xi32>, vector<16xi32>], vector<16xf32>,
      %add3A_1040 = arith.constant 16 : i32
      %add3A_1041 = vector.broadcast %add3A_1040 : i32 to vector<16xi32>
      %add3A_1042 = arith.addi %iota3A, %add3A_1041 : vector<16xi32>
      %gather3A_1043 = arith.constant 5 : i32
      %gather3A_1044 = arith.constant 0 : i32
      %gather3A_1045 = arith.constant 0 : i32
      %gather3A_1046 = tpu.memref_slice %arg12[%gather3A_1043, %gather3A_1044, %gather3A_1045] : memref<8x32x128xf32, #tpu.memory_space<vmem>> -> memref<1x32x128xf32, #tpu.memory_space<vmem>>
      %gather3A_1047 = tpu.memref_squeeze %gather3A_1046 : memref<1x32x128xf32, #tpu.memory_space<vmem>> -> memref<32x128xf32, #tpu.memory_space<vmem>>
      %gather3A_1048 = tpu.vector_load_idx %gather3A_1047[%add3A_1042, %add3A_1018] : memref<32x128xf32, #tpu.memory_space<vmem>>[vector<16xi32>, vector<16xi32>], vector<16xf32>,
      %mul3A_1049 = arith.mulf %gather3A_1024, %gather3A_1039 : vector<16xf32>
      %mul3A_1050 = arith.mulf %mul3A_1049, %get3A_3 : vector<16xf32>
      %mul3A_1051 = arith.mulf %gather3A_1033, %gather3A_1048 : vector<16xf32>
      %mul3A_1052 = arith.mulf %mul3A_1051, %get3A_5 : vector<16xf32>
      %add3A_1053 = arith.addf %mul3A_1050, %mul3A_1052 : vector<16xf32>
      %reduce_sum3A_1054 = arith.constant true
      %reduce_sum3A_1055 = vector.broadcast %reduce_sum3A_1054 : i1 to vector<16xi1>
      %reduce_sum3A_1056 = tpu.scan <sum>, %add3A_1053 masked %reduce_sum3A_1055 : vector<16xf32>, vector<16xi1> -> vector<16xf32>
      %reduce_sum3A_1057 = vector.extract %reduce_sum3A_1056[15] : f32 from vector<16xf32>
      %eq3A_1058 = arith.constant 5 : i32
      %eq3A_1059 = vector.broadcast %eq3A_1058 : i32 to vector<16xi32>
      %eq3A_1060 = arith.cmpi eq, %iota3A, %eq3A_1059 : vector<16xi32>
      %add3A_1061 = vector.broadcast %reduce_sum3A_1057 : f32 to vector<16xf32>
      %add3A_1062 = arith.addf %select_n3A_1002, %add3A_1061 : vector<16xf32>
      %select_n3A_1063 = arith.select %eq3A_1060, %add3A_1062, %select_n3A_1002 : vector<16xi1>, vector<16xf32>
      %broadcast_in_dim3A_1064 = arith.constant 0 : i32
      %broadcast_in_dim3A_1065 = vector.broadcast %broadcast_in_dim3A_1064 : i32 to vector<16xi32>
      %slice3A_1066 = vector.extract_strided_slice %get3A_17 {offsets = [6], sizes = [1], strides = [1]} : vector<16xi32> to vector<1xi32>
      %squeeze3A_1067 = vector.extract %slice3A_1066[0] : i32 from vector<1xi32>
      %and3A_1068 = arith.constant 127 : i32
      %and3A_1069 = arith.andi %squeeze3A_1067, %and3A_1068 : i32
      %add3A_1070 = vector.broadcast %and3A_1069 : i32 to vector<16xi32>
      %add3A_1071 = arith.addi %broadcast_in_dim3A_1065, %add3A_1070 : vector<16xi32>
      %broadcast_in_dim3A_1072 = arith.constant 0 : i32
      %broadcast_in_dim3A_1073 = vector.broadcast %broadcast_in_dim3A_1072 : i32 to vector<16xi32>
      %slice3A_1074 = vector.extract_strided_slice %get3A_21 {offsets = [6], sizes = [1], strides = [1]} : vector<16xi32> to vector<1xi32>
      %squeeze3A_1075 = vector.extract %slice3A_1074[0] : i32 from vector<1xi32>
      %and3A_1076 = arith.constant 127 : i32
      %and3A_1077 = arith.andi %squeeze3A_1075, %and3A_1076 : i32
      %add3A_1078 = vector.broadcast %and3A_1077 : i32 to vector<16xi32>
      %add3A_1079 = arith.addi %broadcast_in_dim3A_1073, %add3A_1078 : vector<16xi32>
      %gather3A_1080 = arith.constant 6 : i32
      %gather3A_1081 = arith.constant 0 : i32
      %gather3A_1082 = arith.constant 0 : i32
      %gather3A_1083 = tpu.memref_slice %arg11[%gather3A_1080, %gather3A_1081, %gather3A_1082] : memref<8x32x128xf32, #tpu.memory_space<vmem>> -> memref<1x32x128xf32, #tpu.memory_space<vmem>>
      %gather3A_1084 = tpu.memref_squeeze %gather3A_1083 : memref<1x32x128xf32, #tpu.memory_space<vmem>> -> memref<32x128xf32, #tpu.memory_space<vmem>>
      %gather3A_1085 = tpu.vector_load_idx %gather3A_1084[%iota3A, %add3A_1071] : memref<32x128xf32, #tpu.memory_space<vmem>>[vector<16xi32>, vector<16xi32>], vector<16xf32>,
      %add3A_1086 = arith.constant 16 : i32
      %add3A_1087 = vector.broadcast %add3A_1086 : i32 to vector<16xi32>
      %add3A_1088 = arith.addi %iota3A, %add3A_1087 : vector<16xi32>
      %gather3A_1089 = arith.constant 6 : i32
      %gather3A_1090 = arith.constant 0 : i32
      %gather3A_1091 = arith.constant 0 : i32
      %gather3A_1092 = tpu.memref_slice %arg11[%gather3A_1089, %gather3A_1090, %gather3A_1091] : memref<8x32x128xf32, #tpu.memory_space<vmem>> -> memref<1x32x128xf32, #tpu.memory_space<vmem>>
      %gather3A_1093 = tpu.memref_squeeze %gather3A_1092 : memref<1x32x128xf32, #tpu.memory_space<vmem>> -> memref<32x128xf32, #tpu.memory_space<vmem>>
      %gather3A_1094 = tpu.vector_load_idx %gather3A_1093[%add3A_1088, %add3A_1071] : memref<32x128xf32, #tpu.memory_space<vmem>>[vector<16xi32>, vector<16xi32>], vector<16xf32>,
      %gather3A_1095 = arith.constant 6 : i32
      %gather3A_1096 = arith.constant 0 : i32
      %gather3A_1097 = arith.constant 0 : i32
      %gather3A_1098 = tpu.memref_slice %arg12[%gather3A_1095, %gather3A_1096, %gather3A_1097] : memref<8x32x128xf32, #tpu.memory_space<vmem>> -> memref<1x32x128xf32, #tpu.memory_space<vmem>>
      %gather3A_1099 = tpu.memref_squeeze %gather3A_1098 : memref<1x32x128xf32, #tpu.memory_space<vmem>> -> memref<32x128xf32, #tpu.memory_space<vmem>>
      %gather3A_1100 = tpu.vector_load_idx %gather3A_1099[%iota3A, %add3A_1079] : memref<32x128xf32, #tpu.memory_space<vmem>>[vector<16xi32>, vector<16xi32>], vector<16xf32>,
      %add3A_1101 = arith.constant 16 : i32
      %add3A_1102 = vector.broadcast %add3A_1101 : i32 to vector<16xi32>
      %add3A_1103 = arith.addi %iota3A, %add3A_1102 : vector<16xi32>
      %gather3A_1104 = arith.constant 6 : i32
      %gather3A_1105 = arith.constant 0 : i32
      %gather3A_1106 = arith.constant 0 : i32
      %gather3A_1107 = tpu.memref_slice %arg12[%gather3A_1104, %gather3A_1105, %gather3A_1106] : memref<8x32x128xf32, #tpu.memory_space<vmem>> -> memref<1x32x128xf32, #tpu.memory_space<vmem>>
      %gather3A_1108 = tpu.memref_squeeze %gather3A_1107 : memref<1x32x128xf32, #tpu.memory_space<vmem>> -> memref<32x128xf32, #tpu.memory_space<vmem>>
      %gather3A_1109 = tpu.vector_load_idx %gather3A_1108[%add3A_1103, %add3A_1079] : memref<32x128xf32, #tpu.memory_space<vmem>>[vector<16xi32>, vector<16xi32>], vector<16xf32>,
      %mul3A_1110 = arith.mulf %gather3A_1085, %gather3A_1100 : vector<16xf32>
      %mul3A_1111 = arith.mulf %mul3A_1110, %get3A_3 : vector<16xf32>
      %mul3A_1112 = arith.mulf %gather3A_1094, %gather3A_1109 : vector<16xf32>
      %mul3A_1113 = arith.mulf %mul3A_1112, %get3A_5 : vector<16xf32>
      %add3A_1114 = arith.addf %mul3A_1111, %mul3A_1113 : vector<16xf32>
      %reduce_sum3A_1115 = arith.constant true
      %reduce_sum3A_1116 = vector.broadcast %reduce_sum3A_1115 : i1 to vector<16xi1>
      %reduce_sum3A_1117 = tpu.scan <sum>, %add3A_1114 masked %reduce_sum3A_1116 : vector<16xf32>, vector<16xi1> -> vector<16xf32>
      %reduce_sum3A_1118 = vector.extract %reduce_sum3A_1117[15] : f32 from vector<16xf32>
      %eq3A_1119 = arith.constant 6 : i32
      %eq3A_1120 = vector.broadcast %eq3A_1119 : i32 to vector<16xi32>
      %eq3A_1121 = arith.cmpi eq, %iota3A, %eq3A_1120 : vector<16xi32>
      %add3A_1122 = vector.broadcast %reduce_sum3A_1118 : f32 to vector<16xf32>
      %add3A_1123 = arith.addf %select_n3A_1063, %add3A_1122 : vector<16xf32>
      %select_n3A_1124 = arith.select %eq3A_1121, %add3A_1123, %select_n3A_1063 : vector<16xi1>, vector<16xf32>
      %broadcast_in_dim3A_1125 = arith.constant 0 : i32
      %broadcast_in_dim3A_1126 = vector.broadcast %broadcast_in_dim3A_1125 : i32 to vector<16xi32>
      %slice3A_1127 = vector.extract_strided_slice %get3A_17 {offsets = [7], sizes = [1], strides = [1]} : vector<16xi32> to vector<1xi32>
      %squeeze3A_1128 = vector.extract %slice3A_1127[0] : i32 from vector<1xi32>
      %and3A_1129 = arith.constant 127 : i32
      %and3A_1130 = arith.andi %squeeze3A_1128, %and3A_1129 : i32
      %add3A_1131 = vector.broadcast %and3A_1130 : i32 to vector<16xi32>
      %add3A_1132 = arith.addi %broadcast_in_dim3A_1126, %add3A_1131 : vector<16xi32>
      %broadcast_in_dim3A_1133 = arith.constant 0 : i32
      %broadcast_in_dim3A_1134 = vector.broadcast %broadcast_in_dim3A_1133 : i32 to vector<16xi32>
      %slice3A_1135 = vector.extract_strided_slice %get3A_21 {offsets = [7], sizes = [1], strides = [1]} : vector<16xi32> to vector<1xi32>
      %squeeze3A_1136 = vector.extract %slice3A_1135[0] : i32 from vector<1xi32>
      %and3A_1137 = arith.constant 127 : i32
      %and3A_1138 = arith.andi %squeeze3A_1136, %and3A_1137 : i32
      %add3A_1139 = vector.broadcast %and3A_1138 : i32 to vector<16xi32>
      %add3A_1140 = arith.addi %broadcast_in_dim3A_1134, %add3A_1139 : vector<16xi32>
      %gather3A_1141 = arith.constant 7 : i32
      %gather3A_1142 = arith.constant 0 : i32
      %gather3A_1143 = arith.constant 0 : i32
      %gather3A_1144 = tpu.memref_slice %arg11[%gather3A_1141, %gather3A_1142, %gather3A_1143] : memref<8x32x128xf32, #tpu.memory_space<vmem>> -> memref<1x32x128xf32, #tpu.memory_space<vmem>>
      %gather3A_1145 = tpu.memref_squeeze %gather3A_1144 : memref<1x32x128xf32, #tpu.memory_space<vmem>> -> memref<32x128xf32, #tpu.memory_space<vmem>>
      %gather3A_1146 = tpu.vector_load_idx %gather3A_1145[%iota3A, %add3A_1132] : memref<32x128xf32, #tpu.memory_space<vmem>>[vector<16xi32>, vector<16xi32>], vector<16xf32>,
      %add3A_1147 = arith.constant 16 : i32
      %add3A_1148 = vector.broadcast %add3A_1147 : i32 to vector<16xi32>
      %add3A_1149 = arith.addi %iota3A, %add3A_1148 : vector<16xi32>
      %gather3A_1150 = arith.constant 7 : i32
      %gather3A_1151 = arith.constant 0 : i32
      %gather3A_1152 = arith.constant 0 : i32
      %gather3A_1153 = tpu.memref_slice %arg11[%gather3A_1150, %gather3A_1151, %gather3A_1152] : memref<8x32x128xf32, #tpu.memory_space<vmem>> -> memref<1x32x128xf32, #tpu.memory_space<vmem>>
      %gather3A_1154 = tpu.memref_squeeze %gather3A_1153 : memref<1x32x128xf32, #tpu.memory_space<vmem>> -> memref<32x128xf32, #tpu.memory_space<vmem>>
      %gather3A_1155 = tpu.vector_load_idx %gather3A_1154[%add3A_1149, %add3A_1132] : memref<32x128xf32, #tpu.memory_space<vmem>>[vector<16xi32>, vector<16xi32>], vector<16xf32>,
      %gather3A_1156 = arith.constant 7 : i32
      %gather3A_1157 = arith.constant 0 : i32
      %gather3A_1158 = arith.constant 0 : i32
      %gather3A_1159 = tpu.memref_slice %arg12[%gather3A_1156, %gather3A_1157, %gather3A_1158] : memref<8x32x128xf32, #tpu.memory_space<vmem>> -> memref<1x32x128xf32, #tpu.memory_space<vmem>>
      %gather3A_1160 = tpu.memref_squeeze %gather3A_1159 : memref<1x32x128xf32, #tpu.memory_space<vmem>> -> memref<32x128xf32, #tpu.memory_space<vmem>>
      %gather3A_1161 = tpu.vector_load_idx %gather3A_1160[%iota3A, %add3A_1140] : memref<32x128xf32, #tpu.memory_space<vmem>>[vector<16xi32>, vector<16xi32>], vector<16xf32>,
      %add3A_1162 = arith.constant 16 : i32
      %add3A_1163 = vector.broadcast %add3A_1162 : i32 to vector<16xi32>
      %add3A_1164 = arith.addi %iota3A, %add3A_1163 : vector<16xi32>
      %gather3A_1165 = arith.constant 7 : i32
      %gather3A_1166 = arith.constant 0 : i32
      %gather3A_1167 = arith.constant 0 : i32
      %gather3A_1168 = tpu.memref_slice %arg12[%gather3A_1165, %gather3A_1166, %gather3A_1167] : memref<8x32x128xf32, #tpu.memory_space<vmem>> -> memref<1x32x128xf32, #tpu.memory_space<vmem>>
      %gather3A_1169 = tpu.memref_squeeze %gather3A_1168 : memref<1x32x128xf32, #tpu.memory_space<vmem>> -> memref<32x128xf32, #tpu.memory_space<vmem>>
      %gather3A_1170 = tpu.vector_load_idx %gather3A_1169[%add3A_1164, %add3A_1140] : memref<32x128xf32, #tpu.memory_space<vmem>>[vector<16xi32>, vector<16xi32>], vector<16xf32>,
      %mul3A_1171 = arith.mulf %gather3A_1146, %gather3A_1161 : vector<16xf32>
      %mul3A_1172 = arith.mulf %mul3A_1171, %get3A_3 : vector<16xf32>
      %mul3A_1173 = arith.mulf %gather3A_1155, %gather3A_1170 : vector<16xf32>
      %mul3A_1174 = arith.mulf %mul3A_1173, %get3A_5 : vector<16xf32>
      %add3A_1175 = arith.addf %mul3A_1172, %mul3A_1174 : vector<16xf32>
      %reduce_sum3A_1176 = arith.constant true
      %reduce_sum3A_1177 = vector.broadcast %reduce_sum3A_1176 : i1 to vector<16xi1>
      %reduce_sum3A_1178 = tpu.scan <sum>, %add3A_1175 masked %reduce_sum3A_1177 : vector<16xf32>, vector<16xi1> -> vector<16xf32>
      %reduce_sum3A_1179 = vector.extract %reduce_sum3A_1178[15] : f32 from vector<16xf32>
      %eq3A_1180 = arith.constant 7 : i32
      %eq3A_1181 = vector.broadcast %eq3A_1180 : i32 to vector<16xi32>
      %eq3A_1182 = arith.cmpi eq, %iota3A, %eq3A_1181 : vector<16xi32>
      %add3A_1183 = vector.broadcast %reduce_sum3A_1179 : f32 to vector<16xf32>
      %add3A_1184 = arith.addf %select_n3A_1124, %add3A_1183 : vector<16xf32>
      %select_n3A_1185 = arith.select %eq3A_1182, %add3A_1184, %select_n3A_1124 : vector<16xi1>, vector<16xf32>
      %slice3A_1186 = vector.extract_strided_slice %get3A_17 {offsets = [12], sizes = [1], strides = [1]} : vector<16xi32> to vector<1xi32>
      %squeeze3A_1187 = vector.extract %slice3A_1186[0] : i32 from vector<1xi32>
      %shift_right_arithmetic3A_1188 = arith.constant 7 : i32
      %shift_right_arithmetic3A_1189 = arith.shrsi %squeeze3A_1187, %shift_right_arithmetic3A_1188 : i32
      %mul3A_1190 = arith.constant 128 : i32
      %mul3A_1191 = arith.muli %shift_right_arithmetic3A_1189, %mul3A_1190 : i32
      %multiple_of3A_1192 = tpu.assume_multiple %mul3A_1191, 128 : i32
      %slice3A_1193 = vector.extract_strided_slice %get3A_21 {offsets = [12], sizes = [1], strides = [1]} : vector<16xi32> to vector<1xi32>
      %squeeze3A_1194 = vector.extract %slice3A_1193[0] : i32 from vector<1xi32>
      %shift_right_arithmetic3A_1195 = arith.constant 7 : i32
      %shift_right_arithmetic3A_1196 = arith.shrsi %squeeze3A_1194, %shift_right_arithmetic3A_1195 : i32
      %mul3A_1197 = arith.constant 128 : i32
      %mul3A_1198 = arith.muli %shift_right_arithmetic3A_1196, %mul3A_1197 : i32
      %multiple_of3A_1199 = tpu.assume_multiple %mul3A_1198, 128 : i32
      %dma_start3A_1200 = arith.constant 4 : i32
      %dma_start3A_1201 = arith.constant 0 : i32
      %dma_start3A_1202 = arith.constant 0 : i32
      %dma_start3A_1203 = tpu.memref_slice %arg11[%dma_start3A_1200, %dma_start3A_1201, %dma_start3A_1202] : memref<8x32x128xf32, #tpu.memory_space<vmem>> -> memref<1x32x128xf32, #tpu.memory_space<vmem>>
      %dma_start3A_1204 = tpu.memref_squeeze %dma_start3A_1203 : memref<1x32x128xf32, #tpu.memory_space<vmem>> -> memref<32x128xf32, #tpu.memory_space<vmem>>
      %dma_start3A_1205 = arith.constant 0 : i32
      %dma_start3A_1206 = tpu.memref_slice %arg4[%dma_start3A_1205, %multiple_of3A_1192] : memref<32x1000000xf32, #tpu.memory_space<hbm>> -> memref<32x128xf32, #tpu.memory_space<hbm>>
      %dma_start3A_1207 = arith.constant 0 : i32
      %dma_start3A_1208 = arith.constant 0 : i32
      %dma_start3A_1209 = tpu.memref_slice %arg11[%dma_start3A_1200, %dma_start3A_1207, %dma_start3A_1208] : memref<8x32x128xf32, #tpu.memory_space<vmem>> -> memref<1x32x128xf32, #tpu.memory_space<vmem>>
      %dma_start3A_1210 = tpu.memref_squeeze %dma_start3A_1209 : memref<1x32x128xf32, #tpu.memory_space<vmem>> -> memref<32x128xf32, #tpu.memory_space<vmem>>
      %dma_start3A_1211 = arith.constant 0 : i32
      %dma_start3A_1212 = tpu.memref_slice %arg4[%dma_start3A_1211, %multiple_of3A_1192] : memref<32x1000000xf32, #tpu.memory_space<hbm>> -> memref<32x128xf32, #tpu.memory_space<hbm>>
      tpu.enqueue_dma source(%dma_start3A_1212 : memref<32x128xf32, #tpu.memory_space<hbm>>) target(%dma_start3A_1210 : memref<32x128xf32, #tpu.memory_space<vmem>>) target_semaphore(%arg17 : memref<!tpu.dma_semaphore, #tpu.memory_space<semaphore_mem>>)
      %dma_start3A_1213 = arith.constant 4 : i32
      %dma_start3A_1214 = arith.constant 0 : i32
      %dma_start3A_1215 = arith.constant 0 : i32
      %dma_start3A_1216 = tpu.memref_slice %arg12[%dma_start3A_1213, %dma_start3A_1214, %dma_start3A_1215] : memref<8x32x128xf32, #tpu.memory_space<vmem>> -> memref<1x32x128xf32, #tpu.memory_space<vmem>>
      %dma_start3A_1217 = tpu.memref_squeeze %dma_start3A_1216 : memref<1x32x128xf32, #tpu.memory_space<vmem>> -> memref<32x128xf32, #tpu.memory_space<vmem>>
      %dma_start3A_1218 = arith.constant 0 : i32
      %dma_start3A_1219 = tpu.memref_slice %arg5[%dma_start3A_1218, %multiple_of3A_1199] : memref<32x1000000xf32, #tpu.memory_space<hbm>> -> memref<32x128xf32, #tpu.memory_space<hbm>>
      %dma_start3A_1220 = arith.constant 0 : i32
      %dma_start3A_1221 = arith.constant 0 : i32
      %dma_start3A_1222 = tpu.memref_slice %arg12[%dma_start3A_1213, %dma_start3A_1220, %dma_start3A_1221] : memref<8x32x128xf32, #tpu.memory_space<vmem>> -> memref<1x32x128xf32, #tpu.memory_space<vmem>>
      %dma_start3A_1223 = tpu.memref_squeeze %dma_start3A_1222 : memref<1x32x128xf32, #tpu.memory_space<vmem>> -> memref<32x128xf32, #tpu.memory_space<vmem>>
      %dma_start3A_1224 = arith.constant 0 : i32
      %dma_start3A_1225 = tpu.memref_slice %arg5[%dma_start3A_1224, %multiple_of3A_1199] : memref<32x1000000xf32, #tpu.memory_space<hbm>> -> memref<32x128xf32, #tpu.memory_space<hbm>>
      tpu.enqueue_dma source(%dma_start3A_1225 : memref<32x128xf32, #tpu.memory_space<hbm>>) target(%dma_start3A_1223 : memref<32x128xf32, #tpu.memory_space<vmem>>) target_semaphore(%arg17 : memref<!tpu.dma_semaphore, #tpu.memory_space<semaphore_mem>>)
      %slice3A_1226 = vector.extract_strided_slice %get3A_17 {offsets = [13], sizes = [1], strides = [1]} : vector<16xi32> to vector<1xi32>
      %squeeze3A_1227 = vector.extract %slice3A_1226[0] : i32 from vector<1xi32>
      %shift_right_arithmetic3A_1228 = arith.constant 7 : i32
      %shift_right_arithmetic3A_1229 = arith.shrsi %squeeze3A_1227, %shift_right_arithmetic3A_1228 : i32
      %mul3A_1230 = arith.constant 128 : i32
      %mul3A_1231 = arith.muli %shift_right_arithmetic3A_1229, %mul3A_1230 : i32
      %multiple_of3A_1232 = tpu.assume_multiple %mul3A_1231, 128 : i32
      %slice3A_1233 = vector.extract_strided_slice %get3A_21 {offsets = [13], sizes = [1], strides = [1]} : vector<16xi32> to vector<1xi32>
      %squeeze3A_1234 = vector.extract %slice3A_1233[0] : i32 from vector<1xi32>
      %shift_right_arithmetic3A_1235 = arith.constant 7 : i32
      %shift_right_arithmetic3A_1236 = arith.shrsi %squeeze3A_1234, %shift_right_arithmetic3A_1235 : i32
      %mul3A_1237 = arith.constant 128 : i32
      %mul3A_1238 = arith.muli %shift_right_arithmetic3A_1236, %mul3A_1237 : i32
      %multiple_of3A_1239 = tpu.assume_multiple %mul3A_1238, 128 : i32
      %dma_start3A_1240 = arith.constant 5 : i32
      %dma_start3A_1241 = arith.constant 0 : i32
      %dma_start3A_1242 = arith.constant 0 : i32
      %dma_start3A_1243 = tpu.memref_slice %arg11[%dma_start3A_1240, %dma_start3A_1241, %dma_start3A_1242] : memref<8x32x128xf32, #tpu.memory_space<vmem>> -> memref<1x32x128xf32, #tpu.memory_space<vmem>>
      %dma_start3A_1244 = tpu.memref_squeeze %dma_start3A_1243 : memref<1x32x128xf32, #tpu.memory_space<vmem>> -> memref<32x128xf32, #tpu.memory_space<vmem>>
      %dma_start3A_1245 = arith.constant 0 : i32
      %dma_start3A_1246 = tpu.memref_slice %arg4[%dma_start3A_1245, %multiple_of3A_1232] : memref<32x1000000xf32, #tpu.memory_space<hbm>> -> memref<32x128xf32, #tpu.memory_space<hbm>>
      %dma_start3A_1247 = arith.constant 0 : i32
      %dma_start3A_1248 = arith.constant 0 : i32
      %dma_start3A_1249 = tpu.memref_slice %arg11[%dma_start3A_1240, %dma_start3A_1247, %dma_start3A_1248] : memref<8x32x128xf32, #tpu.memory_space<vmem>> -> memref<1x32x128xf32, #tpu.memory_space<vmem>>
      %dma_start3A_1250 = tpu.memref_squeeze %dma_start3A_1249 : memref<1x32x128xf32, #tpu.memory_space<vmem>> -> memref<32x128xf32, #tpu.memory_space<vmem>>
      %dma_start3A_1251 = arith.constant 0 : i32
      %dma_start3A_1252 = tpu.memref_slice %arg4[%dma_start3A_1251, %multiple_of3A_1232] : memref<32x1000000xf32, #tpu.memory_space<hbm>> -> memref<32x128xf32, #tpu.memory_space<hbm>>
      tpu.enqueue_dma source(%dma_start3A_1252 : memref<32x128xf32, #tpu.memory_space<hbm>>) target(%dma_start3A_1250 : memref<32x128xf32, #tpu.memory_space<vmem>>) target_semaphore(%arg17 : memref<!tpu.dma_semaphore, #tpu.memory_space<semaphore_mem>>)
      %dma_start3A_1253 = arith.constant 5 : i32
      %dma_start3A_1254 = arith.constant 0 : i32
      %dma_start3A_1255 = arith.constant 0 : i32
      %dma_start3A_1256 = tpu.memref_slice %arg12[%dma_start3A_1253, %dma_start3A_1254, %dma_start3A_1255] : memref<8x32x128xf32, #tpu.memory_space<vmem>> -> memref<1x32x128xf32, #tpu.memory_space<vmem>>
      %dma_start3A_1257 = tpu.memref_squeeze %dma_start3A_1256 : memref<1x32x128xf32, #tpu.memory_space<vmem>> -> memref<32x128xf32, #tpu.memory_space<vmem>>
      %dma_start3A_1258 = arith.constant 0 : i32
      %dma_start3A_1259 = tpu.memref_slice %arg5[%dma_start3A_1258, %multiple_of3A_1239] : memref<32x1000000xf32, #tpu.memory_space<hbm>> -> memref<32x128xf32, #tpu.memory_space<hbm>>
      %dma_start3A_1260 = arith.constant 0 : i32
      %dma_start3A_1261 = arith.constant 0 : i32
      %dma_start3A_1262 = tpu.memref_slice %arg12[%dma_start3A_1253, %dma_start3A_1260, %dma_start3A_1261] : memref<8x32x128xf32, #tpu.memory_space<vmem>> -> memref<1x32x128xf32, #tpu.memory_space<vmem>>
      %dma_start3A_1263 = tpu.memref_squeeze %dma_start3A_1262 : memref<1x32x128xf32, #tpu.memory_space<vmem>> -> memref<32x128xf32, #tpu.memory_space<vmem>>
      %dma_start3A_1264 = arith.constant 0 : i32
      %dma_start3A_1265 = tpu.memref_slice %arg5[%dma_start3A_1264, %multiple_of3A_1239] : memref<32x1000000xf32, #tpu.memory_space<hbm>> -> memref<32x128xf32, #tpu.memory_space<hbm>>
      tpu.enqueue_dma source(%dma_start3A_1265 : memref<32x128xf32, #tpu.memory_space<hbm>>) target(%dma_start3A_1263 : memref<32x128xf32, #tpu.memory_space<vmem>>) target_semaphore(%arg17 : memref<!tpu.dma_semaphore, #tpu.memory_space<semaphore_mem>>)
      %slice3A_1266 = vector.extract_strided_slice %get3A_17 {offsets = [14], sizes = [1], strides = [1]} : vector<16xi32> to vector<1xi32>
      %squeeze3A_1267 = vector.extract %slice3A_1266[0] : i32 from vector<1xi32>
      %shift_right_arithmetic3A_1268 = arith.constant 7 : i32
      %shift_right_arithmetic3A_1269 = arith.shrsi %squeeze3A_1267, %shift_right_arithmetic3A_1268 : i32
      %mul3A_1270 = arith.constant 128 : i32
      %mul3A_1271 = arith.muli %shift_right_arithmetic3A_1269, %mul3A_1270 : i32
      %multiple_of3A_1272 = tpu.assume_multiple %mul3A_1271, 128 : i32
      %slice3A_1273 = vector.extract_strided_slice %get3A_21 {offsets = [14], sizes = [1], strides = [1]} : vector<16xi32> to vector<1xi32>
      %squeeze3A_1274 = vector.extract %slice3A_1273[0] : i32 from vector<1xi32>
      %shift_right_arithmetic3A_1275 = arith.constant 7 : i32
      %shift_right_arithmetic3A_1276 = arith.shrsi %squeeze3A_1274, %shift_right_arithmetic3A_1275 : i32
      %mul3A_1277 = arith.constant 128 : i32
      %mul3A_1278 = arith.muli %shift_right_arithmetic3A_1276, %mul3A_1277 : i32
      %multiple_of3A_1279 = tpu.assume_multiple %mul3A_1278, 128 : i32
      %dma_start3A_1280 = arith.constant 6 : i32
      %dma_start3A_1281 = arith.constant 0 : i32
      %dma_start3A_1282 = arith.constant 0 : i32
      %dma_start3A_1283 = tpu.memref_slice %arg11[%dma_start3A_1280, %dma_start3A_1281, %dma_start3A_1282] : memref<8x32x128xf32, #tpu.memory_space<vmem>> -> memref<1x32x128xf32, #tpu.memory_space<vmem>>
      %dma_start3A_1284 = tpu.memref_squeeze %dma_start3A_1283 : memref<1x32x128xf32, #tpu.memory_space<vmem>> -> memref<32x128xf32, #tpu.memory_space<vmem>>
      %dma_start3A_1285 = arith.constant 0 : i32
      %dma_start3A_1286 = tpu.memref_slice %arg4[%dma_start3A_1285, %multiple_of3A_1272] : memref<32x1000000xf32, #tpu.memory_space<hbm>> -> memref<32x128xf32, #tpu.memory_space<hbm>>
      %dma_start3A_1287 = arith.constant 0 : i32
      %dma_start3A_1288 = arith.constant 0 : i32
      %dma_start3A_1289 = tpu.memref_slice %arg11[%dma_start3A_1280, %dma_start3A_1287, %dma_start3A_1288] : memref<8x32x128xf32, #tpu.memory_space<vmem>> -> memref<1x32x128xf32, #tpu.memory_space<vmem>>
      %dma_start3A_1290 = tpu.memref_squeeze %dma_start3A_1289 : memref<1x32x128xf32, #tpu.memory_space<vmem>> -> memref<32x128xf32, #tpu.memory_space<vmem>>
      %dma_start3A_1291 = arith.constant 0 : i32
      %dma_start3A_1292 = tpu.memref_slice %arg4[%dma_start3A_1291, %multiple_of3A_1272] : memref<32x1000000xf32, #tpu.memory_space<hbm>> -> memref<32x128xf32, #tpu.memory_space<hbm>>
      tpu.enqueue_dma source(%dma_start3A_1292 : memref<32x128xf32, #tpu.memory_space<hbm>>) target(%dma_start3A_1290 : memref<32x128xf32, #tpu.memory_space<vmem>>) target_semaphore(%arg17 : memref<!tpu.dma_semaphore, #tpu.memory_space<semaphore_mem>>)
      %dma_start3A_1293 = arith.constant 6 : i32
      %dma_start3A_1294 = arith.constant 0 : i32
      %dma_start3A_1295 = arith.constant 0 : i32
      %dma_start3A_1296 = tpu.memref_slice %arg12[%dma_start3A_1293, %dma_start3A_1294, %dma_start3A_1295] : memref<8x32x128xf32, #tpu.memory_space<vmem>> -> memref<1x32x128xf32, #tpu.memory_space<vmem>>
      %dma_start3A_1297 = tpu.memref_squeeze %dma_start3A_1296 : memref<1x32x128xf32, #tpu.memory_space<vmem>> -> memref<32x128xf32, #tpu.memory_space<vmem>>
      %dma_start3A_1298 = arith.constant 0 : i32
      %dma_start3A_1299 = tpu.memref_slice %arg5[%dma_start3A_1298, %multiple_of3A_1279] : memref<32x1000000xf32, #tpu.memory_space<hbm>> -> memref<32x128xf32, #tpu.memory_space<hbm>>
      %dma_start3A_1300 = arith.constant 0 : i32
      %dma_start3A_1301 = arith.constant 0 : i32
      %dma_start3A_1302 = tpu.memref_slice %arg12[%dma_start3A_1293, %dma_start3A_1300, %dma_start3A_1301] : memref<8x32x128xf32, #tpu.memory_space<vmem>> -> memref<1x32x128xf32, #tpu.memory_space<vmem>>
      %dma_start3A_1303 = tpu.memref_squeeze %dma_start3A_1302 : memref<1x32x128xf32, #tpu.memory_space<vmem>> -> memref<32x128xf32, #tpu.memory_space<vmem>>
      %dma_start3A_1304 = arith.constant 0 : i32
      %dma_start3A_1305 = tpu.memref_slice %arg5[%dma_start3A_1304, %multiple_of3A_1279] : memref<32x1000000xf32, #tpu.memory_space<hbm>> -> memref<32x128xf32, #tpu.memory_space<hbm>>
      tpu.enqueue_dma source(%dma_start3A_1305 : memref<32x128xf32, #tpu.memory_space<hbm>>) target(%dma_start3A_1303 : memref<32x128xf32, #tpu.memory_space<vmem>>) target_semaphore(%arg17 : memref<!tpu.dma_semaphore, #tpu.memory_space<semaphore_mem>>)
      %slice3A_1306 = vector.extract_strided_slice %get3A_17 {offsets = [15], sizes = [1], strides = [1]} : vector<16xi32> to vector<1xi32>
      %squeeze3A_1307 = vector.extract %slice3A_1306[0] : i32 from vector<1xi32>
      %shift_right_arithmetic3A_1308 = arith.constant 7 : i32
      %shift_right_arithmetic3A_1309 = arith.shrsi %squeeze3A_1307, %shift_right_arithmetic3A_1308 : i32
      %mul3A_1310 = arith.constant 128 : i32
      %mul3A_1311 = arith.muli %shift_right_arithmetic3A_1309, %mul3A_1310 : i32
      %multiple_of3A_1312 = tpu.assume_multiple %mul3A_1311, 128 : i32
      %slice3A_1313 = vector.extract_strided_slice %get3A_21 {offsets = [15], sizes = [1], strides = [1]} : vector<16xi32> to vector<1xi32>
      %squeeze3A_1314 = vector.extract %slice3A_1313[0] : i32 from vector<1xi32>
      %shift_right_arithmetic3A_1315 = arith.constant 7 : i32
      %shift_right_arithmetic3A_1316 = arith.shrsi %squeeze3A_1314, %shift_right_arithmetic3A_1315 : i32
      %mul3A_1317 = arith.constant 128 : i32
      %mul3A_1318 = arith.muli %shift_right_arithmetic3A_1316, %mul3A_1317 : i32
      %multiple_of3A_1319 = tpu.assume_multiple %mul3A_1318, 128 : i32
      %dma_start3A_1320 = arith.constant 7 : i32
      %dma_start3A_1321 = arith.constant 0 : i32
      %dma_start3A_1322 = arith.constant 0 : i32
      %dma_start3A_1323 = tpu.memref_slice %arg11[%dma_start3A_1320, %dma_start3A_1321, %dma_start3A_1322] : memref<8x32x128xf32, #tpu.memory_space<vmem>> -> memref<1x32x128xf32, #tpu.memory_space<vmem>>
      %dma_start3A_1324 = tpu.memref_squeeze %dma_start3A_1323 : memref<1x32x128xf32, #tpu.memory_space<vmem>> -> memref<32x128xf32, #tpu.memory_space<vmem>>
      %dma_start3A_1325 = arith.constant 0 : i32
      %dma_start3A_1326 = tpu.memref_slice %arg4[%dma_start3A_1325, %multiple_of3A_1312] : memref<32x1000000xf32, #tpu.memory_space<hbm>> -> memref<32x128xf32, #tpu.memory_space<hbm>>
      %dma_start3A_1327 = arith.constant 0 : i32
      %dma_start3A_1328 = arith.constant 0 : i32
      %dma_start3A_1329 = tpu.memref_slice %arg11[%dma_start3A_1320, %dma_start3A_1327, %dma_start3A_1328] : memref<8x32x128xf32, #tpu.memory_space<vmem>> -> memref<1x32x128xf32, #tpu.memory_space<vmem>>
      %dma_start3A_1330 = tpu.memref_squeeze %dma_start3A_1329 : memref<1x32x128xf32, #tpu.memory_space<vmem>> -> memref<32x128xf32, #tpu.memory_space<vmem>>
      %dma_start3A_1331 = arith.constant 0 : i32
      %dma_start3A_1332 = tpu.memref_slice %arg4[%dma_start3A_1331, %multiple_of3A_1312] : memref<32x1000000xf32, #tpu.memory_space<hbm>> -> memref<32x128xf32, #tpu.memory_space<hbm>>
      tpu.enqueue_dma source(%dma_start3A_1332 : memref<32x128xf32, #tpu.memory_space<hbm>>) target(%dma_start3A_1330 : memref<32x128xf32, #tpu.memory_space<vmem>>) target_semaphore(%arg17 : memref<!tpu.dma_semaphore, #tpu.memory_space<semaphore_mem>>)
      %dma_start3A_1333 = arith.constant 7 : i32
      %dma_start3A_1334 = arith.constant 0 : i32
      %dma_start3A_1335 = arith.constant 0 : i32
      %dma_start3A_1336 = tpu.memref_slice %arg12[%dma_start3A_1333, %dma_start3A_1334, %dma_start3A_1335] : memref<8x32x128xf32, #tpu.memory_space<vmem>> -> memref<1x32x128xf32, #tpu.memory_space<vmem>>
      %dma_start3A_1337 = tpu.memref_squeeze %dma_start3A_1336 : memref<1x32x128xf32, #tpu.memory_space<vmem>> -> memref<32x128xf32, #tpu.memory_space<vmem>>
      %dma_start3A_1338 = arith.constant 0 : i32
      %dma_start3A_1339 = tpu.memref_slice %arg5[%dma_start3A_1338, %multiple_of3A_1319] : memref<32x1000000xf32, #tpu.memory_space<hbm>> -> memref<32x128xf32, #tpu.memory_space<hbm>>
      %dma_start3A_1340 = arith.constant 0 : i32
      %dma_start3A_1341 = arith.constant 0 : i32
      %dma_start3A_1342 = tpu.memref_slice %arg12[%dma_start3A_1333, %dma_start3A_1340, %dma_start3A_1341] : memref<8x32x128xf32, #tpu.memory_space<vmem>> -> memref<1x32x128xf32, #tpu.memory_space<vmem>>
      %dma_start3A_1343 = tpu.memref_squeeze %dma_start3A_1342 : memref<1x32x128xf32, #tpu.memory_space<vmem>> -> memref<32x128xf32, #tpu.memory_space<vmem>>
      %dma_start3A_1344 = arith.constant 0 : i32
      %dma_start3A_1345 = tpu.memref_slice %arg5[%dma_start3A_1344, %multiple_of3A_1319] : memref<32x1000000xf32, #tpu.memory_space<hbm>> -> memref<32x128xf32, #tpu.memory_space<hbm>>
      tpu.enqueue_dma source(%dma_start3A_1345 : memref<32x128xf32, #tpu.memory_space<hbm>>) target(%dma_start3A_1343 : memref<32x128xf32, #tpu.memory_space<vmem>>) target_semaphore(%arg17 : memref<!tpu.dma_semaphore, #tpu.memory_space<semaphore_mem>>)
      %dma_wait3A_1346 = arith.constant 0 : i32
      %dma_wait3A_1347 = arith.constant 0 : i32
      %dma_wait3A_1348 = arith.constant 0 : i32
      %dma_wait3A_1349 = tpu.memref_slice %arg11[%dma_wait3A_1346, %dma_wait3A_1347, %dma_wait3A_1348] : memref<8x32x128xf32, #tpu.memory_space<vmem>> -> memref<1x32x128xf32, #tpu.memory_space<vmem>>
      %dma_wait3A_1350 = tpu.memref_squeeze %dma_wait3A_1349 : memref<1x32x128xf32, #tpu.memory_space<vmem>> -> memref<32x128xf32, #tpu.memory_space<vmem>>
      %dma_wait3A_1351 = arith.constant 0 : i32
      %dma_wait3A_1352 = tpu.memref_slice %arg4[%dma_wait3A_1351, %multiple_of3A_684] : memref<32x1000000xf32, #tpu.memory_space<hbm>> -> memref<32x128xf32, #tpu.memory_space<hbm>>
      %dma_wait3A_1353 = arith.constant 0 : i32
      %dma_wait3A_1354 = arith.constant 0 : i32
      %dma_wait3A_1355 = tpu.memref_slice %arg11[%dma_wait3A_1346, %dma_wait3A_1353, %dma_wait3A_1354] : memref<8x32x128xf32, #tpu.memory_space<vmem>> -> memref<1x32x128xf32, #tpu.memory_space<vmem>>
      %dma_wait3A_1356 = tpu.memref_squeeze %dma_wait3A_1355 : memref<1x32x128xf32, #tpu.memory_space<vmem>> -> memref<32x128xf32, #tpu.memory_space<vmem>>
      %dma_wait3A_1357 = arith.constant 0 : i32
      %dma_wait3A_1358 = tpu.memref_slice %arg4[%dma_wait3A_1357, %multiple_of3A_684] : memref<32x1000000xf32, #tpu.memory_space<hbm>> -> memref<32x128xf32, #tpu.memory_space<hbm>>
      tpu.wait_dma2 semaphore(%arg16 : memref<!tpu.dma_semaphore, #tpu.memory_space<semaphore_mem>>) src(%dma_wait3A_1358 : memref<32x128xf32, #tpu.memory_space<hbm>>) dst(%dma_wait3A_1356 : memref<32x128xf32, #tpu.memory_space<vmem>>)
      %dma_wait3A_1359 = arith.constant 0 : i32
      %dma_wait3A_1360 = arith.constant 0 : i32
      %dma_wait3A_1361 = arith.constant 0 : i32
      %dma_wait3A_1362 = tpu.memref_slice %arg12[%dma_wait3A_1359, %dma_wait3A_1360, %dma_wait3A_1361] : memref<8x32x128xf32, #tpu.memory_space<vmem>> -> memref<1x32x128xf32, #tpu.memory_space<vmem>>
      %dma_wait3A_1363 = tpu.memref_squeeze %dma_wait3A_1362 : memref<1x32x128xf32, #tpu.memory_space<vmem>> -> memref<32x128xf32, #tpu.memory_space<vmem>>
      %dma_wait3A_1364 = arith.constant 0 : i32
      %dma_wait3A_1365 = tpu.memref_slice %arg5[%dma_wait3A_1364, %multiple_of3A_691] : memref<32x1000000xf32, #tpu.memory_space<hbm>> -> memref<32x128xf32, #tpu.memory_space<hbm>>
      %dma_wait3A_1366 = arith.constant 0 : i32
      %dma_wait3A_1367 = arith.constant 0 : i32
      %dma_wait3A_1368 = tpu.memref_slice %arg12[%dma_wait3A_1359, %dma_wait3A_1366, %dma_wait3A_1367] : memref<8x32x128xf32, #tpu.memory_space<vmem>> -> memref<1x32x128xf32, #tpu.memory_space<vmem>>
      %dma_wait3A_1369 = tpu.memref_squeeze %dma_wait3A_1368 : memref<1x32x128xf32, #tpu.memory_space<vmem>> -> memref<32x128xf32, #tpu.memory_space<vmem>>
      %dma_wait3A_1370 = arith.constant 0 : i32
      %dma_wait3A_1371 = tpu.memref_slice %arg5[%dma_wait3A_1370, %multiple_of3A_691] : memref<32x1000000xf32, #tpu.memory_space<hbm>> -> memref<32x128xf32, #tpu.memory_space<hbm>>
      tpu.wait_dma2 semaphore(%arg16 : memref<!tpu.dma_semaphore, #tpu.memory_space<semaphore_mem>>) src(%dma_wait3A_1371 : memref<32x128xf32, #tpu.memory_space<hbm>>) dst(%dma_wait3A_1369 : memref<32x128xf32, #tpu.memory_space<vmem>>)
      %dma_wait3A_1372 = arith.constant 1 : i32
      %dma_wait3A_1373 = arith.constant 0 : i32
      %dma_wait3A_1374 = arith.constant 0 : i32
      %dma_wait3A_1375 = tpu.memref_slice %arg11[%dma_wait3A_1372, %dma_wait3A_1373, %dma_wait3A_1374] : memref<8x32x128xf32, #tpu.memory_space<vmem>> -> memref<1x32x128xf32, #tpu.memory_space<vmem>>
      %dma_wait3A_1376 = tpu.memref_squeeze %dma_wait3A_1375 : memref<1x32x128xf32, #tpu.memory_space<vmem>> -> memref<32x128xf32, #tpu.memory_space<vmem>>
      %dma_wait3A_1377 = arith.constant 0 : i32
      %dma_wait3A_1378 = tpu.memref_slice %arg4[%dma_wait3A_1377, %multiple_of3A_724] : memref<32x1000000xf32, #tpu.memory_space<hbm>> -> memref<32x128xf32, #tpu.memory_space<hbm>>
      %dma_wait3A_1379 = arith.constant 0 : i32
      %dma_wait3A_1380 = arith.constant 0 : i32
      %dma_wait3A_1381 = tpu.memref_slice %arg11[%dma_wait3A_1372, %dma_wait3A_1379, %dma_wait3A_1380] : memref<8x32x128xf32, #tpu.memory_space<vmem>> -> memref<1x32x128xf32, #tpu.memory_space<vmem>>
      %dma_wait3A_1382 = tpu.memref_squeeze %dma_wait3A_1381 : memref<1x32x128xf32, #tpu.memory_space<vmem>> -> memref<32x128xf32, #tpu.memory_space<vmem>>
      %dma_wait3A_1383 = arith.constant 0 : i32
      %dma_wait3A_1384 = tpu.memref_slice %arg4[%dma_wait3A_1383, %multiple_of3A_724] : memref<32x1000000xf32, #tpu.memory_space<hbm>> -> memref<32x128xf32, #tpu.memory_space<hbm>>
      tpu.wait_dma2 semaphore(%arg16 : memref<!tpu.dma_semaphore, #tpu.memory_space<semaphore_mem>>) src(%dma_wait3A_1384 : memref<32x128xf32, #tpu.memory_space<hbm>>) dst(%dma_wait3A_1382 : memref<32x128xf32, #tpu.memory_space<vmem>>)
      %dma_wait3A_1385 = arith.constant 1 : i32
      %dma_wait3A_1386 = arith.constant 0 : i32
      %dma_wait3A_1387 = arith.constant 0 : i32
      %dma_wait3A_1388 = tpu.memref_slice %arg12[%dma_wait3A_1385, %dma_wait3A_1386, %dma_wait3A_1387] : memref<8x32x128xf32, #tpu.memory_space<vmem>> -> memref<1x32x128xf32, #tpu.memory_space<vmem>>
      %dma_wait3A_1389 = tpu.memref_squeeze %dma_wait3A_1388 : memref<1x32x128xf32, #tpu.memory_space<vmem>> -> memref<32x128xf32, #tpu.memory_space<vmem>>
      %dma_wait3A_1390 = arith.constant 0 : i32
      %dma_wait3A_1391 = tpu.memref_slice %arg5[%dma_wait3A_1390, %multiple_of3A_731] : memref<32x1000000xf32, #tpu.memory_space<hbm>> -> memref<32x128xf32, #tpu.memory_space<hbm>>
      %dma_wait3A_1392 = arith.constant 0 : i32
      %dma_wait3A_1393 = arith.constant 0 : i32
      %dma_wait3A_1394 = tpu.memref_slice %arg12[%dma_wait3A_1385, %dma_wait3A_1392, %dma_wait3A_1393] : memref<8x32x128xf32, #tpu.memory_space<vmem>> -> memref<1x32x128xf32, #tpu.memory_space<vmem>>
      %dma_wait3A_1395 = tpu.memref_squeeze %dma_wait3A_1394 : memref<1x32x128xf32, #tpu.memory_space<vmem>> -> memref<32x128xf32, #tpu.memory_space<vmem>>
      %dma_wait3A_1396 = arith.constant 0 : i32
      %dma_wait3A_1397 = tpu.memref_slice %arg5[%dma_wait3A_1396, %multiple_of3A_731] : memref<32x1000000xf32, #tpu.memory_space<hbm>> -> memref<32x128xf32, #tpu.memory_space<hbm>>
      tpu.wait_dma2 semaphore(%arg16 : memref<!tpu.dma_semaphore, #tpu.memory_space<semaphore_mem>>) src(%dma_wait3A_1397 : memref<32x128xf32, #tpu.memory_space<hbm>>) dst(%dma_wait3A_1395 : memref<32x128xf32, #tpu.memory_space<vmem>>)
      %dma_wait3A_1398 = arith.constant 2 : i32
      %dma_wait3A_1399 = arith.constant 0 : i32
      %dma_wait3A_1400 = arith.constant 0 : i32
      %dma_wait3A_1401 = tpu.memref_slice %arg11[%dma_wait3A_1398, %dma_wait3A_1399, %dma_wait3A_1400] : memref<8x32x128xf32, #tpu.memory_space<vmem>> -> memref<1x32x128xf32, #tpu.memory_space<vmem>>
      %dma_wait3A_1402 = tpu.memref_squeeze %dma_wait3A_1401 : memref<1x32x128xf32, #tpu.memory_space<vmem>> -> memref<32x128xf32, #tpu.memory_space<vmem>>
      %dma_wait3A_1403 = arith.constant 0 : i32
      %dma_wait3A_1404 = tpu.memref_slice %arg4[%dma_wait3A_1403, %multiple_of3A_764] : memref<32x1000000xf32, #tpu.memory_space<hbm>> -> memref<32x128xf32, #tpu.memory_space<hbm>>
      %dma_wait3A_1405 = arith.constant 0 : i32
      %dma_wait3A_1406 = arith.constant 0 : i32
      %dma_wait3A_1407 = tpu.memref_slice %arg11[%dma_wait3A_1398, %dma_wait3A_1405, %dma_wait3A_1406] : memref<8x32x128xf32, #tpu.memory_space<vmem>> -> memref<1x32x128xf32, #tpu.memory_space<vmem>>
      %dma_wait3A_1408 = tpu.memref_squeeze %dma_wait3A_1407 : memref<1x32x128xf32, #tpu.memory_space<vmem>> -> memref<32x128xf32, #tpu.memory_space<vmem>>
      %dma_wait3A_1409 = arith.constant 0 : i32
      %dma_wait3A_1410 = tpu.memref_slice %arg4[%dma_wait3A_1409, %multiple_of3A_764] : memref<32x1000000xf32, #tpu.memory_space<hbm>> -> memref<32x128xf32, #tpu.memory_space<hbm>>
      tpu.wait_dma2 semaphore(%arg16 : memref<!tpu.dma_semaphore, #tpu.memory_space<semaphore_mem>>) src(%dma_wait3A_1410 : memref<32x128xf32, #tpu.memory_space<hbm>>) dst(%dma_wait3A_1408 : memref<32x128xf32, #tpu.memory_space<vmem>>)
      %dma_wait3A_1411 = arith.constant 2 : i32
      %dma_wait3A_1412 = arith.constant 0 : i32
      %dma_wait3A_1413 = arith.constant 0 : i32
      %dma_wait3A_1414 = tpu.memref_slice %arg12[%dma_wait3A_1411, %dma_wait3A_1412, %dma_wait3A_1413] : memref<8x32x128xf32, #tpu.memory_space<vmem>> -> memref<1x32x128xf32, #tpu.memory_space<vmem>>
      %dma_wait3A_1415 = tpu.memref_squeeze %dma_wait3A_1414 : memref<1x32x128xf32, #tpu.memory_space<vmem>> -> memref<32x128xf32, #tpu.memory_space<vmem>>
      %dma_wait3A_1416 = arith.constant 0 : i32
      %dma_wait3A_1417 = tpu.memref_slice %arg5[%dma_wait3A_1416, %multiple_of3A_771] : memref<32x1000000xf32, #tpu.memory_space<hbm>> -> memref<32x128xf32, #tpu.memory_space<hbm>>
      %dma_wait3A_1418 = arith.constant 0 : i32
      %dma_wait3A_1419 = arith.constant 0 : i32
      %dma_wait3A_1420 = tpu.memref_slice %arg12[%dma_wait3A_1411, %dma_wait3A_1418, %dma_wait3A_1419] : memref<8x32x128xf32, #tpu.memory_space<vmem>> -> memref<1x32x128xf32, #tpu.memory_space<vmem>>
      %dma_wait3A_1421 = tpu.memref_squeeze %dma_wait3A_1420 : memref<1x32x128xf32, #tpu.memory_space<vmem>> -> memref<32x128xf32, #tpu.memory_space<vmem>>
      %dma_wait3A_1422 = arith.constant 0 : i32
      %dma_wait3A_1423 = tpu.memref_slice %arg5[%dma_wait3A_1422, %multiple_of3A_771] : memref<32x1000000xf32, #tpu.memory_space<hbm>> -> memref<32x128xf32, #tpu.memory_space<hbm>>
      tpu.wait_dma2 semaphore(%arg16 : memref<!tpu.dma_semaphore, #tpu.memory_space<semaphore_mem>>) src(%dma_wait3A_1423 : memref<32x128xf32, #tpu.memory_space<hbm>>) dst(%dma_wait3A_1421 : memref<32x128xf32, #tpu.memory_space<vmem>>)
      %dma_wait3A_1424 = arith.constant 3 : i32
      %dma_wait3A_1425 = arith.constant 0 : i32
      %dma_wait3A_1426 = arith.constant 0 : i32
      %dma_wait3A_1427 = tpu.memref_slice %arg11[%dma_wait3A_1424, %dma_wait3A_1425, %dma_wait3A_1426] : memref<8x32x128xf32, #tpu.memory_space<vmem>> -> memref<1x32x128xf32, #tpu.memory_space<vmem>>
      %dma_wait3A_1428 = tpu.memref_squeeze %dma_wait3A_1427 : memref<1x32x128xf32, #tpu.memory_space<vmem>> -> memref<32x128xf32, #tpu.memory_space<vmem>>
      %dma_wait3A_1429 = arith.constant 0 : i32
      %dma_wait3A_1430 = tpu.memref_slice %arg4[%dma_wait3A_1429, %multiple_of3A_804] : memref<32x1000000xf32, #tpu.memory_space<hbm>> -> memref<32x128xf32, #tpu.memory_space<hbm>>
      %dma_wait3A_1431 = arith.constant 0 : i32
      %dma_wait3A_1432 = arith.constant 0 : i32
      %dma_wait3A_1433 = tpu.memref_slice %arg11[%dma_wait3A_1424, %dma_wait3A_1431, %dma_wait3A_1432] : memref<8x32x128xf32, #tpu.memory_space<vmem>> -> memref<1x32x128xf32, #tpu.memory_space<vmem>>
      %dma_wait3A_1434 = tpu.memref_squeeze %dma_wait3A_1433 : memref<1x32x128xf32, #tpu.memory_space<vmem>> -> memref<32x128xf32, #tpu.memory_space<vmem>>
      %dma_wait3A_1435 = arith.constant 0 : i32
      %dma_wait3A_1436 = tpu.memref_slice %arg4[%dma_wait3A_1435, %multiple_of3A_804] : memref<32x1000000xf32, #tpu.memory_space<hbm>> -> memref<32x128xf32, #tpu.memory_space<hbm>>
      tpu.wait_dma2 semaphore(%arg16 : memref<!tpu.dma_semaphore, #tpu.memory_space<semaphore_mem>>) src(%dma_wait3A_1436 : memref<32x128xf32, #tpu.memory_space<hbm>>) dst(%dma_wait3A_1434 : memref<32x128xf32, #tpu.memory_space<vmem>>)
      %dma_wait3A_1437 = arith.constant 3 : i32
      %dma_wait3A_1438 = arith.constant 0 : i32
      %dma_wait3A_1439 = arith.constant 0 : i32
      %dma_wait3A_1440 = tpu.memref_slice %arg12[%dma_wait3A_1437, %dma_wait3A_1438, %dma_wait3A_1439] : memref<8x32x128xf32, #tpu.memory_space<vmem>> -> memref<1x32x128xf32, #tpu.memory_space<vmem>>
      %dma_wait3A_1441 = tpu.memref_squeeze %dma_wait3A_1440 : memref<1x32x128xf32, #tpu.memory_space<vmem>> -> memref<32x128xf32, #tpu.memory_space<vmem>>
      %dma_wait3A_1442 = arith.constant 0 : i32
      %dma_wait3A_1443 = tpu.memref_slice %arg5[%dma_wait3A_1442, %multiple_of3A_811] : memref<32x1000000xf32, #tpu.memory_space<hbm>> -> memref<32x128xf32, #tpu.memory_space<hbm>>
      %dma_wait3A_1444 = arith.constant 0 : i32
      %dma_wait3A_1445 = arith.constant 0 : i32
      %dma_wait3A_1446 = tpu.memref_slice %arg12[%dma_wait3A_1437, %dma_wait3A_1444, %dma_wait3A_1445] : memref<8x32x128xf32, #tpu.memory_space<vmem>> -> memref<1x32x128xf32, #tpu.memory_space<vmem>>
      %dma_wait3A_1447 = tpu.memref_squeeze %dma_wait3A_1446 : memref<1x32x128xf32, #tpu.memory_space<vmem>> -> memref<32x128xf32, #tpu.memory_space<vmem>>
      %dma_wait3A_1448 = arith.constant 0 : i32
      %dma_wait3A_1449 = tpu.memref_slice %arg5[%dma_wait3A_1448, %multiple_of3A_811] : memref<32x1000000xf32, #tpu.memory_space<hbm>> -> memref<32x128xf32, #tpu.memory_space<hbm>>
      tpu.wait_dma2 semaphore(%arg16 : memref<!tpu.dma_semaphore, #tpu.memory_space<semaphore_mem>>) src(%dma_wait3A_1449 : memref<32x128xf32, #tpu.memory_space<hbm>>) dst(%dma_wait3A_1447 : memref<32x128xf32, #tpu.memory_space<vmem>>)
      %broadcast_in_dim3A_1450 = arith.constant 0 : i32
      %broadcast_in_dim3A_1451 = vector.broadcast %broadcast_in_dim3A_1450 : i32 to vector<16xi32>
      %slice3A_1452 = vector.extract_strided_slice %get3A_17 {offsets = [8], sizes = [1], strides = [1]} : vector<16xi32> to vector<1xi32>
      %squeeze3A_1453 = vector.extract %slice3A_1452[0] : i32 from vector<1xi32>
      %and3A_1454 = arith.constant 127 : i32
      %and3A_1455 = arith.andi %squeeze3A_1453, %and3A_1454 : i32
      %add3A_1456 = vector.broadcast %and3A_1455 : i32 to vector<16xi32>
      %add3A_1457 = arith.addi %broadcast_in_dim3A_1451, %add3A_1456 : vector<16xi32>
      %broadcast_in_dim3A_1458 = arith.constant 0 : i32
      %broadcast_in_dim3A_1459 = vector.broadcast %broadcast_in_dim3A_1458 : i32 to vector<16xi32>
      %slice3A_1460 = vector.extract_strided_slice %get3A_21 {offsets = [8], sizes = [1], strides = [1]} : vector<16xi32> to vector<1xi32>
      %squeeze3A_1461 = vector.extract %slice3A_1460[0] : i32 from vector<1xi32>
      %and3A_1462 = arith.constant 127 : i32
      %and3A_1463 = arith.andi %squeeze3A_1461, %and3A_1462 : i32
      %add3A_1464 = vector.broadcast %and3A_1463 : i32 to vector<16xi32>
      %add3A_1465 = arith.addi %broadcast_in_dim3A_1459, %add3A_1464 : vector<16xi32>
      %gather3A_1466 = arith.constant 0 : i32
      %gather3A_1467 = arith.constant 0 : i32
      %gather3A_1468 = arith.constant 0 : i32
      %gather3A_1469 = tpu.memref_slice %arg11[%gather3A_1466, %gather3A_1467, %gather3A_1468] : memref<8x32x128xf32, #tpu.memory_space<vmem>> -> memref<1x32x128xf32, #tpu.memory_space<vmem>>
      %gather3A_1470 = tpu.memref_squeeze %gather3A_1469 : memref<1x32x128xf32, #tpu.memory_space<vmem>> -> memref<32x128xf32, #tpu.memory_space<vmem>>
      %gather3A_1471 = tpu.vector_load_idx %gather3A_1470[%iota3A, %add3A_1457] : memref<32x128xf32, #tpu.memory_space<vmem>>[vector<16xi32>, vector<16xi32>], vector<16xf32>,
      %add3A_1472 = arith.constant 16 : i32
      %add3A_1473 = vector.broadcast %add3A_1472 : i32 to vector<16xi32>
      %add3A_1474 = arith.addi %iota3A, %add3A_1473 : vector<16xi32>
      %gather3A_1475 = arith.constant 0 : i32
      %gather3A_1476 = arith.constant 0 : i32
      %gather3A_1477 = arith.constant 0 : i32
      %gather3A_1478 = tpu.memref_slice %arg11[%gather3A_1475, %gather3A_1476, %gather3A_1477] : memref<8x32x128xf32, #tpu.memory_space<vmem>> -> memref<1x32x128xf32, #tpu.memory_space<vmem>>
      %gather3A_1479 = tpu.memref_squeeze %gather3A_1478 : memref<1x32x128xf32, #tpu.memory_space<vmem>> -> memref<32x128xf32, #tpu.memory_space<vmem>>
      %gather3A_1480 = tpu.vector_load_idx %gather3A_1479[%add3A_1474, %add3A_1457] : memref<32x128xf32, #tpu.memory_space<vmem>>[vector<16xi32>, vector<16xi32>], vector<16xf32>,
      %gather3A_1481 = arith.constant 0 : i32
      %gather3A_1482 = arith.constant 0 : i32
      %gather3A_1483 = arith.constant 0 : i32
      %gather3A_1484 = tpu.memref_slice %arg12[%gather3A_1481, %gather3A_1482, %gather3A_1483] : memref<8x32x128xf32, #tpu.memory_space<vmem>> -> memref<1x32x128xf32, #tpu.memory_space<vmem>>
      %gather3A_1485 = tpu.memref_squeeze %gather3A_1484 : memref<1x32x128xf32, #tpu.memory_space<vmem>> -> memref<32x128xf32, #tpu.memory_space<vmem>>
      %gather3A_1486 = tpu.vector_load_idx %gather3A_1485[%iota3A, %add3A_1465] : memref<32x128xf32, #tpu.memory_space<vmem>>[vector<16xi32>, vector<16xi32>], vector<16xf32>,
      %add3A_1487 = arith.constant 16 : i32
      %add3A_1488 = vector.broadcast %add3A_1487 : i32 to vector<16xi32>
      %add3A_1489 = arith.addi %iota3A, %add3A_1488 : vector<16xi32>
      %gather3A_1490 = arith.constant 0 : i32
      %gather3A_1491 = arith.constant 0 : i32
      %gather3A_1492 = arith.constant 0 : i32
      %gather3A_1493 = tpu.memref_slice %arg12[%gather3A_1490, %gather3A_1491, %gather3A_1492] : memref<8x32x128xf32, #tpu.memory_space<vmem>> -> memref<1x32x128xf32, #tpu.memory_space<vmem>>
      %gather3A_1494 = tpu.memref_squeeze %gather3A_1493 : memref<1x32x128xf32, #tpu.memory_space<vmem>> -> memref<32x128xf32, #tpu.memory_space<vmem>>
      %gather3A_1495 = tpu.vector_load_idx %gather3A_1494[%add3A_1489, %add3A_1465] : memref<32x128xf32, #tpu.memory_space<vmem>>[vector<16xi32>, vector<16xi32>], vector<16xf32>,
      %mul3A_1496 = arith.mulf %gather3A_1471, %gather3A_1486 : vector<16xf32>
      %mul3A_1497 = arith.mulf %mul3A_1496, %get3A_3 : vector<16xf32>
      %mul3A_1498 = arith.mulf %gather3A_1480, %gather3A_1495 : vector<16xf32>
      %mul3A_1499 = arith.mulf %mul3A_1498, %get3A_5 : vector<16xf32>
      %add3A_1500 = arith.addf %mul3A_1497, %mul3A_1499 : vector<16xf32>
      %reduce_sum3A_1501 = arith.constant true
      %reduce_sum3A_1502 = vector.broadcast %reduce_sum3A_1501 : i1 to vector<16xi1>
      %reduce_sum3A_1503 = tpu.scan <sum>, %add3A_1500 masked %reduce_sum3A_1502 : vector<16xf32>, vector<16xi1> -> vector<16xf32>
      %reduce_sum3A_1504 = vector.extract %reduce_sum3A_1503[15] : f32 from vector<16xf32>
      %eq3A_1505 = arith.constant 8 : i32
      %eq3A_1506 = vector.broadcast %eq3A_1505 : i32 to vector<16xi32>
      %eq3A_1507 = arith.cmpi eq, %iota3A, %eq3A_1506 : vector<16xi32>
      %add3A_1508 = vector.broadcast %reduce_sum3A_1504 : f32 to vector<16xf32>
      %add3A_1509 = arith.addf %select_n3A_1185, %add3A_1508 : vector<16xf32>
      %select_n3A_1510 = arith.select %eq3A_1507, %add3A_1509, %select_n3A_1185 : vector<16xi1>, vector<16xf32>
      %broadcast_in_dim3A_1511 = arith.constant 0 : i32
      %broadcast_in_dim3A_1512 = vector.broadcast %broadcast_in_dim3A_1511 : i32 to vector<16xi32>
      %slice3A_1513 = vector.extract_strided_slice %get3A_17 {offsets = [9], sizes = [1], strides = [1]} : vector<16xi32> to vector<1xi32>
      %squeeze3A_1514 = vector.extract %slice3A_1513[0] : i32 from vector<1xi32>
      %and3A_1515 = arith.constant 127 : i32
      %and3A_1516 = arith.andi %squeeze3A_1514, %and3A_1515 : i32
      %add3A_1517 = vector.broadcast %and3A_1516 : i32 to vector<16xi32>
      %add3A_1518 = arith.addi %broadcast_in_dim3A_1512, %add3A_1517 : vector<16xi32>
      %broadcast_in_dim3A_1519 = arith.constant 0 : i32
      %broadcast_in_dim3A_1520 = vector.broadcast %broadcast_in_dim3A_1519 : i32 to vector<16xi32>
      %slice3A_1521 = vector.extract_strided_slice %get3A_21 {offsets = [9], sizes = [1], strides = [1]} : vector<16xi32> to vector<1xi32>
      %squeeze3A_1522 = vector.extract %slice3A_1521[0] : i32 from vector<1xi32>
      %and3A_1523 = arith.constant 127 : i32
      %and3A_1524 = arith.andi %squeeze3A_1522, %and3A_1523 : i32
      %add3A_1525 = vector.broadcast %and3A_1524 : i32 to vector<16xi32>
      %add3A_1526 = arith.addi %broadcast_in_dim3A_1520, %add3A_1525 : vector<16xi32>
      %gather3A_1527 = arith.constant 1 : i32
      %gather3A_1528 = arith.constant 0 : i32
      %gather3A_1529 = arith.constant 0 : i32
      %gather3A_1530 = tpu.memref_slice %arg11[%gather3A_1527, %gather3A_1528, %gather3A_1529] : memref<8x32x128xf32, #tpu.memory_space<vmem>> -> memref<1x32x128xf32, #tpu.memory_space<vmem>>
      %gather3A_1531 = tpu.memref_squeeze %gather3A_1530 : memref<1x32x128xf32, #tpu.memory_space<vmem>> -> memref<32x128xf32, #tpu.memory_space<vmem>>
      %gather3A_1532 = tpu.vector_load_idx %gather3A_1531[%iota3A, %add3A_1518] : memref<32x128xf32, #tpu.memory_space<vmem>>[vector<16xi32>, vector<16xi32>], vector<16xf32>,
      %add3A_1533 = arith.constant 16 : i32
      %add3A_1534 = vector.broadcast %add3A_1533 : i32 to vector<16xi32>
      %add3A_1535 = arith.addi %iota3A, %add3A_1534 : vector<16xi32>
      %gather3A_1536 = arith.constant 1 : i32
      %gather3A_1537 = arith.constant 0 : i32
      %gather3A_1538 = arith.constant 0 : i32
      %gather3A_1539 = tpu.memref_slice %arg11[%gather3A_1536, %gather3A_1537, %gather3A_1538] : memref<8x32x128xf32, #tpu.memory_space<vmem>> -> memref<1x32x128xf32, #tpu.memory_space<vmem>>
      %gather3A_1540 = tpu.memref_squeeze %gather3A_1539 : memref<1x32x128xf32, #tpu.memory_space<vmem>> -> memref<32x128xf32, #tpu.memory_space<vmem>>
      %gather3A_1541 = tpu.vector_load_idx %gather3A_1540[%add3A_1535, %add3A_1518] : memref<32x128xf32, #tpu.memory_space<vmem>>[vector<16xi32>, vector<16xi32>], vector<16xf32>,
      %gather3A_1542 = arith.constant 1 : i32
      %gather3A_1543 = arith.constant 0 : i32
      %gather3A_1544 = arith.constant 0 : i32
      %gather3A_1545 = tpu.memref_slice %arg12[%gather3A_1542, %gather3A_1543, %gather3A_1544] : memref<8x32x128xf32, #tpu.memory_space<vmem>> -> memref<1x32x128xf32, #tpu.memory_space<vmem>>
      %gather3A_1546 = tpu.memref_squeeze %gather3A_1545 : memref<1x32x128xf32, #tpu.memory_space<vmem>> -> memref<32x128xf32, #tpu.memory_space<vmem>>
      %gather3A_1547 = tpu.vector_load_idx %gather3A_1546[%iota3A, %add3A_1526] : memref<32x128xf32, #tpu.memory_space<vmem>>[vector<16xi32>, vector<16xi32>], vector<16xf32>,
      %add3A_1548 = arith.constant 16 : i32
      %add3A_1549 = vector.broadcast %add3A_1548 : i32 to vector<16xi32>
      %add3A_1550 = arith.addi %iota3A, %add3A_1549 : vector<16xi32>
      %gather3A_1551 = arith.constant 1 : i32
      %gather3A_1552 = arith.constant 0 : i32
      %gather3A_1553 = arith.constant 0 : i32
      %gather3A_1554 = tpu.memref_slice %arg12[%gather3A_1551, %gather3A_1552, %gather3A_1553] : memref<8x32x128xf32, #tpu.memory_space<vmem>> -> memref<1x32x128xf32, #tpu.memory_space<vmem>>
      %gather3A_1555 = tpu.memref_squeeze %gather3A_1554 : memref<1x32x128xf32, #tpu.memory_space<vmem>> -> memref<32x128xf32, #tpu.memory_space<vmem>>
      %gather3A_1556 = tpu.vector_load_idx %gather3A_1555[%add3A_1550, %add3A_1526] : memref<32x128xf32, #tpu.memory_space<vmem>>[vector<16xi32>, vector<16xi32>], vector<16xf32>,
      %mul3A_1557 = arith.mulf %gather3A_1532, %gather3A_1547 : vector<16xf32>
      %mul3A_1558 = arith.mulf %mul3A_1557, %get3A_3 : vector<16xf32>
      %mul3A_1559 = arith.mulf %gather3A_1541, %gather3A_1556 : vector<16xf32>
      %mul3A_1560 = arith.mulf %mul3A_1559, %get3A_5 : vector<16xf32>
      %add3A_1561 = arith.addf %mul3A_1558, %mul3A_1560 : vector<16xf32>
      %reduce_sum3A_1562 = arith.constant true
      %reduce_sum3A_1563 = vector.broadcast %reduce_sum3A_1562 : i1 to vector<16xi1>
      %reduce_sum3A_1564 = tpu.scan <sum>, %add3A_1561 masked %reduce_sum3A_1563 : vector<16xf32>, vector<16xi1> -> vector<16xf32>
      %reduce_sum3A_1565 = vector.extract %reduce_sum3A_1564[15] : f32 from vector<16xf32>
      %eq3A_1566 = arith.constant 9 : i32
      %eq3A_1567 = vector.broadcast %eq3A_1566 : i32 to vector<16xi32>
      %eq3A_1568 = arith.cmpi eq, %iota3A, %eq3A_1567 : vector<16xi32>
      %add3A_1569 = vector.broadcast %reduce_sum3A_1565 : f32 to vector<16xf32>
      %add3A_1570 = arith.addf %select_n3A_1510, %add3A_1569 : vector<16xf32>
      %select_n3A_1571 = arith.select %eq3A_1568, %add3A_1570, %select_n3A_1510 : vector<16xi1>, vector<16xf32>
      %broadcast_in_dim3A_1572 = arith.constant 0 : i32
      %broadcast_in_dim3A_1573 = vector.broadcast %broadcast_in_dim3A_1572 : i32 to vector<16xi32>
      %slice3A_1574 = vector.extract_strided_slice %get3A_17 {offsets = [10], sizes = [1], strides = [1]} : vector<16xi32> to vector<1xi32>
      %squeeze3A_1575 = vector.extract %slice3A_1574[0] : i32 from vector<1xi32>
      %and3A_1576 = arith.constant 127 : i32
      %and3A_1577 = arith.andi %squeeze3A_1575, %and3A_1576 : i32
      %add3A_1578 = vector.broadcast %and3A_1577 : i32 to vector<16xi32>
      %add3A_1579 = arith.addi %broadcast_in_dim3A_1573, %add3A_1578 : vector<16xi32>
      %broadcast_in_dim3A_1580 = arith.constant 0 : i32
      %broadcast_in_dim3A_1581 = vector.broadcast %broadcast_in_dim3A_1580 : i32 to vector<16xi32>
      %slice3A_1582 = vector.extract_strided_slice %get3A_21 {offsets = [10], sizes = [1], strides = [1]} : vector<16xi32> to vector<1xi32>
      %squeeze3A_1583 = vector.extract %slice3A_1582[0] : i32 from vector<1xi32>
      %and3A_1584 = arith.constant 127 : i32
      %and3A_1585 = arith.andi %squeeze3A_1583, %and3A_1584 : i32
      %add3A_1586 = vector.broadcast %and3A_1585 : i32 to vector<16xi32>
      %add3A_1587 = arith.addi %broadcast_in_dim3A_1581, %add3A_1586 : vector<16xi32>
      %gather3A_1588 = arith.constant 2 : i32
      %gather3A_1589 = arith.constant 0 : i32
      %gather3A_1590 = arith.constant 0 : i32
      %gather3A_1591 = tpu.memref_slice %arg11[%gather3A_1588, %gather3A_1589, %gather3A_1590] : memref<8x32x128xf32, #tpu.memory_space<vmem>> -> memref<1x32x128xf32, #tpu.memory_space<vmem>>
      %gather3A_1592 = tpu.memref_squeeze %gather3A_1591 : memref<1x32x128xf32, #tpu.memory_space<vmem>> -> memref<32x128xf32, #tpu.memory_space<vmem>>
      %gather3A_1593 = tpu.vector_load_idx %gather3A_1592[%iota3A, %add3A_1579] : memref<32x128xf32, #tpu.memory_space<vmem>>[vector<16xi32>, vector<16xi32>], vector<16xf32>,
      %add3A_1594 = arith.constant 16 : i32
      %add3A_1595 = vector.broadcast %add3A_1594 : i32 to vector<16xi32>
      %add3A_1596 = arith.addi %iota3A, %add3A_1595 : vector<16xi32>
      %gather3A_1597 = arith.constant 2 : i32
      %gather3A_1598 = arith.constant 0 : i32
      %gather3A_1599 = arith.constant 0 : i32
      %gather3A_1600 = tpu.memref_slice %arg11[%gather3A_1597, %gather3A_1598, %gather3A_1599] : memref<8x32x128xf32, #tpu.memory_space<vmem>> -> memref<1x32x128xf32, #tpu.memory_space<vmem>>
      %gather3A_1601 = tpu.memref_squeeze %gather3A_1600 : memref<1x32x128xf32, #tpu.memory_space<vmem>> -> memref<32x128xf32, #tpu.memory_space<vmem>>
      %gather3A_1602 = tpu.vector_load_idx %gather3A_1601[%add3A_1596, %add3A_1579] : memref<32x128xf32, #tpu.memory_space<vmem>>[vector<16xi32>, vector<16xi32>], vector<16xf32>,
      %gather3A_1603 = arith.constant 2 : i32
      %gather3A_1604 = arith.constant 0 : i32
      %gather3A_1605 = arith.constant 0 : i32
      %gather3A_1606 = tpu.memref_slice %arg12[%gather3A_1603, %gather3A_1604, %gather3A_1605] : memref<8x32x128xf32, #tpu.memory_space<vmem>> -> memref<1x32x128xf32, #tpu.memory_space<vmem>>
      %gather3A_1607 = tpu.memref_squeeze %gather3A_1606 : memref<1x32x128xf32, #tpu.memory_space<vmem>> -> memref<32x128xf32, #tpu.memory_space<vmem>>
      %gather3A_1608 = tpu.vector_load_idx %gather3A_1607[%iota3A, %add3A_1587] : memref<32x128xf32, #tpu.memory_space<vmem>>[vector<16xi32>, vector<16xi32>], vector<16xf32>,
      %add3A_1609 = arith.constant 16 : i32
      %add3A_1610 = vector.broadcast %add3A_1609 : i32 to vector<16xi32>
      %add3A_1611 = arith.addi %iota3A, %add3A_1610 : vector<16xi32>
      %gather3A_1612 = arith.constant 2 : i32
      %gather3A_1613 = arith.constant 0 : i32
      %gather3A_1614 = arith.constant 0 : i32
      %gather3A_1615 = tpu.memref_slice %arg12[%gather3A_1612, %gather3A_1613, %gather3A_1614] : memref<8x32x128xf32, #tpu.memory_space<vmem>> -> memref<1x32x128xf32, #tpu.memory_space<vmem>>
      %gather3A_1616 = tpu.memref_squeeze %gather3A_1615 : memref<1x32x128xf32, #tpu.memory_space<vmem>> -> memref<32x128xf32, #tpu.memory_space<vmem>>
      %gather3A_1617 = tpu.vector_load_idx %gather3A_1616[%add3A_1611, %add3A_1587] : memref<32x128xf32, #tpu.memory_space<vmem>>[vector<16xi32>, vector<16xi32>], vector<16xf32>,
      %mul3A_1618 = arith.mulf %gather3A_1593, %gather3A_1608 : vector<16xf32>
      %mul3A_1619 = arith.mulf %mul3A_1618, %get3A_3 : vector<16xf32>
      %mul3A_1620 = arith.mulf %gather3A_1602, %gather3A_1617 : vector<16xf32>
      %mul3A_1621 = arith.mulf %mul3A_1620, %get3A_5 : vector<16xf32>
      %add3A_1622 = arith.addf %mul3A_1619, %mul3A_1621 : vector<16xf32>
      %reduce_sum3A_1623 = arith.constant true
      %reduce_sum3A_1624 = vector.broadcast %reduce_sum3A_1623 : i1 to vector<16xi1>
      %reduce_sum3A_1625 = tpu.scan <sum>, %add3A_1622 masked %reduce_sum3A_1624 : vector<16xf32>, vector<16xi1> -> vector<16xf32>
      %reduce_sum3A_1626 = vector.extract %reduce_sum3A_1625[15] : f32 from vector<16xf32>
      %eq3A_1627 = arith.constant 10 : i32
      %eq3A_1628 = vector.broadcast %eq3A_1627 : i32 to vector<16xi32>
      %eq3A_1629 = arith.cmpi eq, %iota3A, %eq3A_1628 : vector<16xi32>
      %add3A_1630 = vector.broadcast %reduce_sum3A_1626 : f32 to vector<16xf32>
      %add3A_1631 = arith.addf %select_n3A_1571, %add3A_1630 : vector<16xf32>
      %select_n3A_1632 = arith.select %eq3A_1629, %add3A_1631, %select_n3A_1571 : vector<16xi1>, vector<16xf32>
      %broadcast_in_dim3A_1633 = arith.constant 0 : i32
      %broadcast_in_dim3A_1634 = vector.broadcast %broadcast_in_dim3A_1633 : i32 to vector<16xi32>
      %slice3A_1635 = vector.extract_strided_slice %get3A_17 {offsets = [11], sizes = [1], strides = [1]} : vector<16xi32> to vector<1xi32>
      %squeeze3A_1636 = vector.extract %slice3A_1635[0] : i32 from vector<1xi32>
      %and3A_1637 = arith.constant 127 : i32
      %and3A_1638 = arith.andi %squeeze3A_1636, %and3A_1637 : i32
      %add3A_1639 = vector.broadcast %and3A_1638 : i32 to vector<16xi32>
      %add3A_1640 = arith.addi %broadcast_in_dim3A_1634, %add3A_1639 : vector<16xi32>
      %broadcast_in_dim3A_1641 = arith.constant 0 : i32
      %broadcast_in_dim3A_1642 = vector.broadcast %broadcast_in_dim3A_1641 : i32 to vector<16xi32>
      %slice3A_1643 = vector.extract_strided_slice %get3A_21 {offsets = [11], sizes = [1], strides = [1]} : vector<16xi32> to vector<1xi32>
      %squeeze3A_1644 = vector.extract %slice3A_1643[0] : i32 from vector<1xi32>
      %and3A_1645 = arith.constant 127 : i32
      %and3A_1646 = arith.andi %squeeze3A_1644, %and3A_1645 : i32
      %add3A_1647 = vector.broadcast %and3A_1646 : i32 to vector<16xi32>
      %add3A_1648 = arith.addi %broadcast_in_dim3A_1642, %add3A_1647 : vector<16xi32>
      %gather3A_1649 = arith.constant 3 : i32
      %gather3A_1650 = arith.constant 0 : i32
      %gather3A_1651 = arith.constant 0 : i32
      %gather3A_1652 = tpu.memref_slice %arg11[%gather3A_1649, %gather3A_1650, %gather3A_1651] : memref<8x32x128xf32, #tpu.memory_space<vmem>> -> memref<1x32x128xf32, #tpu.memory_space<vmem>>
      %gather3A_1653 = tpu.memref_squeeze %gather3A_1652 : memref<1x32x128xf32, #tpu.memory_space<vmem>> -> memref<32x128xf32, #tpu.memory_space<vmem>>
      %gather3A_1654 = tpu.vector_load_idx %gather3A_1653[%iota3A, %add3A_1640] : memref<32x128xf32, #tpu.memory_space<vmem>>[vector<16xi32>, vector<16xi32>], vector<16xf32>,
      %add3A_1655 = arith.constant 16 : i32
      %add3A_1656 = vector.broadcast %add3A_1655 : i32 to vector<16xi32>
      %add3A_1657 = arith.addi %iota3A, %add3A_1656 : vector<16xi32>
      %gather3A_1658 = arith.constant 3 : i32
      %gather3A_1659 = arith.constant 0 : i32
      %gather3A_1660 = arith.constant 0 : i32
      %gather3A_1661 = tpu.memref_slice %arg11[%gather3A_1658, %gather3A_1659, %gather3A_1660] : memref<8x32x128xf32, #tpu.memory_space<vmem>> -> memref<1x32x128xf32, #tpu.memory_space<vmem>>
      %gather3A_1662 = tpu.memref_squeeze %gather3A_1661 : memref<1x32x128xf32, #tpu.memory_space<vmem>> -> memref<32x128xf32, #tpu.memory_space<vmem>>
      %gather3A_1663 = tpu.vector_load_idx %gather3A_1662[%add3A_1657, %add3A_1640] : memref<32x128xf32, #tpu.memory_space<vmem>>[vector<16xi32>, vector<16xi32>], vector<16xf32>,
      %gather3A_1664 = arith.constant 3 : i32
      %gather3A_1665 = arith.constant 0 : i32
      %gather3A_1666 = arith.constant 0 : i32
      %gather3A_1667 = tpu.memref_slice %arg12[%gather3A_1664, %gather3A_1665, %gather3A_1666] : memref<8x32x128xf32, #tpu.memory_space<vmem>> -> memref<1x32x128xf32, #tpu.memory_space<vmem>>
      %gather3A_1668 = tpu.memref_squeeze %gather3A_1667 : memref<1x32x128xf32, #tpu.memory_space<vmem>> -> memref<32x128xf32, #tpu.memory_space<vmem>>
      %gather3A_1669 = tpu.vector_load_idx %gather3A_1668[%iota3A, %add3A_1648] : memref<32x128xf32, #tpu.memory_space<vmem>>[vector<16xi32>, vector<16xi32>], vector<16xf32>,
      %add3A_1670 = arith.constant 16 : i32
      %add3A_1671 = vector.broadcast %add3A_1670 : i32 to vector<16xi32>
      %add3A_1672 = arith.addi %iota3A, %add3A_1671 : vector<16xi32>
      %gather3A_1673 = arith.constant 3 : i32
      %gather3A_1674 = arith.constant 0 : i32
      %gather3A_1675 = arith.constant 0 : i32
      %gather3A_1676 = tpu.memref_slice %arg12[%gather3A_1673, %gather3A_1674, %gather3A_1675] : memref<8x32x128xf32, #tpu.memory_space<vmem>> -> memref<1x32x128xf32, #tpu.memory_space<vmem>>
      %gather3A_1677 = tpu.memref_squeeze %gather3A_1676 : memref<1x32x128xf32, #tpu.memory_space<vmem>> -> memref<32x128xf32, #tpu.memory_space<vmem>>
      %gather3A_1678 = tpu.vector_load_idx %gather3A_1677[%add3A_1672, %add3A_1648] : memref<32x128xf32, #tpu.memory_space<vmem>>[vector<16xi32>, vector<16xi32>], vector<16xf32>,
      %mul3A_1679 = arith.mulf %gather3A_1654, %gather3A_1669 : vector<16xf32>
      %mul3A_1680 = arith.mulf %mul3A_1679, %get3A_3 : vector<16xf32>
      %mul3A_1681 = arith.mulf %gather3A_1663, %gather3A_1678 : vector<16xf32>
      %mul3A_1682 = arith.mulf %mul3A_1681, %get3A_5 : vector<16xf32>
      %add3A_1683 = arith.addf %mul3A_1680, %mul3A_1682 : vector<16xf32>
      %reduce_sum3A_1684 = arith.constant true
      %reduce_sum3A_1685 = vector.broadcast %reduce_sum3A_1684 : i1 to vector<16xi1>
      %reduce_sum3A_1686 = tpu.scan <sum>, %add3A_1683 masked %reduce_sum3A_1685 : vector<16xf32>, vector<16xi1> -> vector<16xf32>
      %reduce_sum3A_1687 = vector.extract %reduce_sum3A_1686[15] : f32 from vector<16xf32>
      %eq3A_1688 = arith.constant 11 : i32
      %eq3A_1689 = vector.broadcast %eq3A_1688 : i32 to vector<16xi32>
      %eq3A_1690 = arith.cmpi eq, %iota3A, %eq3A_1689 : vector<16xi32>
      %add3A_1691 = vector.broadcast %reduce_sum3A_1687 : f32 to vector<16xf32>
      %add3A_1692 = arith.addf %select_n3A_1632, %add3A_1691 : vector<16xf32>
      %select_n3A_1693 = arith.select %eq3A_1690, %add3A_1692, %select_n3A_1632 : vector<16xi1>, vector<16xf32>
      %dma_wait3A_1694 = arith.constant 4 : i32
      %dma_wait3A_1695 = arith.constant 0 : i32
      %dma_wait3A_1696 = arith.constant 0 : i32
      %dma_wait3A_1697 = tpu.memref_slice %arg11[%dma_wait3A_1694, %dma_wait3A_1695, %dma_wait3A_1696] : memref<8x32x128xf32, #tpu.memory_space<vmem>> -> memref<1x32x128xf32, #tpu.memory_space<vmem>>
      %dma_wait3A_1698 = tpu.memref_squeeze %dma_wait3A_1697 : memref<1x32x128xf32, #tpu.memory_space<vmem>> -> memref<32x128xf32, #tpu.memory_space<vmem>>
      %dma_wait3A_1699 = arith.constant 0 : i32
      %dma_wait3A_1700 = tpu.memref_slice %arg4[%dma_wait3A_1699, %multiple_of3A_1192] : memref<32x1000000xf32, #tpu.memory_space<hbm>> -> memref<32x128xf32, #tpu.memory_space<hbm>>
      %dma_wait3A_1701 = arith.constant 0 : i32
      %dma_wait3A_1702 = arith.constant 0 : i32
      %dma_wait3A_1703 = tpu.memref_slice %arg11[%dma_wait3A_1694, %dma_wait3A_1701, %dma_wait3A_1702] : memref<8x32x128xf32, #tpu.memory_space<vmem>> -> memref<1x32x128xf32, #tpu.memory_space<vmem>>
      %dma_wait3A_1704 = tpu.memref_squeeze %dma_wait3A_1703 : memref<1x32x128xf32, #tpu.memory_space<vmem>> -> memref<32x128xf32, #tpu.memory_space<vmem>>
      %dma_wait3A_1705 = arith.constant 0 : i32
      %dma_wait3A_1706 = tpu.memref_slice %arg4[%dma_wait3A_1705, %multiple_of3A_1192] : memref<32x1000000xf32, #tpu.memory_space<hbm>> -> memref<32x128xf32, #tpu.memory_space<hbm>>
      tpu.wait_dma2 semaphore(%arg17 : memref<!tpu.dma_semaphore, #tpu.memory_space<semaphore_mem>>) src(%dma_wait3A_1706 : memref<32x128xf32, #tpu.memory_space<hbm>>) dst(%dma_wait3A_1704 : memref<32x128xf32, #tpu.memory_space<vmem>>)
      %dma_wait3A_1707 = arith.constant 4 : i32
      %dma_wait3A_1708 = arith.constant 0 : i32
      %dma_wait3A_1709 = arith.constant 0 : i32
      %dma_wait3A_1710 = tpu.memref_slice %arg12[%dma_wait3A_1707, %dma_wait3A_1708, %dma_wait3A_1709] : memref<8x32x128xf32, #tpu.memory_space<vmem>> -> memref<1x32x128xf32, #tpu.memory_space<vmem>>
      %dma_wait3A_1711 = tpu.memref_squeeze %dma_wait3A_1710 : memref<1x32x128xf32, #tpu.memory_space<vmem>> -> memref<32x128xf32, #tpu.memory_space<vmem>>
      %dma_wait3A_1712 = arith.constant 0 : i32
      %dma_wait3A_1713 = tpu.memref_slice %arg5[%dma_wait3A_1712, %multiple_of3A_1199] : memref<32x1000000xf32, #tpu.memory_space<hbm>> -> memref<32x128xf32, #tpu.memory_space<hbm>>
      %dma_wait3A_1714 = arith.constant 0 : i32
      %dma_wait3A_1715 = arith.constant 0 : i32
      %dma_wait3A_1716 = tpu.memref_slice %arg12[%dma_wait3A_1707, %dma_wait3A_1714, %dma_wait3A_1715] : memref<8x32x128xf32, #tpu.memory_space<vmem>> -> memref<1x32x128xf32, #tpu.memory_space<vmem>>
      %dma_wait3A_1717 = tpu.memref_squeeze %dma_wait3A_1716 : memref<1x32x128xf32, #tpu.memory_space<vmem>> -> memref<32x128xf32, #tpu.memory_space<vmem>>
      %dma_wait3A_1718 = arith.constant 0 : i32
      %dma_wait3A_1719 = tpu.memref_slice %arg5[%dma_wait3A_1718, %multiple_of3A_1199] : memref<32x1000000xf32, #tpu.memory_space<hbm>> -> memref<32x128xf32, #tpu.memory_space<hbm>>
      tpu.wait_dma2 semaphore(%arg17 : memref<!tpu.dma_semaphore, #tpu.memory_space<semaphore_mem>>) src(%dma_wait3A_1719 : memref<32x128xf32, #tpu.memory_space<hbm>>) dst(%dma_wait3A_1717 : memref<32x128xf32, #tpu.memory_space<vmem>>)
      %dma_wait3A_1720 = arith.constant 5 : i32
      %dma_wait3A_1721 = arith.constant 0 : i32
      %dma_wait3A_1722 = arith.constant 0 : i32
      %dma_wait3A_1723 = tpu.memref_slice %arg11[%dma_wait3A_1720, %dma_wait3A_1721, %dma_wait3A_1722] : memref<8x32x128xf32, #tpu.memory_space<vmem>> -> memref<1x32x128xf32, #tpu.memory_space<vmem>>
      %dma_wait3A_1724 = tpu.memref_squeeze %dma_wait3A_1723 : memref<1x32x128xf32, #tpu.memory_space<vmem>> -> memref<32x128xf32, #tpu.memory_space<vmem>>
      %dma_wait3A_1725 = arith.constant 0 : i32
      %dma_wait3A_1726 = tpu.memref_slice %arg4[%dma_wait3A_1725, %multiple_of3A_1232] : memref<32x1000000xf32, #tpu.memory_space<hbm>> -> memref<32x128xf32, #tpu.memory_space<hbm>>
      %dma_wait3A_1727 = arith.constant 0 : i32
      %dma_wait3A_1728 = arith.constant 0 : i32
      %dma_wait3A_1729 = tpu.memref_slice %arg11[%dma_wait3A_1720, %dma_wait3A_1727, %dma_wait3A_1728] : memref<8x32x128xf32, #tpu.memory_space<vmem>> -> memref<1x32x128xf32, #tpu.memory_space<vmem>>
      %dma_wait3A_1730 = tpu.memref_squeeze %dma_wait3A_1729 : memref<1x32x128xf32, #tpu.memory_space<vmem>> -> memref<32x128xf32, #tpu.memory_space<vmem>>
      %dma_wait3A_1731 = arith.constant 0 : i32
      %dma_wait3A_1732 = tpu.memref_slice %arg4[%dma_wait3A_1731, %multiple_of3A_1232] : memref<32x1000000xf32, #tpu.memory_space<hbm>> -> memref<32x128xf32, #tpu.memory_space<hbm>>
      tpu.wait_dma2 semaphore(%arg17 : memref<!tpu.dma_semaphore, #tpu.memory_space<semaphore_mem>>) src(%dma_wait3A_1732 : memref<32x128xf32, #tpu.memory_space<hbm>>) dst(%dma_wait3A_1730 : memref<32x128xf32, #tpu.memory_space<vmem>>)
      %dma_wait3A_1733 = arith.constant 5 : i32
      %dma_wait3A_1734 = arith.constant 0 : i32
      %dma_wait3A_1735 = arith.constant 0 : i32
      %dma_wait3A_1736 = tpu.memref_slice %arg12[%dma_wait3A_1733, %dma_wait3A_1734, %dma_wait3A_1735] : memref<8x32x128xf32, #tpu.memory_space<vmem>> -> memref<1x32x128xf32, #tpu.memory_space<vmem>>
      %dma_wait3A_1737 = tpu.memref_squeeze %dma_wait3A_1736 : memref<1x32x128xf32, #tpu.memory_space<vmem>> -> memref<32x128xf32, #tpu.memory_space<vmem>>
      %dma_wait3A_1738 = arith.constant 0 : i32
      %dma_wait3A_1739 = tpu.memref_slice %arg5[%dma_wait3A_1738, %multiple_of3A_1239] : memref<32x1000000xf32, #tpu.memory_space<hbm>> -> memref<32x128xf32, #tpu.memory_space<hbm>>
      %dma_wait3A_1740 = arith.constant 0 : i32
      %dma_wait3A_1741 = arith.constant 0 : i32
      %dma_wait3A_1742 = tpu.memref_slice %arg12[%dma_wait3A_1733, %dma_wait3A_1740, %dma_wait3A_1741] : memref<8x32x128xf32, #tpu.memory_space<vmem>> -> memref<1x32x128xf32, #tpu.memory_space<vmem>>
      %dma_wait3A_1743 = tpu.memref_squeeze %dma_wait3A_1742 : memref<1x32x128xf32, #tpu.memory_space<vmem>> -> memref<32x128xf32, #tpu.memory_space<vmem>>
      %dma_wait3A_1744 = arith.constant 0 : i32
      %dma_wait3A_1745 = tpu.memref_slice %arg5[%dma_wait3A_1744, %multiple_of3A_1239] : memref<32x1000000xf32, #tpu.memory_space<hbm>> -> memref<32x128xf32, #tpu.memory_space<hbm>>
      tpu.wait_dma2 semaphore(%arg17 : memref<!tpu.dma_semaphore, #tpu.memory_space<semaphore_mem>>) src(%dma_wait3A_1745 : memref<32x128xf32, #tpu.memory_space<hbm>>) dst(%dma_wait3A_1743 : memref<32x128xf32, #tpu.memory_space<vmem>>)
      %dma_wait3A_1746 = arith.constant 6 : i32
      %dma_wait3A_1747 = arith.constant 0 : i32
      %dma_wait3A_1748 = arith.constant 0 : i32
      %dma_wait3A_1749 = tpu.memref_slice %arg11[%dma_wait3A_1746, %dma_wait3A_1747, %dma_wait3A_1748] : memref<8x32x128xf32, #tpu.memory_space<vmem>> -> memref<1x32x128xf32, #tpu.memory_space<vmem>>
      %dma_wait3A_1750 = tpu.memref_squeeze %dma_wait3A_1749 : memref<1x32x128xf32, #tpu.memory_space<vmem>> -> memref<32x128xf32, #tpu.memory_space<vmem>>
      %dma_wait3A_1751 = arith.constant 0 : i32
      %dma_wait3A_1752 = tpu.memref_slice %arg4[%dma_wait3A_1751, %multiple_of3A_1272] : memref<32x1000000xf32, #tpu.memory_space<hbm>> -> memref<32x128xf32, #tpu.memory_space<hbm>>
      %dma_wait3A_1753 = arith.constant 0 : i32
      %dma_wait3A_1754 = arith.constant 0 : i32
      %dma_wait3A_1755 = tpu.memref_slice %arg11[%dma_wait3A_1746, %dma_wait3A_1753, %dma_wait3A_1754] : memref<8x32x128xf32, #tpu.memory_space<vmem>> -> memref<1x32x128xf32, #tpu.memory_space<vmem>>
      %dma_wait3A_1756 = tpu.memref_squeeze %dma_wait3A_1755 : memref<1x32x128xf32, #tpu.memory_space<vmem>> -> memref<32x128xf32, #tpu.memory_space<vmem>>
      %dma_wait3A_1757 = arith.constant 0 : i32
      %dma_wait3A_1758 = tpu.memref_slice %arg4[%dma_wait3A_1757, %multiple_of3A_1272] : memref<32x1000000xf32, #tpu.memory_space<hbm>> -> memref<32x128xf32, #tpu.memory_space<hbm>>
      tpu.wait_dma2 semaphore(%arg17 : memref<!tpu.dma_semaphore, #tpu.memory_space<semaphore_mem>>) src(%dma_wait3A_1758 : memref<32x128xf32, #tpu.memory_space<hbm>>) dst(%dma_wait3A_1756 : memref<32x128xf32, #tpu.memory_space<vmem>>)
      %dma_wait3A_1759 = arith.constant 6 : i32
      %dma_wait3A_1760 = arith.constant 0 : i32
      %dma_wait3A_1761 = arith.constant 0 : i32
      %dma_wait3A_1762 = tpu.memref_slice %arg12[%dma_wait3A_1759, %dma_wait3A_1760, %dma_wait3A_1761] : memref<8x32x128xf32, #tpu.memory_space<vmem>> -> memref<1x32x128xf32, #tpu.memory_space<vmem>>
      %dma_wait3A_1763 = tpu.memref_squeeze %dma_wait3A_1762 : memref<1x32x128xf32, #tpu.memory_space<vmem>> -> memref<32x128xf32, #tpu.memory_space<vmem>>
      %dma_wait3A_1764 = arith.constant 0 : i32
      %dma_wait3A_1765 = tpu.memref_slice %arg5[%dma_wait3A_1764, %multiple_of3A_1279] : memref<32x1000000xf32, #tpu.memory_space<hbm>> -> memref<32x128xf32, #tpu.memory_space<hbm>>
      %dma_wait3A_1766 = arith.constant 0 : i32
      %dma_wait3A_1767 = arith.constant 0 : i32
      %dma_wait3A_1768 = tpu.memref_slice %arg12[%dma_wait3A_1759, %dma_wait3A_1766, %dma_wait3A_1767] : memref<8x32x128xf32, #tpu.memory_space<vmem>> -> memref<1x32x128xf32, #tpu.memory_space<vmem>>
      %dma_wait3A_1769 = tpu.memref_squeeze %dma_wait3A_1768 : memref<1x32x128xf32, #tpu.memory_space<vmem>> -> memref<32x128xf32, #tpu.memory_space<vmem>>
      %dma_wait3A_1770 = arith.constant 0 : i32
      %dma_wait3A_1771 = tpu.memref_slice %arg5[%dma_wait3A_1770, %multiple_of3A_1279] : memref<32x1000000xf32, #tpu.memory_space<hbm>> -> memref<32x128xf32, #tpu.memory_space<hbm>>
      tpu.wait_dma2 semaphore(%arg17 : memref<!tpu.dma_semaphore, #tpu.memory_space<semaphore_mem>>) src(%dma_wait3A_1771 : memref<32x128xf32, #tpu.memory_space<hbm>>) dst(%dma_wait3A_1769 : memref<32x128xf32, #tpu.memory_space<vmem>>)
      %dma_wait3A_1772 = arith.constant 7 : i32
      %dma_wait3A_1773 = arith.constant 0 : i32
      %dma_wait3A_1774 = arith.constant 0 : i32
      %dma_wait3A_1775 = tpu.memref_slice %arg11[%dma_wait3A_1772, %dma_wait3A_1773, %dma_wait3A_1774] : memref<8x32x128xf32, #tpu.memory_space<vmem>> -> memref<1x32x128xf32, #tpu.memory_space<vmem>>
      %dma_wait3A_1776 = tpu.memref_squeeze %dma_wait3A_1775 : memref<1x32x128xf32, #tpu.memory_space<vmem>> -> memref<32x128xf32, #tpu.memory_space<vmem>>
      %dma_wait3A_1777 = arith.constant 0 : i32
      %dma_wait3A_1778 = tpu.memref_slice %arg4[%dma_wait3A_1777, %multiple_of3A_1312] : memref<32x1000000xf32, #tpu.memory_space<hbm>> -> memref<32x128xf32, #tpu.memory_space<hbm>>
      %dma_wait3A_1779 = arith.constant 0 : i32
      %dma_wait3A_1780 = arith.constant 0 : i32
      %dma_wait3A_1781 = tpu.memref_slice %arg11[%dma_wait3A_1772, %dma_wait3A_1779, %dma_wait3A_1780] : memref<8x32x128xf32, #tpu.memory_space<vmem>> -> memref<1x32x128xf32, #tpu.memory_space<vmem>>
      %dma_wait3A_1782 = tpu.memref_squeeze %dma_wait3A_1781 : memref<1x32x128xf32, #tpu.memory_space<vmem>> -> memref<32x128xf32, #tpu.memory_space<vmem>>
      %dma_wait3A_1783 = arith.constant 0 : i32
      %dma_wait3A_1784 = tpu.memref_slice %arg4[%dma_wait3A_1783, %multiple_of3A_1312] : memref<32x1000000xf32, #tpu.memory_space<hbm>> -> memref<32x128xf32, #tpu.memory_space<hbm>>
      tpu.wait_dma2 semaphore(%arg17 : memref<!tpu.dma_semaphore, #tpu.memory_space<semaphore_mem>>) src(%dma_wait3A_1784 : memref<32x128xf32, #tpu.memory_space<hbm>>) dst(%dma_wait3A_1782 : memref<32x128xf32, #tpu.memory_space<vmem>>)
      %dma_wait3A_1785 = arith.constant 7 : i32
      %dma_wait3A_1786 = arith.constant 0 : i32
      %dma_wait3A_1787 = arith.constant 0 : i32
      %dma_wait3A_1788 = tpu.memref_slice %arg12[%dma_wait3A_1785, %dma_wait3A_1786, %dma_wait3A_1787] : memref<8x32x128xf32, #tpu.memory_space<vmem>> -> memref<1x32x128xf32, #tpu.memory_space<vmem>>
      %dma_wait3A_1789 = tpu.memref_squeeze %dma_wait3A_1788 : memref<1x32x128xf32, #tpu.memory_space<vmem>> -> memref<32x128xf32, #tpu.memory_space<vmem>>
      %dma_wait3A_1790 = arith.constant 0 : i32
      %dma_wait3A_1791 = tpu.memref_slice %arg5[%dma_wait3A_1790, %multiple_of3A_1319] : memref<32x1000000xf32, #tpu.memory_space<hbm>> -> memref<32x128xf32, #tpu.memory_space<hbm>>
      %dma_wait3A_1792 = arith.constant 0 : i32
      %dma_wait3A_1793 = arith.constant 0 : i32
      %dma_wait3A_1794 = tpu.memref_slice %arg12[%dma_wait3A_1785, %dma_wait3A_1792, %dma_wait3A_1793] : memref<8x32x128xf32, #tpu.memory_space<vmem>> -> memref<1x32x128xf32, #tpu.memory_space<vmem>>
      %dma_wait3A_1795 = tpu.memref_squeeze %dma_wait3A_1794 : memref<1x32x128xf32, #tpu.memory_space<vmem>> -> memref<32x128xf32, #tpu.memory_space<vmem>>
      %dma_wait3A_1796 = arith.constant 0 : i32
      %dma_wait3A_1797 = tpu.memref_slice %arg5[%dma_wait3A_1796, %multiple_of3A_1319] : memref<32x1000000xf32, #tpu.memory_space<hbm>> -> memref<32x128xf32, #tpu.memory_space<hbm>>
      tpu.wait_dma2 semaphore(%arg17 : memref<!tpu.dma_semaphore, #tpu.memory_space<semaphore_mem>>) src(%dma_wait3A_1797 : memref<32x128xf32, #tpu.memory_space<hbm>>) dst(%dma_wait3A_1795 : memref<32x128xf32, #tpu.memory_space<vmem>>)
      %broadcast_in_dim3A_1798 = arith.constant 0 : i32
      %broadcast_in_dim3A_1799 = vector.broadcast %broadcast_in_dim3A_1798 : i32 to vector<16xi32>
      %slice3A_1800 = vector.extract_strided_slice %get3A_17 {offsets = [12], sizes = [1], strides = [1]} : vector<16xi32> to vector<1xi32>
      %squeeze3A_1801 = vector.extract %slice3A_1800[0] : i32 from vector<1xi32>
      %and3A_1802 = arith.constant 127 : i32
      %and3A_1803 = arith.andi %squeeze3A_1801, %and3A_1802 : i32
      %add3A_1804 = vector.broadcast %and3A_1803 : i32 to vector<16xi32>
      %add3A_1805 = arith.addi %broadcast_in_dim3A_1799, %add3A_1804 : vector<16xi32>
      %broadcast_in_dim3A_1806 = arith.constant 0 : i32
      %broadcast_in_dim3A_1807 = vector.broadcast %broadcast_in_dim3A_1806 : i32 to vector<16xi32>
      %slice3A_1808 = vector.extract_strided_slice %get3A_21 {offsets = [12], sizes = [1], strides = [1]} : vector<16xi32> to vector<1xi32>
      %squeeze3A_1809 = vector.extract %slice3A_1808[0] : i32 from vector<1xi32>
      %and3A_1810 = arith.constant 127 : i32
      %and3A_1811 = arith.andi %squeeze3A_1809, %and3A_1810 : i32
      %add3A_1812 = vector.broadcast %and3A_1811 : i32 to vector<16xi32>
      %add3A_1813 = arith.addi %broadcast_in_dim3A_1807, %add3A_1812 : vector<16xi32>
      %gather3A_1814 = arith.constant 4 : i32
      %gather3A_1815 = arith.constant 0 : i32
      %gather3A_1816 = arith.constant 0 : i32
      %gather3A_1817 = tpu.memref_slice %arg11[%gather3A_1814, %gather3A_1815, %gather3A_1816] : memref<8x32x128xf32, #tpu.memory_space<vmem>> -> memref<1x32x128xf32, #tpu.memory_space<vmem>>
      %gather3A_1818 = tpu.memref_squeeze %gather3A_1817 : memref<1x32x128xf32, #tpu.memory_space<vmem>> -> memref<32x128xf32, #tpu.memory_space<vmem>>
      %gather3A_1819 = tpu.vector_load_idx %gather3A_1818[%iota3A, %add3A_1805] : memref<32x128xf32, #tpu.memory_space<vmem>>[vector<16xi32>, vector<16xi32>], vector<16xf32>,
      %add3A_1820 = arith.constant 16 : i32
      %add3A_1821 = vector.broadcast %add3A_1820 : i32 to vector<16xi32>
      %add3A_1822 = arith.addi %iota3A, %add3A_1821 : vector<16xi32>
      %gather3A_1823 = arith.constant 4 : i32
      %gather3A_1824 = arith.constant 0 : i32
      %gather3A_1825 = arith.constant 0 : i32
      %gather3A_1826 = tpu.memref_slice %arg11[%gather3A_1823, %gather3A_1824, %gather3A_1825] : memref<8x32x128xf32, #tpu.memory_space<vmem>> -> memref<1x32x128xf32, #tpu.memory_space<vmem>>
      %gather3A_1827 = tpu.memref_squeeze %gather3A_1826 : memref<1x32x128xf32, #tpu.memory_space<vmem>> -> memref<32x128xf32, #tpu.memory_space<vmem>>
      %gather3A_1828 = tpu.vector_load_idx %gather3A_1827[%add3A_1822, %add3A_1805] : memref<32x128xf32, #tpu.memory_space<vmem>>[vector<16xi32>, vector<16xi32>], vector<16xf32>,
      %gather3A_1829 = arith.constant 4 : i32
      %gather3A_1830 = arith.constant 0 : i32
      %gather3A_1831 = arith.constant 0 : i32
      %gather3A_1832 = tpu.memref_slice %arg12[%gather3A_1829, %gather3A_1830, %gather3A_1831] : memref<8x32x128xf32, #tpu.memory_space<vmem>> -> memref<1x32x128xf32, #tpu.memory_space<vmem>>
      %gather3A_1833 = tpu.memref_squeeze %gather3A_1832 : memref<1x32x128xf32, #tpu.memory_space<vmem>> -> memref<32x128xf32, #tpu.memory_space<vmem>>
      %gather3A_1834 = tpu.vector_load_idx %gather3A_1833[%iota3A, %add3A_1813] : memref<32x128xf32, #tpu.memory_space<vmem>>[vector<16xi32>, vector<16xi32>], vector<16xf32>,
      %add3A_1835 = arith.constant 16 : i32
      %add3A_1836 = vector.broadcast %add3A_1835 : i32 to vector<16xi32>
      %add3A_1837 = arith.addi %iota3A, %add3A_1836 : vector<16xi32>
      %gather3A_1838 = arith.constant 4 : i32
      %gather3A_1839 = arith.constant 0 : i32
      %gather3A_1840 = arith.constant 0 : i32
      %gather3A_1841 = tpu.memref_slice %arg12[%gather3A_1838, %gather3A_1839, %gather3A_1840] : memref<8x32x128xf32, #tpu.memory_space<vmem>> -> memref<1x32x128xf32, #tpu.memory_space<vmem>>
      %gather3A_1842 = tpu.memref_squeeze %gather3A_1841 : memref<1x32x128xf32, #tpu.memory_space<vmem>> -> memref<32x128xf32, #tpu.memory_space<vmem>>
      %gather3A_1843 = tpu.vector_load_idx %gather3A_1842[%add3A_1837, %add3A_1813] : memref<32x128xf32, #tpu.memory_space<vmem>>[vector<16xi32>, vector<16xi32>], vector<16xf32>,
      %mul3A_1844 = arith.mulf %gather3A_1819, %gather3A_1834 : vector<16xf32>
      %mul3A_1845 = arith.mulf %mul3A_1844, %get3A_3 : vector<16xf32>
      %mul3A_1846 = arith.mulf %gather3A_1828, %gather3A_1843 : vector<16xf32>
      %mul3A_1847 = arith.mulf %mul3A_1846, %get3A_5 : vector<16xf32>
      %add3A_1848 = arith.addf %mul3A_1845, %mul3A_1847 : vector<16xf32>
      %reduce_sum3A_1849 = arith.constant true
      %reduce_sum3A_1850 = vector.broadcast %reduce_sum3A_1849 : i1 to vector<16xi1>
      %reduce_sum3A_1851 = tpu.scan <sum>, %add3A_1848 masked %reduce_sum3A_1850 : vector<16xf32>, vector<16xi1> -> vector<16xf32>
      %reduce_sum3A_1852 = vector.extract %reduce_sum3A_1851[15] : f32 from vector<16xf32>
      %eq3A_1853 = arith.constant 12 : i32
      %eq3A_1854 = vector.broadcast %eq3A_1853 : i32 to vector<16xi32>
      %eq3A_1855 = arith.cmpi eq, %iota3A, %eq3A_1854 : vector<16xi32>
      %add3A_1856 = vector.broadcast %reduce_sum3A_1852 : f32 to vector<16xf32>
      %add3A_1857 = arith.addf %select_n3A_1693, %add3A_1856 : vector<16xf32>
      %select_n3A_1858 = arith.select %eq3A_1855, %add3A_1857, %select_n3A_1693 : vector<16xi1>, vector<16xf32>
      %broadcast_in_dim3A_1859 = arith.constant 0 : i32
      %broadcast_in_dim3A_1860 = vector.broadcast %broadcast_in_dim3A_1859 : i32 to vector<16xi32>
      %slice3A_1861 = vector.extract_strided_slice %get3A_17 {offsets = [13], sizes = [1], strides = [1]} : vector<16xi32> to vector<1xi32>
      %squeeze3A_1862 = vector.extract %slice3A_1861[0] : i32 from vector<1xi32>
      %and3A_1863 = arith.constant 127 : i32
      %and3A_1864 = arith.andi %squeeze3A_1862, %and3A_1863 : i32
      %add3A_1865 = vector.broadcast %and3A_1864 : i32 to vector<16xi32>
      %add3A_1866 = arith.addi %broadcast_in_dim3A_1860, %add3A_1865 : vector<16xi32>
      %broadcast_in_dim3A_1867 = arith.constant 0 : i32
      %broadcast_in_dim3A_1868 = vector.broadcast %broadcast_in_dim3A_1867 : i32 to vector<16xi32>
      %slice3A_1869 = vector.extract_strided_slice %get3A_21 {offsets = [13], sizes = [1], strides = [1]} : vector<16xi32> to vector<1xi32>
      %squeeze3A_1870 = vector.extract %slice3A_1869[0] : i32 from vector<1xi32>
      %and3A_1871 = arith.constant 127 : i32
      %and3A_1872 = arith.andi %squeeze3A_1870, %and3A_1871 : i32
      %add3A_1873 = vector.broadcast %and3A_1872 : i32 to vector<16xi32>
      %add3A_1874 = arith.addi %broadcast_in_dim3A_1868, %add3A_1873 : vector<16xi32>
      %gather3A_1875 = arith.constant 5 : i32
      %gather3A_1876 = arith.constant 0 : i32
      %gather3A_1877 = arith.constant 0 : i32
      %gather3A_1878 = tpu.memref_slice %arg11[%gather3A_1875, %gather3A_1876, %gather3A_1877] : memref<8x32x128xf32, #tpu.memory_space<vmem>> -> memref<1x32x128xf32, #tpu.memory_space<vmem>>
      %gather3A_1879 = tpu.memref_squeeze %gather3A_1878 : memref<1x32x128xf32, #tpu.memory_space<vmem>> -> memref<32x128xf32, #tpu.memory_space<vmem>>
      %gather3A_1880 = tpu.vector_load_idx %gather3A_1879[%iota3A, %add3A_1866] : memref<32x128xf32, #tpu.memory_space<vmem>>[vector<16xi32>, vector<16xi32>], vector<16xf32>,
      %add3A_1881 = arith.constant 16 : i32
      %add3A_1882 = vector.broadcast %add3A_1881 : i32 to vector<16xi32>
      %add3A_1883 = arith.addi %iota3A, %add3A_1882 : vector<16xi32>
      %gather3A_1884 = arith.constant 5 : i32
      %gather3A_1885 = arith.constant 0 : i32
      %gather3A_1886 = arith.constant 0 : i32
      %gather3A_1887 = tpu.memref_slice %arg11[%gather3A_1884, %gather3A_1885, %gather3A_1886] : memref<8x32x128xf32, #tpu.memory_space<vmem>> -> memref<1x32x128xf32, #tpu.memory_space<vmem>>
      %gather3A_1888 = tpu.memref_squeeze %gather3A_1887 : memref<1x32x128xf32, #tpu.memory_space<vmem>> -> memref<32x128xf32, #tpu.memory_space<vmem>>
      %gather3A_1889 = tpu.vector_load_idx %gather3A_1888[%add3A_1883, %add3A_1866] : memref<32x128xf32, #tpu.memory_space<vmem>>[vector<16xi32>, vector<16xi32>], vector<16xf32>,
      %gather3A_1890 = arith.constant 5 : i32
      %gather3A_1891 = arith.constant 0 : i32
      %gather3A_1892 = arith.constant 0 : i32
      %gather3A_1893 = tpu.memref_slice %arg12[%gather3A_1890, %gather3A_1891, %gather3A_1892] : memref<8x32x128xf32, #tpu.memory_space<vmem>> -> memref<1x32x128xf32, #tpu.memory_space<vmem>>
      %gather3A_1894 = tpu.memref_squeeze %gather3A_1893 : memref<1x32x128xf32, #tpu.memory_space<vmem>> -> memref<32x128xf32, #tpu.memory_space<vmem>>
      %gather3A_1895 = tpu.vector_load_idx %gather3A_1894[%iota3A, %add3A_1874] : memref<32x128xf32, #tpu.memory_space<vmem>>[vector<16xi32>, vector<16xi32>], vector<16xf32>,
      %add3A_1896 = arith.constant 16 : i32
      %add3A_1897 = vector.broadcast %add3A_1896 : i32 to vector<16xi32>
      %add3A_1898 = arith.addi %iota3A, %add3A_1897 : vector<16xi32>
      %gather3A_1899 = arith.constant 5 : i32
      %gather3A_1900 = arith.constant 0 : i32
      %gather3A_1901 = arith.constant 0 : i32
      %gather3A_1902 = tpu.memref_slice %arg12[%gather3A_1899, %gather3A_1900, %gather3A_1901] : memref<8x32x128xf32, #tpu.memory_space<vmem>> -> memref<1x32x128xf32, #tpu.memory_space<vmem>>
      %gather3A_1903 = tpu.memref_squeeze %gather3A_1902 : memref<1x32x128xf32, #tpu.memory_space<vmem>> -> memref<32x128xf32, #tpu.memory_space<vmem>>
      %gather3A_1904 = tpu.vector_load_idx %gather3A_1903[%add3A_1898, %add3A_1874] : memref<32x128xf32, #tpu.memory_space<vmem>>[vector<16xi32>, vector<16xi32>], vector<16xf32>,
      %mul3A_1905 = arith.mulf %gather3A_1880, %gather3A_1895 : vector<16xf32>
      %mul3A_1906 = arith.mulf %mul3A_1905, %get3A_3 : vector<16xf32>
      %mul3A_1907 = arith.mulf %gather3A_1889, %gather3A_1904 : vector<16xf32>
      %mul3A_1908 = arith.mulf %mul3A_1907, %get3A_5 : vector<16xf32>
      %add3A_1909 = arith.addf %mul3A_1906, %mul3A_1908 : vector<16xf32>
      %reduce_sum3A_1910 = arith.constant true
      %reduce_sum3A_1911 = vector.broadcast %reduce_sum3A_1910 : i1 to vector<16xi1>
      %reduce_sum3A_1912 = tpu.scan <sum>, %add3A_1909 masked %reduce_sum3A_1911 : vector<16xf32>, vector<16xi1> -> vector<16xf32>
      %reduce_sum3A_1913 = vector.extract %reduce_sum3A_1912[15] : f32 from vector<16xf32>
      %eq3A_1914 = arith.constant 13 : i32
      %eq3A_1915 = vector.broadcast %eq3A_1914 : i32 to vector<16xi32>
      %eq3A_1916 = arith.cmpi eq, %iota3A, %eq3A_1915 : vector<16xi32>
      %add3A_1917 = vector.broadcast %reduce_sum3A_1913 : f32 to vector<16xf32>
      %add3A_1918 = arith.addf %select_n3A_1858, %add3A_1917 : vector<16xf32>
      %select_n3A_1919 = arith.select %eq3A_1916, %add3A_1918, %select_n3A_1858 : vector<16xi1>, vector<16xf32>
      %broadcast_in_dim3A_1920 = arith.constant 0 : i32
      %broadcast_in_dim3A_1921 = vector.broadcast %broadcast_in_dim3A_1920 : i32 to vector<16xi32>
      %slice3A_1922 = vector.extract_strided_slice %get3A_17 {offsets = [14], sizes = [1], strides = [1]} : vector<16xi32> to vector<1xi32>
      %squeeze3A_1923 = vector.extract %slice3A_1922[0] : i32 from vector<1xi32>
      %and3A_1924 = arith.constant 127 : i32
      %and3A_1925 = arith.andi %squeeze3A_1923, %and3A_1924 : i32
      %add3A_1926 = vector.broadcast %and3A_1925 : i32 to vector<16xi32>
      %add3A_1927 = arith.addi %broadcast_in_dim3A_1921, %add3A_1926 : vector<16xi32>
      %broadcast_in_dim3A_1928 = arith.constant 0 : i32
      %broadcast_in_dim3A_1929 = vector.broadcast %broadcast_in_dim3A_1928 : i32 to vector<16xi32>
      %slice3A_1930 = vector.extract_strided_slice %get3A_21 {offsets = [14], sizes = [1], strides = [1]} : vector<16xi32> to vector<1xi32>
      %squeeze3A_1931 = vector.extract %slice3A_1930[0] : i32 from vector<1xi32>
      %and3A_1932 = arith.constant 127 : i32
      %and3A_1933 = arith.andi %squeeze3A_1931, %and3A_1932 : i32
      %add3A_1934 = vector.broadcast %and3A_1933 : i32 to vector<16xi32>
      %add3A_1935 = arith.addi %broadcast_in_dim3A_1929, %add3A_1934 : vector<16xi32>
      %gather3A_1936 = arith.constant 6 : i32
      %gather3A_1937 = arith.constant 0 : i32
      %gather3A_1938 = arith.constant 0 : i32
      %gather3A_1939 = tpu.memref_slice %arg11[%gather3A_1936, %gather3A_1937, %gather3A_1938] : memref<8x32x128xf32, #tpu.memory_space<vmem>> -> memref<1x32x128xf32, #tpu.memory_space<vmem>>
      %gather3A_1940 = tpu.memref_squeeze %gather3A_1939 : memref<1x32x128xf32, #tpu.memory_space<vmem>> -> memref<32x128xf32, #tpu.memory_space<vmem>>
      %gather3A_1941 = tpu.vector_load_idx %gather3A_1940[%iota3A, %add3A_1927] : memref<32x128xf32, #tpu.memory_space<vmem>>[vector<16xi32>, vector<16xi32>], vector<16xf32>,
      %add3A_1942 = arith.constant 16 : i32
      %add3A_1943 = vector.broadcast %add3A_1942 : i32 to vector<16xi32>
      %add3A_1944 = arith.addi %iota3A, %add3A_1943 : vector<16xi32>
      %gather3A_1945 = arith.constant 6 : i32
      %gather3A_1946 = arith.constant 0 : i32
      %gather3A_1947 = arith.constant 0 : i32
      %gather3A_1948 = tpu.memref_slice %arg11[%gather3A_1945, %gather3A_1946, %gather3A_1947] : memref<8x32x128xf32, #tpu.memory_space<vmem>> -> memref<1x32x128xf32, #tpu.memory_space<vmem>>
      %gather3A_1949 = tpu.memref_squeeze %gather3A_1948 : memref<1x32x128xf32, #tpu.memory_space<vmem>> -> memref<32x128xf32, #tpu.memory_space<vmem>>
      %gather3A_1950 = tpu.vector_load_idx %gather3A_1949[%add3A_1944, %add3A_1927] : memref<32x128xf32, #tpu.memory_space<vmem>>[vector<16xi32>, vector<16xi32>], vector<16xf32>,
      %gather3A_1951 = arith.constant 6 : i32
      %gather3A_1952 = arith.constant 0 : i32
      %gather3A_1953 = arith.constant 0 : i32
      %gather3A_1954 = tpu.memref_slice %arg12[%gather3A_1951, %gather3A_1952, %gather3A_1953] : memref<8x32x128xf32, #tpu.memory_space<vmem>> -> memref<1x32x128xf32, #tpu.memory_space<vmem>>
      %gather3A_1955 = tpu.memref_squeeze %gather3A_1954 : memref<1x32x128xf32, #tpu.memory_space<vmem>> -> memref<32x128xf32, #tpu.memory_space<vmem>>
      %gather3A_1956 = tpu.vector_load_idx %gather3A_1955[%iota3A, %add3A_1935] : memref<32x128xf32, #tpu.memory_space<vmem>>[vector<16xi32>, vector<16xi32>], vector<16xf32>,
      %add3A_1957 = arith.constant 16 : i32
      %add3A_1958 = vector.broadcast %add3A_1957 : i32 to vector<16xi32>
      %add3A_1959 = arith.addi %iota3A, %add3A_1958 : vector<16xi32>
      %gather3A_1960 = arith.constant 6 : i32
      %gather3A_1961 = arith.constant 0 : i32
      %gather3A_1962 = arith.constant 0 : i32
      %gather3A_1963 = tpu.memref_slice %arg12[%gather3A_1960, %gather3A_1961, %gather3A_1962] : memref<8x32x128xf32, #tpu.memory_space<vmem>> -> memref<1x32x128xf32, #tpu.memory_space<vmem>>
      %gather3A_1964 = tpu.memref_squeeze %gather3A_1963 : memref<1x32x128xf32, #tpu.memory_space<vmem>> -> memref<32x128xf32, #tpu.memory_space<vmem>>
      %gather3A_1965 = tpu.vector_load_idx %gather3A_1964[%add3A_1959, %add3A_1935] : memref<32x128xf32, #tpu.memory_space<vmem>>[vector<16xi32>, vector<16xi32>], vector<16xf32>,
      %mul3A_1966 = arith.mulf %gather3A_1941, %gather3A_1956 : vector<16xf32>
      %mul3A_1967 = arith.mulf %mul3A_1966, %get3A_3 : vector<16xf32>
      %mul3A_1968 = arith.mulf %gather3A_1950, %gather3A_1965 : vector<16xf32>
      %mul3A_1969 = arith.mulf %mul3A_1968, %get3A_5 : vector<16xf32>
      %add3A_1970 = arith.addf %mul3A_1967, %mul3A_1969 : vector<16xf32>
      %reduce_sum3A_1971 = arith.constant true
      %reduce_sum3A_1972 = vector.broadcast %reduce_sum3A_1971 : i1 to vector<16xi1>
      %reduce_sum3A_1973 = tpu.scan <sum>, %add3A_1970 masked %reduce_sum3A_1972 : vector<16xf32>, vector<16xi1> -> vector<16xf32>
      %reduce_sum3A_1974 = vector.extract %reduce_sum3A_1973[15] : f32 from vector<16xf32>
      %eq3A_1975 = arith.constant 14 : i32
      %eq3A_1976 = vector.broadcast %eq3A_1975 : i32 to vector<16xi32>
      %eq3A_1977 = arith.cmpi eq, %iota3A, %eq3A_1976 : vector<16xi32>
      %add3A_1978 = vector.broadcast %reduce_sum3A_1974 : f32 to vector<16xf32>
      %add3A_1979 = arith.addf %select_n3A_1919, %add3A_1978 : vector<16xf32>
      %select_n3A_1980 = arith.select %eq3A_1977, %add3A_1979, %select_n3A_1919 : vector<16xi1>, vector<16xf32>
      %broadcast_in_dim3A_1981 = arith.constant 0 : i32
      %broadcast_in_dim3A_1982 = vector.broadcast %broadcast_in_dim3A_1981 : i32 to vector<16xi32>
      %slice3A_1983 = vector.extract_strided_slice %get3A_17 {offsets = [15], sizes = [1], strides = [1]} : vector<16xi32> to vector<1xi32>
      %squeeze3A_1984 = vector.extract %slice3A_1983[0] : i32 from vector<1xi32>
      %and3A_1985 = arith.constant 127 : i32
      %and3A_1986 = arith.andi %squeeze3A_1984, %and3A_1985 : i32
      %add3A_1987 = vector.broadcast %and3A_1986 : i32 to vector<16xi32>
      %add3A_1988 = arith.addi %broadcast_in_dim3A_1982, %add3A_1987 : vector<16xi32>
      %broadcast_in_dim3A_1989 = arith.constant 0 : i32
      %broadcast_in_dim3A_1990 = vector.broadcast %broadcast_in_dim3A_1989 : i32 to vector<16xi32>
      %slice3A_1991 = vector.extract_strided_slice %get3A_21 {offsets = [15], sizes = [1], strides = [1]} : vector<16xi32> to vector<1xi32>
      %squeeze3A_1992 = vector.extract %slice3A_1991[0] : i32 from vector<1xi32>
      %and3A_1993 = arith.constant 127 : i32
      %and3A_1994 = arith.andi %squeeze3A_1992, %and3A_1993 : i32
      %add3A_1995 = vector.broadcast %and3A_1994 : i32 to vector<16xi32>
      %add3A_1996 = arith.addi %broadcast_in_dim3A_1990, %add3A_1995 : vector<16xi32>
      %gather3A_1997 = arith.constant 7 : i32
      %gather3A_1998 = arith.constant 0 : i32
      %gather3A_1999 = arith.constant 0 : i32
      %gather3A_2000 = tpu.memref_slice %arg11[%gather3A_1997, %gather3A_1998, %gather3A_1999] : memref<8x32x128xf32, #tpu.memory_space<vmem>> -> memref<1x32x128xf32, #tpu.memory_space<vmem>>
      %gather3A_2001 = tpu.memref_squeeze %gather3A_2000 : memref<1x32x128xf32, #tpu.memory_space<vmem>> -> memref<32x128xf32, #tpu.memory_space<vmem>>
      %gather3A_2002 = tpu.vector_load_idx %gather3A_2001[%iota3A, %add3A_1988] : memref<32x128xf32, #tpu.memory_space<vmem>>[vector<16xi32>, vector<16xi32>], vector<16xf32>,
      %add3A_2003 = arith.constant 16 : i32
      %add3A_2004 = vector.broadcast %add3A_2003 : i32 to vector<16xi32>
      %add3A_2005 = arith.addi %iota3A, %add3A_2004 : vector<16xi32>
      %gather3A_2006 = arith.constant 7 : i32
      %gather3A_2007 = arith.constant 0 : i32
      %gather3A_2008 = arith.constant 0 : i32
      %gather3A_2009 = tpu.memref_slice %arg11[%gather3A_2006, %gather3A_2007, %gather3A_2008] : memref<8x32x128xf32, #tpu.memory_space<vmem>> -> memref<1x32x128xf32, #tpu.memory_space<vmem>>
      %gather3A_2010 = tpu.memref_squeeze %gather3A_2009 : memref<1x32x128xf32, #tpu.memory_space<vmem>> -> memref<32x128xf32, #tpu.memory_space<vmem>>
      %gather3A_2011 = tpu.vector_load_idx %gather3A_2010[%add3A_2005, %add3A_1988] : memref<32x128xf32, #tpu.memory_space<vmem>>[vector<16xi32>, vector<16xi32>], vector<16xf32>,
      %gather3A_2012 = arith.constant 7 : i32
      %gather3A_2013 = arith.constant 0 : i32
      %gather3A_2014 = arith.constant 0 : i32
      %gather3A_2015 = tpu.memref_slice %arg12[%gather3A_2012, %gather3A_2013, %gather3A_2014] : memref<8x32x128xf32, #tpu.memory_space<vmem>> -> memref<1x32x128xf32, #tpu.memory_space<vmem>>
      %gather3A_2016 = tpu.memref_squeeze %gather3A_2015 : memref<1x32x128xf32, #tpu.memory_space<vmem>> -> memref<32x128xf32, #tpu.memory_space<vmem>>
      %gather3A_2017 = tpu.vector_load_idx %gather3A_2016[%iota3A, %add3A_1996] : memref<32x128xf32, #tpu.memory_space<vmem>>[vector<16xi32>, vector<16xi32>], vector<16xf32>,
      %add3A_2018 = arith.constant 16 : i32
      %add3A_2019 = vector.broadcast %add3A_2018 : i32 to vector<16xi32>
      %add3A_2020 = arith.addi %iota3A, %add3A_2019 : vector<16xi32>
      %gather3A_2021 = arith.constant 7 : i32
      %gather3A_2022 = arith.constant 0 : i32
      %gather3A_2023 = arith.constant 0 : i32
      %gather3A_2024 = tpu.memref_slice %arg12[%gather3A_2021, %gather3A_2022, %gather3A_2023] : memref<8x32x128xf32, #tpu.memory_space<vmem>> -> memref<1x32x128xf32, #tpu.memory_space<vmem>>
      %gather3A_2025 = tpu.memref_squeeze %gather3A_2024 : memref<1x32x128xf32, #tpu.memory_space<vmem>> -> memref<32x128xf32, #tpu.memory_space<vmem>>
      %gather3A_2026 = tpu.vector_load_idx %gather3A_2025[%add3A_2020, %add3A_1996] : memref<32x128xf32, #tpu.memory_space<vmem>>[vector<16xi32>, vector<16xi32>], vector<16xf32>,
      %mul3A_2027 = arith.mulf %gather3A_2002, %gather3A_2017 : vector<16xf32>
      %mul3A_2028 = arith.mulf %mul3A_2027, %get3A_3 : vector<16xf32>
      %mul3A_2029 = arith.mulf %gather3A_2011, %gather3A_2026 : vector<16xf32>
      %mul3A_2030 = arith.mulf %mul3A_2029, %get3A_5 : vector<16xf32>
      %add3A_2031 = arith.addf %mul3A_2028, %mul3A_2030 : vector<16xf32>
      %reduce_sum3A_2032 = arith.constant true
      %reduce_sum3A_2033 = vector.broadcast %reduce_sum3A_2032 : i1 to vector<16xi1>
      %reduce_sum3A_2034 = tpu.scan <sum>, %add3A_2031 masked %reduce_sum3A_2033 : vector<16xf32>, vector<16xi1> -> vector<16xf32>
      %reduce_sum3A_2035 = vector.extract %reduce_sum3A_2034[15] : f32 from vector<16xf32>
      %eq3A_2036 = arith.constant 15 : i32
      %eq3A_2037 = vector.broadcast %eq3A_2036 : i32 to vector<16xi32>
      %eq3A_2038 = arith.cmpi eq, %iota3A, %eq3A_2037 : vector<16xi32>
      %add3A_2039 = vector.broadcast %reduce_sum3A_2035 : f32 to vector<16xf32>
      %add3A_2040 = arith.addf %select_n3A_1980, %add3A_2039 : vector<16xf32>
      %select_n3A_2041 = arith.select %eq3A_2038, %add3A_2040, %select_n3A_1980 : vector<16xi1>, vector<16xf32>
      %neg3A = arith.constant 0.000000e+00 : f32
      %neg3A_2042 = vector.broadcast %neg3A : f32 to vector<16xf32>
      %neg3A_2043 = arith.subf %neg3A_2042, %select_n3A_2041 : vector<16xf32>
      %exp3A = math.exp %neg3A_2043 : vector<16xf32>
      %add3A_2044 = arith.constant 1.000000e+00 : f32
      %add3A_2045 = vector.broadcast %add3A_2044 : f32 to vector<16xf32>
      %add3A_2046 = arith.addf %add3A_2045, %exp3A : vector<16xf32>
      %div3A = arith.constant 1.000000e+00 : f32
      %div3A_2047 = vector.broadcast %div3A : f32 to vector<16xf32>
      %div3A_2048 = arith.divf %div3A_2047, %add3A_2046 : vector<16xf32>
      %mul3A_2049 = arith.constant 16 : i32
      %mul3A_2050 = arith.muli %scan3A_13, %mul3A_2049 : i32
      %swap3A = arith.index_cast %mul3A_2050 : i32 to index
      %swap3A_2051 = tpu.vector_load %arg15[%swap3A] {strides = array<i32>} : memref<512xf32, #tpu.memory_space<vmem>>, vector<16xf32>,
      tpu.vector_store %arg15[%swap3A], %div3A_2048 {strides = array<i32>} : memref<512xf32, #tpu.memory_space<vmem>>, vector<16xf32>,
    }
    %scan3A_12 = arith.constant 32 : i32
    "tpu.region"() ({
      %run_scoped3A = tpu.sem_alloc : memref<!tpu.dma_semaphore, #tpu.memory_space<semaphore_mem>>
      %dma_start3A = tpu.memref_slice %arg8[%mul3A_2] : memref<16384xf32, #tpu.memory_space<hbm>> -> memref<512xf32, #tpu.memory_space<hbm>>
      %dma_start3A_13 = tpu.memref_slice %arg8[%mul3A_2] : memref<16384xf32, #tpu.memory_space<hbm>> -> memref<512xf32, #tpu.memory_space<hbm>>
      tpu.enqueue_dma source(%arg15 : memref<512xf32, #tpu.memory_space<vmem>>) target(%dma_start3A_13 : memref<512xf32, #tpu.memory_space<hbm>>) target_semaphore(%run_scoped3A : memref<!tpu.dma_semaphore, #tpu.memory_space<semaphore_mem>>)
      %dma_wait3A = tpu.memref_slice %arg8[%mul3A_2] : memref<16384xf32, #tpu.memory_space<hbm>> -> memref<512xf32, #tpu.memory_space<hbm>>
      %dma_wait3A_14 = tpu.memref_slice %arg8[%mul3A_2] : memref<16384xf32, #tpu.memory_space<hbm>> -> memref<512xf32, #tpu.memory_space<hbm>>
      tpu.wait_dma2 semaphore(%run_scoped3A : memref<!tpu.dma_semaphore, #tpu.memory_space<semaphore_mem>>) src(%arg15 : memref<512xf32, #tpu.memory_space<vmem>>) dst(%dma_wait3A_14 : memref<512xf32, #tpu.memory_space<hbm>>)
      tpu.yield
    }) : () -> ()
    return
  }
}

</mosaic_0001>

<sc_bundles>
// kernel: _gmf.3.cloned.1.call-start
scs
__scs_entry_jumppad:
0x0: {  	(pc) =	sbr.rel $0x88, $3  }
0x1: {  	(tag) =	ssettag $0x0;
	lr =	simm.s32 $0x1  }
0x2: {  	[smem:$0x3F9B] =	sst lr;
	_ =	strace $0xD0000000  }
0x3: {  	_ = 	snop  }
0x4: {  	_ = 	snop  }
0x5: {  	_ = 	snop  }
0x6: {  	_ = 	snop  }
0x7: {  	_ = 	snop  }
__scs_overlays_trampoline_lowered:
0x8: {  	[smem:$0x3FAA] =	sst s0  }
0x9: {  	[smem:$0x3FAB] =	sst s1  }
0xa: {  	[smem:$0x3FAC] =	sst s2  }
0xb: {  	[smem:$0x3FAD] =	sst s3  }
0xc: {  	[smem:$0x3FAE] =	sst s4  }
0xd: {  	[smem:$0x3FAF] =	sst s5  }
0xe: {  	[smem:$0x3FB0] =	sst s6  }
0xf: {  	[smem:$0x3FB1] =	sst s7  }
0x10: {  	[smem:$0x3FB2] =	sst s8  }
0x11: {  	[smem:$0x3FB3] =	sst s9;
	s0 =	simm.s32 @!p0 $0x0  }
0x12: {  	s1 =	sld [smem:$0x3F99];
	s0 =	simm.s32 @p0 $0x1  }
0x13: {  	[smem:$0x3FB4] =	sst s0;
	s0 =	simm.s32 @!p1 $0x0  }
0x14: {  	s2 =	sld [smem:$0x3F98];
	s0 =	simm.s32 @p1 $0x1  }
0x15: {  	[smem:$0x3FB5] =	sst s0;
	s0 =	simm.s32 @!p2 $0x0  }
0x16: {  	s3 =	sld [smem:$0x3FDB];
	s0 =	simm.s32 @p2 $0x1  }
0x17: {  	s4 =	simm.s32 $0x1BF5;
	[smem:$0x3FB7] =	sst s0  }
0x18: {  	s0 =	sld [smem:$0x3F9A];
	_ =	swait.ge [sflag:s4], $0x0  }
0x19: {  	s7 =	sld [smem:$0x3F9B]  }
0x1a: {  	s8 =	sadd.s32 $0xFFFFE003, lr  }
0x1b: {  	s9 =	sadd.s32 $0xFFFFFEF7, lr;
	s5 =	simm.s32 $0xFFFFFFFF;
	p2 =	slt.u32 s8, $0xFFFFF086  }
0x1c: {  	p1 =	slt.u32 s9, $0xF7A;
	s5 =	simm.s32 @!p2 $0x0  }
0x1d: {  	s5 =	simm.s32 @p1 $0x1;
	p0 =	seq.s32 s7, s2  }
0x1e: {  	s7 =	smul.u32 @!p0 $0xF7A, s2;
	p2 =	seq.s32 @!p0 s5, $0x0  }
0x1f: {  	s9 =	smul.u32 $0xF7A, s1;
	s8 =	simm.s32 @!p0 $0x1BF5;
	p2 =	por !p2, p0  }
0x20: {  	[sflag:s8] =	ssyncset.s32 @!p0 $0xFFFFF086;
	s6 =	sadd.s32 @!p0 s3, s7;
	s7 =	simm.s32 @!p0 $0x108  }
0x21: {  	s3 =	sadd.s32 s3, s9;
	s6 =	sadd.s32 @!p0 $0x88, s6;
	s7 =	simm.s32 @p2 $0x1082  }
0x22: {  	[simem:s7], [sflag:s8] =	dma.local @!p0 [hbm:s6], $0xF7A  }
0x23: {  	s9 =	sor.u32 $0xD0000000, s2;
	s6 =	simm.s32 $0x108;
	_ =	swait.ge @!p0 [sflag:s8], $0x0  }
0x24: {  	s3 =	sadd.s32 $0x88, s3;
	s6 =	simm.s32 @!p1 $0x1082;
	[sflag:s4] =	ssyncset.s32 $0xFFFFF086  }
0x25: {  	[simem:s6], [sflag:s4] =	dma.local [hbm:s3], $0xF7A  }
0x26: {  	[smem:$0x3F9B] =	sst s1;
	(tag) =	ssettag s2;
	_ =	strace s9  }
0x27: {  	s1 =	sld [smem:$0x3FAB]  }
0x28: {  	s2 =	sld [smem:$0x3FAC]  }
0x29: {  	s4 =	sld [smem:$0x3FAE]  }
0x2a: {  	p0 =	seq.s32 s5, $0x0;
	s5 =	sld [smem:$0x3FAF]  }
0x2b: {  	s6 =	sld [smem:$0x3FB0]  }
0x2c: {  	s7 =	sld [smem:$0x3FB1]  }
0x2d: {  	s3 =	simm.s32 $0x108;
	s8 =	sld [smem:$0x3FB2]  }
0x2e: {  	s3 =	simm.s32 @!p0 $0x1082;
	s9 =	sld [smem:$0x3FB3]  }
0x2f: {  	lr =	sadd.s32 s0, s3;
	s0 =	sld [smem:$0x3FAA]  }
0x30: {  	s3 =	sld [smem:$0x3FAD]  }
0x31: {  	[smem:$0x3FB6] =	sst s10  }
0x32: {  	s10 =	sld [smem:$0x3FB4];
	_ =	sdelay $0x3  }
0x33: {  	p0 =	seq.s32 s10, $0x1;
	s10 =	sld [smem:$0x3FB6];
	_ =	sdelay $0x3  }
0x34: {  	[smem:$0x3FB6] =	sst s10  }
0x35: {  	s10 =	sld [smem:$0x3FB5];
	_ =	sdelay $0x3  }
0x36: {  	p1 =	seq.s32 s10, $0x1;
	s10 =	sld [smem:$0x3FB6];
	_ =	sdelay $0x3  }
0x37: {  	[smem:$0x3FB6] =	sst s10  }
0x38: {  	s10 =	sld [smem:$0x3FB7]  }
0x39: {  	_ = 	snop;
	(pc) =	sbr.ind lr, $3  }
0x3a: {  	_ = 	snop  }
0x3b: {  	_ = 	snop  }
0x3c: {  	p2 =	seq.s32 s10, $0x1;
	s10 =	sld [smem:$0x3FB6]  }
0x3d: {  	_ =	shalt  }
0x3e: {  	_ =	shalt  }
0x3f: {  	_ =	shalt  }
0x40: {  	_ =	shalt  }
0x41: {  	_ =	shalt  }
0x42: {  	_ =	shalt  }
0x43: {  	_ =	shalt  }
0x44: {  	_ =	shalt  }
0x45: {  	_ =	shalt  }
0x46: {  	_ =	shalt  }
0x47: {  	_ =	shalt  }
0x48: {  	_ =	shalt  }
0x49: {  	_ =	shalt  }
0x4a: {  	_ =	shalt  }
0x4b: {  	_ =	shalt  }
0x4c: {  	_ =	shalt  }
0x4d: {  	_ =	shalt  }
0x4e: {  	_ =	shalt  }
0x4f: {  	_ =	shalt  }
0x50: {  	_ =	shalt  }
0x51: {  	_ =	shalt  }
0x52: {  	_ =	shalt  }
0x53: {  	_ =	shalt  }
0x54: {  	_ =	shalt  }
0x55: {  	_ =	shalt  }
0x56: {  	_ =	shalt  }
0x57: {  	_ =	shalt  }
0x58: {  	_ =	shalt  }
0x59: {  	_ =	shalt  }
0x5a: {  	_ =	shalt  }
0x5b: {  	_ =	shalt  }
0x5c: {  	_ =	shalt  }
0x5d: {  	_ =	shalt  }
0x5e: {  	_ =	shalt  }
0x5f: {  	_ =	shalt  }
0x60: {  	_ =	shalt  }
0x61: {  	_ =	shalt  }
0x62: {  	_ =	shalt  }
0x63: {  	_ =	shalt  }
0x64: {  	_ =	shalt  }
0x65: {  	_ =	shalt  }
0x66: {  	_ =	shalt  }
0x67: {  	_ =	shalt  }
0x68: {  	_ =	shalt  }
0x69: {  	_ =	shalt  }
0x6a: {  	_ =	shalt  }
0x6b: {  	_ =	shalt  }
0x6c: {  	_ =	shalt  }
0x6d: {  	_ =	shalt  }
0x6e: {  	_ =	shalt  }
0x6f: {  	_ =	shalt  }
0x70: {  	_ =	shalt  }
0x71: {  	_ =	shalt  }
0x72: {  	_ =	shalt  }
0x73: {  	_ =	shalt  }
0x74: {  	_ =	shalt  }
0x75: {  	_ =	shalt  }
0x76: {  	_ =	shalt  }
0x77: {  	_ =	shalt  }
0x78: {  	_ =	shalt  }
0x79: {  	_ =	shalt  }
0x7a: {  	_ =	shalt  }
0x7b: {  	_ =	shalt  }
0x7c: {  	_ =	shalt  }
0x7d: {  	_ =	shalt  }
0x7e: {  	_ =	shalt  }
0x7f: {  	_ =	shalt  }
0x80: {  	_ =	shalt  }
0x81: {  	_ =	shalt  }
0x82: {  	_ =	shalt  }
0x83: {  	_ =	shalt  }
0x84: {  	_ =	shalt  }
0x85: {  	_ =	shalt  }
0x86: {  	_ =	shalt  }
0x87: {  	_ =	shalt  }
.Lfunc_end0:
.L_simem_size_0:
called_computation_lowered:
.L_overlay_start_0:
0x88: {  	s2 =	sld [smem:$0x3FD9]  }
0x89: {  	s3 =	sld [smem:$0x3FFE];
	_ =	sdelay $0x1  }
0x8a: {  	s1 =	srdreg.scid  }
0x8b: {  	s0 =	sand.u32 $0x1, s1  }
0x8c: {  	s18 =	sshll.u32 s0, $0xA;
	s2 =	sadd.s32 s3, s2  }
0x8d: {  	s2 =	sadd.s32 s2, s18  }
0x8e: {  	[smem:$0x3FC2] =	sst s2  }
0x8f: {  	_ = 	snop  }
0x90: {  	s2 =	sld [smem:$0x3FC9]  }
0x91: {  	s19 =	sld [smem:$0x3FC8]  }
0x92: {  	s4 =	sld [smem:$0x3FC7]  }
0x93: {  	s5 =	sld [smem:$0x3FC6]  }
0x94: {  	s6 =	sld [smem:$0x3FC5]  }
0x95: {  	s7 =	sld [smem:$0x3FC4]  }
0x96: {  	s8 =	sld [smem:$0x3FD0];
	(tm) =	ssettm $0x1  }
0x97: {  	s9 =	sld [smem:$0x3FFB];
	_ =	sdelay $0x3  }
0x98: {  	_ =	strace s9  }
0x99: {  	s9 =	sld [smem:$0x3FFC];
	_ =	sdelay $0x3  }
0x9a: {  	_ =	strace s9  }
0x9b: {  	s9 =	sld [smem:$0x3FFD];
	_ =	sdelay $0x3  }
0x9c: {  	_ =	strace s9  }
0x9d: {  	_ =	strace $0x8FFFFFFF  }
0x9e: {  	s20 =	sld [smem:$0x3FDB];
	_ =	sdelay $0x1  }
0x9f: {  	s10 =	simm.s32 $_scs_section_size  }
0xa0: {  	s11 =	simm.s32 $_size__tile_overlayer_lowered;
	s12 =	simm.s32 $_tile_overlayer_lowered  }
0xa1: {  	s23 =	simm.s32 $0x1BFF;
	s22 =	sshll.u32 s12, $0x1;
	s9 =	sadd.s32 s10, s20  }
0xa2: {  	s13 =	simm.s32 $0x0;
	s21 =	sshll.u32 s11, $0x1;
	s11 =	sadd.s32 s22, s9  }
0xa3: {  	[timem:s13], [sflag:s23] =	dma.local [hbm:s11], s21  }
0xa4: {  	_ =	swait.ge [sflag:s23], s21  }
0xa5: {  	s10 =	ssub.s32 $0x0, s21;
	[sflag:s23] =	ssyncset.done $0x0  }
0xa6: {  	[sflag:s23] =	ssyncadd.s32 s10;
	_ =	sdelay $0x1  }
0xa7: {  	s24 =	simm.s32 $0x1B8B  }
0xa8: {  	_ =	swait.ge [sflag:s24], $0x1  }
0xa9: {  	[sflag:s24] =	ssyncset.done $0x0  }
0xaa: {  	s25 =	simm.s32 $0x1B8E;
	[sflag:s24] =	ssyncadd.s32 $0xFFFFFFFF  }
0xab: {  	s26 =	simm.s32 $execute0_lowered;
	[smem:$0x3FD2] =	sst s25  }
0xac: {  	s10 =	sshll.u32 s26, $0x1;
	_ =	strace $0x80000046;
	[dreg:$0x1] =	wrdreg $0xFFFFFFFF  }
0xad: {  	s28 =	simm.s32 $_size_execute0_lowered;
	s9 =	sadd.s32 s9, s10;
	[dreg:$0x0] =	wrdreg $0x0  }
0xae: {  	s10 =	sshll.u32 s28, $0x1;
	[dreg:$0x2] =	wrdreg s9  }
0xaf: {  	[dreg:$0x3] =	wrdreg s10  }
0xb0: {  	[dreg:$0x4] =	wrdreg $0xC0  }
0xb1: {  	_ =	task [dreg:s13], $0x5FFFF  }
0xb2: {  	[dreg:$0x1] =	wrdreg $0xFFFFFFFF  }
0xb3: {  	[dreg:$0x0] =	wrdreg $0x60  }
0xb4: {  	[dreg:$0x2] =	wrdreg s2  }
0xb5: {  	[dreg:$0x3] =	wrdreg s19  }
0xb6: {  	[dreg:$0x4] =	wrdreg s4  }
0xb7: {  	[dreg:$0x5] =	wrdreg s5  }
0xb8: {  	[dreg:$0x6] =	wrdreg s6  }
0xb9: {  	[dreg:$0x7] =	wrdreg s7  }
0xba: {  	[dreg:$0x8] =	wrdreg s8  }
0xbb: {  	[dreg:$0x9] =	wrdreg $0x9  }
0xbc: {  	_ =	task.clear_ibuf [dreg:s13], $0xAFFFF;
	_ =	strace $0x90000046  }
0xbd: {  	s29 =	simm.s32 $0x9;
	_ =	strace $0x80000048  }
0xbe: {  	_ =	swait.ge [sflag:s29], $0x1  }
0xbf: {  	[sflag:s29] =	ssyncadd.s32 $0xFFFFFFFF  }
0xc0: {  	_ =	strace $0x90000048  }
0xc1: {  	_ =	sfence  }
0xc2: {  	s30 =	sld [smem:$0x0];
	_ =	sdelay $0x2  }
0xc3: {  	s31 =	sshll.u32 s1, $0xD;
	s1 =	sshrl.u32 s1, $0x2  }
0xc4: {  	s3 =	sand.u32 $0x4000, s31;
	s1 =	sadd.s32 s1, s30  }
0xc5: {  	s0 =	sor.u32 s3, s0;
	s1 =	sshll.u32 s1, $0x11  }
0xc6: {  	s0 =	sor.u32 s1, s0  }
0xc7: {  	s0 =	sadd.s32 $0x8F2B, s0  }
0xc8: {  	[sflag:s0] =	ssyncadd.remote.s32 $0x1  }
0xc9: {  	_ =	sfence.sel $0xFFFF  }
0xca: {  	[dreg:$0x0] =	wrdreg $0xFFFFFFFF;
	(pc) =	sbr.abs _section_cstart, $3  }
0xcb: {  	[dreg:$0x1] =	wrdreg $0xFFFFFFFF  }
0xcc: {  	_ =	task.clear_ibuf [dreg:s13], $0x2FFFF;
	_ =	strace $0x9FFFFFFF  }
0xcd: {  	(tm) =	ssettm $0x7FFFFFFF  }
tec
execute0_lowered:
.L_overlay_start_1:
0x0: {  	(tag) =	ssettag $0x1  }
0x1: {  	s0 =	rddreg [dreg:$0x0]  }
0x2: {  	s3 =	rddreg [dreg:$0x1]  }
0x3: {  	s1 =	rddreg [dreg:$0x2]  }
0x4: {  	s2 =	rddreg [dreg:$0x3]  }
0x5: {  	s4 =	rddreg [dreg:$0x6]  }
0x6: {  	s9 =	simm.s32 $0x0;
	s5 =	srdreg.scid;
	s7 =	stileid.u32  }
0x7: {  	s14 =	simm.s32 $0x7A1400;
	s16 =	simm.s32 $0x400;
	s28 =	simm.s32 $0x2400  }
0x8: {  	s29 =	simm.s32 $0xA400;
	s30 =	simm.s32 $0x3400;
	s18 =	simm.s32 $0x4400  }
0x9: {  	v0 =	vlaneseq.u32;
	s15 =	simm.s32 $0x5400;
	[smem:$0x7FF] =	sst s9;
	s5 =	sand.u32 $0x1, s5  }
0xa: {  	vm0 =	vmmov $0x1;
	vm1 =	vcmask $0x30C;
	vm2 =	vcmask $0xF0C;
	s7 =	sshll.u32 s7, $0x7;
	s6 =	ssub.s32 $0x2, s5;
	s5 =	sshll.u32 s5, $0x6  }
0xb: {  	vm3 =	vcmask $0x714;
	vm4 =	vcmask $0xF18;
	vm5 =	vcmask $0x131C;
	s19 =	simm.s32 $0xD400;
	_ =	strace $0x80000047;
	s5 =	sor.u32 s5, s7  }
0xc: {  	vm6 =	vcmask $0x1F1C;
	vm7 =	vcmask $0x1724;
	vm8 =	vcmask $0x1F28;
	s8 =	sshrl.u32 s6, $0x1;
	s7 =	simm.s32 $0x0;
	s0 =	sadd.s32 s0, s5  }
0xd: {  	vm9 =	vcmask $0x232C;
	vm10 =	vcmask $0x2F2C;
	vm11 =	vcmask $0x2734;
	s6 =	ssub.s32 s6, s8;
	s25 =	sadd.s32 s3, s5;
	[dreg:$0x8] =	wrdreg s0  }
0xe: {  	vm12 =	vcmask $0x2F38;
	vm13 =	vcmask $0x333C;
	vm14 =	vmmov $0x3fff;
	s26 =	sadd.s32 s4, s5;
	s8 =	simm.s32 $0x8400;
	[dreg:$0x9] =	wrdreg s25  }
0xf: {  	vm15 =	vmmov $0x7fff;
	v0 =	vmul.u32 $0x80, v0;
	vm2 =	vmor vm3, vm2;
	s5 =	simm.s32 $0x1;
	s3 =	simm.s32 $0x2;
	[dreg:$0xa] =	wrdreg s26  }
0x10: {  	vm3 =	vcmask $0xB14;
	vm6 =	vmor vm7, vm6;
	vm7 =	vcmask $0x1B24;
	s31 =	smax.u32 s6, $0x1;
	s6 =	simm.s32 $0x3;
	s25 =	simm.s32 $0x1400  }
0x11: {  	vm10 =	vmor vm11, vm10;
	vm11 =	vcmask $0x2B34;
	v1 =	vor.u32 $0x800, v0;
	s26 =	simm.s32 $0x9400;
	s0 =	simm.s32 $0xC400;
	[dreg:$0xb] =	wrdreg s31  }
.LBB2_1:
0x12: {  	[dreg:$0xc] =	wrdreg s7  }
0x13: {  	s4 =	rddreg [dreg:$0x8]  }
0x14: {  	[tilespmem:s9], [sflag:$0x3] =	stream.linear.gather [hbm4b:s4+s9], $0x200, $0x38;
	[tilespmem:$0x10700] =	vst v63  }
0x15: {  	_ =	swait.ge [sflag:s6], $0x200  }
0x16: {  	[sflag:s6] =	ssyncset.done $0x0  }
0x17: {  	s21 =	simm.s32 $0x200;
	s20 =	rddreg [dreg:$0x9];
	[sflag:s6] =	ssyncadd.s32 $0xFFFFFE00  }
0x18: {  	[tilespmem:s21], [sflag:$0x3] =	stream.linear.gather [hbm4b:s20+s9], $0x200, $0x38;
	[tilespmem:$0x10700] =	vst v63  }
0x19: {  	_ =	swait.ge [sflag:s6], $0x200  }
0x1a: {  	[sflag:s6] =	ssyncset.done $0x0  }
0x1b: {  	[sflag:s6] =	ssyncadd.s32 $0xFFFFFE00  }
0x1c: {  	s23 =	simm.s32 $0x10400;
	s22 =	rddreg [dreg:$0x4]  }
0x1d: {  	[tilespmem:s23], [sflag:$0x3] =	stream.linear.gather [hbm4b:s22+s9], $0x80, $0x38;
	[tilespmem:$0x10700] =	vst v63  }
0x1e: {  	_ =	swait.ge [sflag:s6], $0x80  }
0x1f: {  	[sflag:s6] =	ssyncset.done $0x0  }
0x20: {  	[sflag:s6] =	ssyncadd.s32 $0xFFFFFF80  }
0x21: {  	s31 =	simm.s32 $0x10480;
	s24 =	rddreg [dreg:$0x5]  }
0x22: {  	[tilespmem:s31], [sflag:$0x3] =	stream.linear.gather [hbm4b:s24+s9], $0x80, $0x38;
	[tilespmem:$0x10700] =	vst v63  }
0x23: {  	_ =	swait.ge [sflag:s6], $0x80  }
0x24: {  	[sflag:s6] =	ssyncset.done $0x0  }
0x25: {  	[sflag:s6] =	ssyncadd.s32 $0xFFFFFF80  }
0x26: {  	v2 =	vld [tilespmem:$0x10400]  }
0x27: {  	v3 =	vld [tilespmem:$0x10410]  }
0x28: {  	s13 =	simm.s32 $0x0;
	v4 =	vld [tilespmem:$0x10480]  }
.LBB2_2:
0x29: {  	s4 =	sshra.s32 s13, $0x2  }
0x2a: {  	v10 =	vld [tilespmem:s4+$0x0]  }
0x2b: {  	v6 =	vld [tilespmem:s4+$0x200];
	_ =	sdelay $0x3  }
0x2c: {  	(v2sf) =	vpush v10, $0x0  }
0x2d: {  	(v2sf) =	vpush v6, $0x0  }
0x2e: {  	(v2sf) =	vpush v10, $0x1;
	_ =	sdelay $0x2  }
0x2f: {  	(v2sf) =	vpush v6, $0x1;
	_ =	sdelay $0x2  }
0x30: {  	(v2sf) =	vpush v10, $0x2;
	_ =	sdelay $0x1  }
0x31: {  	(v2sf) =	vpush v6, $0x2;
	_ =	sdelay $0x4  }
0x32: {  	s12 =	spop (v2sf)  }
0x33: {  	s11 =	spop (v2sf);
	(v2sf) =	vpush v10, $0x3  }
0x34: {  	s7 =	sand.u32 $0xFFFFF80, s12;
	s17 =	spop (v2sf);
	(v2sf) =	vpush v6, $0x3  }
0x35: {  	[dreg:$0xd] =	wrdreg s4;
	s4 =	sadd.s32 s1, s7;
	s9 =	sand.u32 $0xFFFFF80, s11  }
0x36: {  	[tilespmem:s16], [sflag:$0x1] =	stream.strided.gather [hbm4b:s4+s16], $0x1000, s14, s16, $0x38;
	[tilespmem:$0x10700] =	vst v63  }
0x37: {  	s4 =	sadd.s32 s2, s9;
	s9 =	spop (v2sf);
	(v2sf) =	vpush v10, $0x4  }
0x38: {  	s10 =	sand.u32 $0xFFFFF80, s17  }
0x39: {  	[tilespmem:s8], [sflag:$0x1] =	stream.strided.gather [hbm4b:s4+s16], $0x1000, s14, s16, $0x38;
	[tilespmem:$0x10700] =	vst v63  }
0x3a: {  	s20 =	sand.u32 $0xFFFFF80, s9;
	s4 =	sadd.s32 s1, s10;
	s10 =	spop (v2sf);
	(v2sf) =	vpush v6, $0x4  }
0x3b: {  	[tilespmem:s25], [sflag:$0x1] =	stream.strided.gather [hbm4b:s4+s16], $0x1000, s14, s16, $0x38;
	[tilespmem:$0x10700] =	vst v63  }
0x3c: {  	s21 =	sand.u32 $0xFFFFF80, s10;
	s7 =	spop (v2sf);
	(v2sf) =	vpush v10, $0x5;
	s4 =	sadd.s32 s2, s20  }
0x3d: {  	[tilespmem:s26], [sflag:$0x1] =	stream.strided.gather [hbm4b:s4+s16], $0x1000, s14, s16, $0x38;
	[tilespmem:$0x10700] =	vst v63  }
0x3e: {  	s22 =	sand.u32 $0xFFFFF80, s7;
	s4 =	sadd.s32 s1, s21  }
0x3f: {  	[tilespmem:s28], [sflag:$0x1] =	stream.strided.gather [hbm4b:s4+s16], $0x1000, s14, s16, $0x38;
	[tilespmem:$0x10700] =	vst v63  }
0x40: {  	s4 =	sadd.s32 s2, s22  }
0x41: {  	[tilespmem:s29], [sflag:$0x1] =	stream.strided.gather [hbm4b:s4+s16], $0x1000, s14, s16, $0x38;
	[tilespmem:$0x10700] =	vst v63  }
0x42: {  	s8 =	spop (v2sf);
	(v2sf) =	vpush v6, $0x5  }
0x43: {  	s6 =	sand.u32 $0xFFFFF80, s8;
	s4 =	spop (v2sf)  }
0x44: {  	(v2sf) =	vpush v10, $0x6;
	s6 =	sadd.s32 s1, s6;
	s23 =	sand.u32 $0xFFFFF80, s4  }
0x45: {  	[tilespmem:s30], [sflag:$0x1] =	stream.strided.gather [hbm4b:s6+s16], $0x1000, s14, s16, $0x38;
	[tilespmem:$0x10700] =	vst v63  }
0x46: {  	s6 =	sadd.s32 s2, s23;
	s23 =	spop (v2sf);
	(v2sf) =	vpush v6, $0x6;
	_ =	sdelay $0x2  }
0x47: {  	s31 =	simm.s32 $0xB400;
	s24 =	sand.u32 $0xFFFFF80, s23;
	s22 =	spop (v2sf);
	(v2sf) =	vpush v10, $0x7  }
0x48: {  	[tilespmem:s31], [sflag:$0x1] =	stream.strided.gather [hbm4b:s6+s16], $0x1000, s14, s16, $0x38;
	[tilespmem:$0x10700] =	vst v63  }
0x49: {  	s6 =	sadd.s32 s1, s24;
	s25 =	sand.u32 $0xFFFFF80, s22;
	s24 =	spop (v2sf)  }
0x4a: {  	(v2sf) =	vpush v6, $0x7;
	[tilespmem:s18], [sflag:$0x2] =	stream.strided.gather [hbm4b:s6+s16], $0x1000, s14, s16, $0x38;
	[tilespmem:$0x10700] =	vst v63  }
0x4b: {  	s6 =	sadd.s32 s2, s25;
	s18 =	sand.u32 $0xFFFFF80, s24  }
0x4c: {  	[tilespmem:s0], [sflag:$0x2] =	stream.strided.gather [hbm4b:s6+s16], $0x1000, s14, s16, $0x38;
	[tilespmem:$0x10700] =	vst v63  }
0x4d: {  	s6 =	sadd.s32 s1, s18  }
0x4e: {  	[tilespmem:s15], [sflag:$0x2] =	stream.strided.gather [hbm4b:s6+s16], $0x1000, s14, s16, $0x38;
	[tilespmem:$0x10700] =	vst v63  }
0x4f: {  	s21 =	spop (v2sf)  }
0x50: {  	s20 =	sand.u32 $0xFFFFF80, s21  }
0x51: {  	s6 =	sadd.s32 s2, s20;
	s20 =	spop (v2sf)  }
0x52: {  	[tilespmem:s19], [sflag:$0x2] =	stream.strided.gather [hbm4b:s6+s16], $0x1000, s14, s16, $0x38;
	[tilespmem:$0x10700] =	vst v63  }
0x53: {  	s25 =	sand.u32 $0xFFFFF80, s20;
	s18 =	spop (v2sf)  }
0x54: {  	s15 =	simm.s32 $0x6400;
	s6 =	sadd.s32 s1, s25;
	s19 =	sand.u32 $0xFFFFF80, s18  }
0x55: {  	[tilespmem:s15], [sflag:$0x2] =	stream.strided.gather [hbm4b:s6+s16], $0x1000, s14, s16, $0x38;
	[tilespmem:$0x10700] =	vst v63  }
0x56: {  	s6 =	sadd.s32 s2, s19;
	s19 =	spop (v2sf)  }
0x57: {  	s25 =	simm.s32 $0xE400;
	s15 =	sand.u32 $0xFFFFF80, s19  }
0x58: {  	[tilespmem:s25], [sflag:$0x2] =	stream.strided.gather [hbm4b:s6+s16], $0x1000, s14, s16, $0x38;
	[tilespmem:$0x10700] =	vst v63  }
0x59: {  	s6 =	spop (v2sf);
	s25 =	sadd.s32 s1, s15;
	s15 =	simm.s32 $0x7400  }
0x5a: {  	[tilespmem:s15], [sflag:$0x2] =	stream.strided.gather [hbm4b:s25+s16], $0x1000, s14, s16, $0x38;
	[tilespmem:$0x10700] =	vst v63  }
0x5b: {  	s15 =	sand.u32 $0xFFFFF80, s6  }
0x5c: {  	s25 =	sadd.s32 s2, s15;
	s15 =	simm.s32 $0xF400  }
0x5d: {  	[tilespmem:s15], [sflag:$0x2] =	stream.strided.gather [hbm4b:s25+s16], $0x1000, s14, s16, $0x38;
	[tilespmem:$0x10700] =	vst v63  }
0x5e: {  	_ =	swait.ge [sflag:s5], $0x1000  }
0x5f: {  	[sflag:s5] =	ssyncset.done $0x0  }
0x60: {  	[sflag:s5] =	ssyncadd.s32 $0xFFFFF000  }
0x61: {  	_ =	swait.ge [sflag:s5], $0x1000  }
0x62: {  	[sflag:s5] =	ssyncset.done $0x0  }
0x63: {  	[sflag:s5] =	ssyncadd.s32 $0xFFFFF000  }
0x64: {  	_ =	swait.ge [sflag:s5], $0x1000  }
0x65: {  	[sflag:s5] =	ssyncset.done $0x0  }
0x66: {  	[sflag:s5] =	ssyncadd.s32 $0xFFFFF000  }
0x67: {  	_ =	swait.ge [sflag:s5], $0x1000  }
0x68: {  	[sflag:s5] =	ssyncset.done $0x0  }
0x69: {  	[sflag:s5] =	ssyncadd.s32 $0xFFFFF000  }
0x6a: {  	_ =	swait.ge [sflag:s5], $0x1000  }
0x6b: {  	[sflag:s5] =	ssyncset.done $0x0  }
0x6c: {  	[sflag:s5] =	ssyncadd.s32 $0xFFFFF000  }
0x6d: {  	_ =	swait.ge [sflag:s5], $0x1000  }
0x6e: {  	[sflag:s5] =	ssyncset.done $0x0  }
0x6f: {  	[sflag:s5] =	ssyncadd.s32 $0xFFFFF000  }
0x70: {  	s12 =	sand.u32 $0x7F, s12;
	_ =	swait.ge [sflag:s5], $0x1000  }
0x71: {  	v5 =	vor.u32 s12, v0;
	[sflag:s5] =	ssyncset.done $0x0  }
0x72: {  	s11 =	sand.u32 $0x7F, s11;
	v7 =	vor.u32 s12, v1;
	[sflag:s5] =	ssyncadd.s32 $0xFFFFF000  }
0x73: {  	v8 =	vor.u32 s11, v0;
	_ =	swait.ge [sflag:s5], $0x1000  }
0x74: {  	v9 =	vor.u32 s11, v1;
	s17 =	sand.u32 $0x7F, s17;
	[sflag:s5] =	ssyncset.done $0x0;
	(v2sf) =	vpush v10, $0x8  }
0x75: {  	v11 =	vor.u32 s17, v0;
	[sflag:s5] =	ssyncadd.s32 $0xFFFFF000;
	(v2sf) =	vpush v6, $0x8  }
0x76: {  	s9 =	sand.u32 $0x7F, s9;
	v12 =	vor.u32 s17, v1;
	v5 =	vld.idx.msk [tilespmem:v5+s16+$0x0], $0xffff  }
0x77: {  	v13 =	vor.u32 s9, v0;
	s26 =	simm.s32 $0x8400;
	v7 =	vld.idx.msk [tilespmem:v7+s16+$0x0], $0xffff  }
0x78: {  	v14 =	vor.u32 s9, v1;
	s25 =	sand.u32 $0x7F, s10;
	v8 =	vld.idx.msk [tilespmem:v8+s26+$0x0], $0xffff  }
0x79: {  	s28 =	simm.s32 $0x1400;
	v15 =	vor.u32 s25, v0;
	v9 =	vld.idx.msk [tilespmem:v9+s26+$0x0], $0xffff  }
0x7a: {  	s4 =	sand.u32 $0x7F, s4;
	v16 =	vor.u32 s25, v1;
	v11 =	vld.idx.msk [tilespmem:v11+s28+$0x0], $0xffff;
	(v2sf) =	vpush v10, $0x9  }
0x7b: {  	s7 =	sand.u32 $0x7F, s7;
	s29 =	simm.s32 $0x9400;
	v21 =	vor.u32 s4, v0;
	v12 =	vld.idx.msk [tilespmem:v12+s28+$0x0], $0xffff  }
0x7c: {  	v17 =	vor.u32 s7, v0;
	v13 =	vld.idx.msk [tilespmem:v13+s29+$0x0], $0xffff;
	(v2sf) =	vpush v6, $0x9  }
0x7d: {  	v18 =	vor.u32 s7, v1;
	s30 =	simm.s32 $0x2400;
	v14 =	vld.idx.msk [tilespmem:v14+s29+$0x0], $0xffff;
	(v2sf) =	vpush v10, $0xA  }
0x7e: {  	s9 =	sand.u32 $0x7F, s8;
	v22 =	vor.u32 s4, v1;
	v15 =	vld.idx.msk [tilespmem:v15+s30+$0x0], $0xffff  }
0x7f: {  	v20 =	vor.u32 s9, v1;
	v16 =	vld.idx.msk [tilespmem:v16+s30+$0x0], $0xffff;
	(v2sf) =	vpush v6, $0xA  }
0x80: {  	v19 =	vor.u32 s9, v0;
	s29 =	simm.s32 $0xA400;
	v21 =	vld.idx.msk [tilespmem:v21+s31+$0x0], $0xffff  }
0x81: {  	v17 =	vld.idx.msk [tilespmem:v17+s29+$0x0], $0xffff  }
0x82: {  	v18 =	vld.idx.msk [tilespmem:v18+s29+$0x0], $0xffff  }
0x83: {  	s30 =	simm.s32 $0x3400;
	v22 =	vld.idx.msk [tilespmem:v22+s31+$0x0], $0xffff;
	s4 =	spop (v2sf)  }
0x84: {  	v20 =	vld.idx.msk [tilespmem:v20+s30+$0x0], $0xffff;
	v5 =	vmul.f32 v8, v5;
	v7 =	vmul.f32 v9, v7;
	s10 =	sand.u32 $0xFFFFF80, s4;
	s7 =	spop (v2sf)  }
0x85: {  	v19 =	vld.idx.msk [tilespmem:v19+s30+$0x0], $0xffff;
	v42 =	vmul.f32 v13, v11;
	v43 =	vmul.f32 v14, v12;
	(v2sf) =	vpush v10, $0xB;
	s8 =	sadd.s32 s1, s10;
	s11 =	sand.u32 $0xFFFFF80, s7  }
0x86: {  	v5 =	vmul.f32 v5, v2;
	v7 =	vmul.f32 v7, v3;
	[tilespmem:s16], [sflag:$0x1] =	stream.strided.gather [hbm4b:s8+s16], $0x1000, s14, s16, $0x38;
	[tilespmem:$0x10700] =	vst v63  }
0x87: {  	v44 =	vmul.f32 v17, v15;
	v45 =	vmul.f32 v18, v16;
	s8 =	sadd.s32 s2, s11  }
0x88: {  	v8 =	vmul.f32 v42, v2;
	v9 =	vmul.f32 v43, v3;
	v5 =	vadd.f32 v7, v5;
	[tilespmem:s26], [sflag:$0x1] =	stream.strided.gather [hbm4b:s8+s16], $0x1000, s14, s16, $0x38;
	[tilespmem:$0x10700] =	vst v63  }
0x89: {  	v46 =	vmul.f32 v22, v20;
	v11 =	vmul.f32 v44, v2;
	s8 =	spop (v2sf);
	(v2sf) =	vpush v6, $0xB  }
0x8a: {  	v12 =	vmul.f32 v45, v3;
	v7 =	vmul.f32 v21, v19;
	(xrf2) =	vadd.scan.msk.f32 $0xffff, v5;
	v5 =	vadd.f32 v9, v8  }
0x8b: {  	s26 =	simm.s32 $0x9400;
	s12 =	sand.u32 $0xFFFFF80, s8;
	s9 =	spop (v2sf)  }
0x8c: {  	v47 =	vmul.f32 v46, v3;
	v48 =	vadd.f32 v12, v11;
	v7 =	vmul.f32 v7, v2;
	(xrf2) =	vadd.scan.msk.f32 $0xffff, v5;
	s10 =	sadd.s32 s1, s12;
	s15 =	sand.u32 $0xFFFFF80, s9;
	s12 =	spop (v2sf)  }
0x8d: {  	[tilespmem:s28], [sflag:$0x1] =	stream.strided.gather [hbm4b:s10+s16], $0x1000, s14, s16, $0x38;
	[tilespmem:$0x10700] =	vst v63  }
0x8e: {  	v5 =	vadd.f32 v47, v7;
	(xrf2) =	vadd.scan.msk.f32 $0xffff, v48;
	s10 =	sadd.s32 s2, s15;
	s17 =	sand.u32 $0xFFFFF80, s12;
	s11 =	spop (v2sf)  }
0x8f: {  	[tilespmem:s26], [sflag:$0x1] =	stream.strided.gather [hbm4b:s10+s16], $0x1000, s14, s16, $0x38;
	[tilespmem:$0x10700] =	vst v63  }
0x90: {  	(xrf2) =	vadd.scan.msk.f32 $0xffff, v5;
	s28 =	simm.s32 $0x2400;
	s25 =	sand.u32 $0xFFFFF80, s11;
	s10 =	sadd.s32 s1, s17  }
0x91: {  	[tilespmem:s28], [sflag:$0x1] =	stream.strided.gather [hbm4b:s10+s16], $0x1000, s14, s16, $0x38;
	[tilespmem:$0x10700] =	vst v63  }
0x92: {  	s10 =	sadd.s32 s2, s25  }
0x93: {  	[tilespmem:s29], [sflag:$0x1] =	stream.strided.gather [hbm4b:s10+s16], $0x1000, s14, s16, $0x38;
	[tilespmem:$0x10700] =	vst v63  }
0x94: {  	s17 =	spop (v2sf)  }
0x95: {  	s15 =	sand.u32 $0xFFFFF80, s17  }
0x96: {  	s25 =	sadd.s32 s1, s15  }
0x97: {  	[tilespmem:s30], [sflag:$0x1] =	stream.strided.gather [hbm4b:s25+s16], $0x1000, s14, s16, $0x38;
	[tilespmem:$0x10700] =	vst v63  }
0x98: {  	v9, _, _ =	vpop (xrf2);
	s10 =	spop (v2sf)  }
0x99: {  	v8, _, _ =	vpop (xrf2);
	s15 =	sand.u32 $0xFFFFF80, s10  }
0x9a: {  	v7, _, _ =	vpop (xrf2);
	s25 =	sadd.s32 s2, s15  }
0x9b: {  	v5, _, _ =	vpop (xrf2);
	[tilespmem:s31], [sflag:$0x1] =	stream.strided.gather [hbm4b:s25+s16], $0x1000, s14, s16, $0x38;
	[tilespmem:$0x10700] =	vst v63  }
0x9c: {  	_ =	swait.ge [sflag:s3], $0x1000  }
0x9d: {  	[sflag:s3] =	ssyncset.done $0x0  }
0x9e: {  	[sflag:s3] =	ssyncadd.s32 $0xFFFFF000  }
0x9f: {  	_ =	swait.ge [sflag:s3], $0x1000  }
0xa0: {  	[sflag:s3] =	ssyncset.done $0x0  }
0xa1: {  	[sflag:s3] =	ssyncadd.s32 $0xFFFFF000  }
0xa2: {  	_ =	swait.ge [sflag:s3], $0x1000  }
0xa3: {  	[sflag:s3] =	ssyncset.done $0x0  }
0xa4: {  	[sflag:s3] =	ssyncadd.s32 $0xFFFFF000  }
0xa5: {  	_ =	swait.ge [sflag:s3], $0x1000  }
0xa6: {  	[sflag:s3] =	ssyncset.done $0x0  }
0xa7: {  	[sflag:s3] =	ssyncadd.s32 $0xFFFFF000  }
0xa8: {  	_ =	swait.ge [sflag:s3], $0x1000  }
0xa9: {  	[sflag:s3] =	ssyncset.done $0x0  }
0xaa: {  	[sflag:s3] =	ssyncadd.s32 $0xFFFFF000  }
0xab: {  	_ =	swait.ge [sflag:s3], $0x1000  }
0xac: {  	[sflag:s3] =	ssyncset.done $0x0  }
0xad: {  	[sflag:s3] =	ssyncadd.s32 $0xFFFFF000  }
0xae: {  	s23 =	sand.u32 $0x7F, s23;
	_ =	swait.ge [sflag:s3], $0x1000  }
0xaf: {  	v49 =	vor.u32 s23, v0;
	[sflag:s3] =	ssyncset.done $0x0  }
0xb0: {  	s22 =	sand.u32 $0x7F, s22;
	v50 =	vor.u32 s23, v1;
	[sflag:s3] =	ssyncadd.s32 $0xFFFFF000  }
0xb1: {  	v51 =	vor.u32 s22, v0;
	_ =	swait.ge [sflag:s3], $0x1000  }
0xb2: {  	v52 =	vor.u32 s22, v1;
	s25 =	sand.u32 $0x7F, s24;
	[sflag:s3] =	ssyncset.done $0x0  }
0xb3: {  	s0 =	simm.s32 $0x4400;
	v53 =	vor.u32 s25, v0;
	(v2sf) =	vpush v10, $0xC;
	[sflag:s3] =	ssyncadd.s32 $0xFFFFF000  }
0xb4: {  	s21 =	sand.u32 $0x7F, s21;
	v54 =	vor.u32 s25, v1;
	v11 =	vld.idx.msk [tilespmem:v49+s0+$0x0], $0xffff  }
0xb5: {  	v55 =	vor.u32 s21, v0;
	s31 =	simm.s32 $0xC400;
	(v2sf) =	vpush v6, $0xC;
	v12 =	vld.idx.msk [tilespmem:v50+s0+$0x0], $0xffff  }
0xb6: {  	s22 =	simm.s32 $0xC400;
	v56 =	vor.u32 s21, v1;
	s20 =	sand.u32 $0x7F, s20;
	v13 =	vld.idx.msk [tilespmem:v51+s31+$0x0], $0xffff  }
0xb7: {  	s18 =	sand.u32 $0x7F, s18;
	v58 =	vor.u32 s20, v1;
	s15 =	simm.s32 $0x5400;
	v14 =	vld.idx.msk [tilespmem:v52+s22+$0x0], $0xffff;
	(v2sf) =	vpush v10, $0xD  }
0xb8: {  	v59 =	vor.u32 s18, v0;
	v15 =	vld.idx.msk [tilespmem:v53+s15+$0x0], $0xffff;
	(v2sf) =	vpush v6, $0xD  }
0xb9: {  	s23 =	simm.s32 $0xD400;
	v60 =	vor.u32 s18, v1;
	s6 =	sand.u32 $0x7F, s6;
	v16 =	vld.idx.msk [tilespmem:v54+s15+$0x0], $0xffff  }
0xba: {  	v25 =	vor.u32 s6, v0;
	s25 =	simm.s32 $0xD400;
	v17 =	vld.idx.msk [tilespmem:v55+s23+$0x0], $0xffff  }
0xbb: {  	v57 =	vor.u32 s20, v0;
	s24 =	sand.u32 $0x7F, s19;
	s19 =	simm.s32 $0x6400;
	v18 =	vld.idx.msk [tilespmem:v56+s25+$0x0], $0xffff  }
0xbc: {  	s20 =	simm.s32 $0xE400;
	v23 =	vor.u32 s24, v0;
	v20 =	vld.idx.msk [tilespmem:v58+s19+$0x0], $0xffff;
	(v2sf) =	vpush v10, $0xE  }
0xbd: {  	s21 =	simm.s32 $0xE400;
	v24 =	vor.u32 s24, v1;
	v21 =	vld.idx.msk [tilespmem:v59+s20+$0x0], $0xffff  }
0xbe: {  	v26 =	vor.u32 s6, v1;
	s24 =	simm.s32 $0xF400;
	v22 =	vld.idx.msk [tilespmem:v60+s21+$0x0], $0xffff;
	(v2sf) =	vpush v6, $0xE  }
0xbf: {  	s31 =	simm.s32 $0x6400;
	v25 =	vld.idx.msk [tilespmem:v25+s24+$0x0], $0xffff  }
0xc0: {  	s22 =	simm.s32 $0x7400;
	v19 =	vld.idx.msk [tilespmem:v57+s31+$0x0], $0xffff  }
0xc1: {  	s23 =	simm.s32 $0x7400;
	v23 =	vld.idx.msk [tilespmem:v23+s22+$0x0], $0xffff  }
0xc2: {  	v24 =	vld.idx.msk [tilespmem:v24+s23+$0x0], $0xffff;
	s31 =	simm.s32 $0xF400;
	s6 =	spop (v2sf)  }
0xc3: {  	v26 =	vld.idx.msk [tilespmem:v26+s31+$0x0], $0xffff;
	v61 =	vmul.f32 v13, v11;
	v62 =	vmul.f32 v14, v12;
	(v2sf) =	vpush v10, $0xF;
	s25 =	sand.u32 $0xFFFFF80, s6  }
0xc4: {  	v63 =	vmul.f32 v17, v15;
	v17 =	vmul.f32 v18, v16;
	s18 =	spop (v2sf);
	s19 =	sadd.s32 s1, s25  }
0xc5: {  	v11 =	vmul.f32 v62, v3;
	v10 =	vmul.f32 v61, v2;
	(v2sf) =	vpush v6, $0xF;
	[tilespmem:s0], [sflag:$0x2] =	stream.strided.gather [hbm4b:s19+s16], $0x1000, s14, s16, $0x38;
	[tilespmem:$0x10700] =	vst v63  }
0xc6: {  	v28 =	vmul.f32 v22, v20;
	v27 =	vmul.f32 v21, v19;
	s20 =	sand.u32 $0xFFFFF80, s18;
	s0 =	simm.s32 $0xC400;
	s19 =	spop (v2sf)  }
0xc7: {  	v18 =	vmul.f32 v17, v3;
	v6 =	vmul.f32 v63, v2;
	v10 =	vadd.f32 v11, v10;
	s21 =	sadd.s32 s2, s20;
	s22 =	sand.u32 $0xFFFFF80, s19;
	s20 =	spop (v2sf)  }
0xc8: {  	v29 =	vmul.f32 v25, v23;
	v30 =	vmul.f32 v26, v24;
	[tilespmem:s0], [sflag:$0x2] =	stream.strided.gather [hbm4b:s21+s16], $0x1000, s14, s16, $0x38;
	[tilespmem:$0x10700] =	vst v63  }
0xc9: {  	v32 =	vmul.f32 v28, v3;
	v31 =	vmul.f32 v27, v2;
	v6 =	vadd.f32 v18, v6;
	(xrf2) =	vadd.scan.msk.f32 $0xffff, v10;
	s21 =	sadd.s32 s1, s22;
	s23 =	sand.u32 $0xFFFFF80, s20  }
0xca: {  	v33 =	vmul.f32 v29, v2;
	v34 =	vmul.f32 v30, v3;
	[tilespmem:s15], [sflag:$0x2] =	stream.strided.gather [hbm4b:s21+s16], $0x1000, s14, s16, $0x38;
	[tilespmem:$0x10700] =	vst v63  }
0xcb: {  	s24 =	simm.s32 $0xD400;
	(xrf2) =	vadd.scan.msk.f32 $0xffff, v6;
	v6 =	vadd.f32 v32, v31;
	s22 =	sadd.s32 s2, s23;
	s21 =	spop (v2sf)  }
0xcc: {  	v10 =	vadd.f32 v34, v33;
	[tilespmem:s24], [sflag:$0x2] =	stream.strided.gather [hbm4b:s22+s16], $0x1000, s14, s16, $0x38;
	[tilespmem:$0x10700] =	vst v63  }
0xcd: {  	(xrf2) =	vadd.scan.msk.f32 $0xffff, v6;
	s25 =	sand.u32 $0xFFFFF80, s21;
	s22 =	spop (v2sf)  }
0xce: {  	s31 =	simm.s32 $0x6400;
	(xrf2) =	vadd.scan.msk.f32 $0xffff, v10;
	s23 =	sadd.s32 s1, s25;
	s25 =	sand.u32 $0xFFFFF80, s22  }
0xcf: {  	[tilespmem:s31], [sflag:$0x2] =	stream.strided.gather [hbm4b:s23+s16], $0x1000, s14, s16, $0x38;
	[tilespmem:$0x10700] =	vst v63  }
0xd0: {  	s24 =	sadd.s32 s2, s25;
	s31 =	simm.s32 $0xE400  }
0xd1: {  	[tilespmem:s31], [sflag:$0x2] =	stream.strided.gather [hbm4b:s24+s16], $0x1000, s14, s16, $0x38;
	[tilespmem:$0x10700] =	vst v63  }
0xd2: {  	s23 =	spop (v2sf)  }
0xd3: {  	s31 =	sand.u32 $0xFFFFF80, s23  }
0xd4: {  	s24 =	spop (v2sf);
	s25 =	sadd.s32 s1, s31;
	s31 =	simm.s32 $0x7400  }
0xd5: {  	v12, _, _ =	vpop (xrf2);
	[tilespmem:s31], [sflag:$0x2] =	stream.strided.gather [hbm4b:s25+s16], $0x1000, s14, s16, $0x38;
	[tilespmem:$0x10700] =	vst v63  }
0xd6: {  	v11, _, _ =	vpop (xrf2);
	s31 =	sand.u32 $0xFFFFF80, s24  }
0xd7: {  	v10, _, _ =	vpop (xrf2);
	s25 =	sadd.s32 s2, s31;
	s31 =	simm.s32 $0xF400  }
0xd8: {  	v6, _, _ =	vpop (xrf2);
	[tilespmem:s31], [sflag:$0x2] =	stream.strided.gather [hbm4b:s25+s16], $0x1000, s14, s16, $0x38;
	[tilespmem:$0x10700] =	vst v63  }
0xd9: {  	_ =	swait.ge [sflag:s5], $0x1000  }
0xda: {  	[sflag:s5] =	ssyncset.done $0x0  }
0xdb: {  	[sflag:s5] =	ssyncadd.s32 $0xFFFFF000  }
0xdc: {  	_ =	swait.ge [sflag:s5], $0x1000  }
0xdd: {  	[sflag:s5] =	ssyncset.done $0x0  }
0xde: {  	[sflag:s5] =	ssyncadd.s32 $0xFFFFF000  }
0xdf: {  	_ =	swait.ge [sflag:s5], $0x1000  }
0xe0: {  	[sflag:s5] =	ssyncset.done $0x0  }
0xe1: {  	[sflag:s5] =	ssyncadd.s32 $0xFFFFF000  }
0xe2: {  	_ =	swait.ge [sflag:s5], $0x1000  }
0xe3: {  	[sflag:s5] =	ssyncset.done $0x0  }
0xe4: {  	[sflag:s5] =	ssyncadd.s32 $0xFFFFF000  }
0xe5: {  	_ =	swait.ge [sflag:s5], $0x1000  }
0xe6: {  	[sflag:s5] =	ssyncset.done $0x0  }
0xe7: {  	[sflag:s5] =	ssyncadd.s32 $0xFFFFF000  }
0xe8: {  	_ =	swait.ge [sflag:s5], $0x1000  }
0xe9: {  	[sflag:s5] =	ssyncset.done $0x0  }
0xea: {  	[sflag:s5] =	ssyncadd.s32 $0xFFFFF000  }
0xeb: {  	s4 =	sand.u32 $0x7F, s4;
	_ =	swait.ge [sflag:s5], $0x1000  }
0xec: {  	v35 =	vor.u32 s4, v0;
	[sflag:s5] =	ssyncset.done $0x0  }
0xed: {  	v36 =	vor.u32 s4, v1;
	s7 =	sand.u32 $0x7F, s7;
	[sflag:s5] =	ssyncadd.s32 $0xFFFFF000  }
0xee: {  	v37 =	vor.u32 s7, v0;
	_ =	swait.ge [sflag:s5], $0x1000  }
0xef: {  	v38 =	vor.u32 s7, v1;
	s31 =	sand.u32 $0x7F, s8;
	[sflag:s5] =	ssyncset.done $0x0  }
0xf0: {  	v39 =	vor.u32 s31, v0;
	[sflag:s5] =	ssyncadd.s32 $0xFFFFF000  }
0xf1: {  	s7 =	sand.u32 $0x7F, s9;
	v40 =	vor.u32 s31, v1;
	v13 =	vld.idx.msk [tilespmem:v35+s16+$0x0], $0xffff  }
0xf2: {  	v41 =	vor.u32 s7, v0;
	s8 =	simm.s32 $0x8400;
	v14 =	vld.idx.msk [tilespmem:v36+s16+$0x0], $0xffff  }
0xf3: {  	v42 =	vor.u32 s7, v1;
	s9 =	sand.u32 $0x7F, s12;
	v15 =	vld.idx.msk [tilespmem:v37+s8+$0x0], $0xffff  }
0xf4: {  	v43 =	vor.u32 s9, v0;
	s25 =	simm.s32 $0x1400;
	v16 =	vld.idx.msk [tilespmem:v38+s8+$0x0], $0xffff  }
0xf5: {  	v44 =	vor.u32 s9, v1;
	s11 =	sand.u32 $0x7F, s11;
	v17 =	vld.idx.msk [tilespmem:v39+s25+$0x0], $0xffff  }
0xf6: {  	v45 =	vor.u32 s11, v0;
	v18 =	vld.idx.msk [tilespmem:v40+s25+$0x0], $0xffff  }
0xf7: {  	v46 =	vor.u32 s11, v1;
	s12 =	sand.u32 $0x7F, s17;
	v19 =	vld.idx.msk [tilespmem:v41+s26+$0x0], $0xffff  }
0xf8: {  	v47 =	vor.u32 s12, v0;
	v20 =	vld.idx.msk [tilespmem:v42+s26+$0x0], $0xffff  }
0xf9: {  	v48 =	vor.u32 s12, v1;
	s17 =	sand.u32 $0x7F, s10;
	v21 =	vld.idx.msk [tilespmem:v43+s28+$0x0], $0xffff  }
0xfa: {  	v27 =	vor.u32 s17, v0;
	v22 =	vld.idx.msk [tilespmem:v44+s28+$0x0], $0xffff  }
0xfb: {  	v28 =	vor.u32 s17, v1;
	v23 =	vld.idx.msk [tilespmem:v45+s29+$0x0], $0xffff  }
0xfc: {  	v24 =	vld.idx.msk [tilespmem:v46+s29+$0x0], $0xffff  }
0xfd: {  	v25 =	vld.idx.msk [tilespmem:v47+s30+$0x0], $0xffff  }
0xfe: {  	s31 =	simm.s32 $0xB400;
	v26 =	vld.idx.msk [tilespmem:v48+s30+$0x0], $0xffff  }
0xff: {  	v27 =	vld.idx.msk [tilespmem:v27+s31+$0x0], $0xffff  }
0x100: {  	v49 =	vld.idx.msk [tilespmem:v28+s31+$0x0], $0xffff;
	_ =	sdelay $0x1  }
0x101: {  	v13 =	vmul.f32 v15, v13;
	v14 =	vmul.f32 v16, v14  }
0x102: {  	v50 =	vmul.f32 v19, v17;
	v51 =	vmul.f32 v20, v18  }
0x103: {  	v52 =	vmul.f32 v23, v21;
	v53 =	vmul.f32 v24, v22  }
0x104: {  	v54 =	vmul.f32 v27, v25;
	v15 =	vmul.f32 v49, v26  }
0x105: {  	v13 =	vmul.f32 v13, v2;
	v14 =	vmul.f32 v14, v3  }
0x106: {  	v16 =	vmul.f32 v50, v2;
	v17 =	vmul.f32 v51, v3  }
0x107: {  	v55 =	vmul.f32 v52, v2;
	v56 =	vmul.f32 v53, v3;
	v13 =	vadd.f32 v14, v13  }
0x108: {  	v57 =	vmul.f32 v54, v2;
	v15 =	vmul.f32 v15, v3;
	v16 =	vadd.f32 v17, v16  }
0x109: {  	v58 =	vadd.f32 v56, v55;
	(xrf2) =	vadd.scan.msk.f32 $0xffff, v13  }
0x10a: {  	v59 =	vadd.f32 v15, v57;
	(xrf2) =	vadd.scan.msk.f32 $0xffff, v16  }
0x10b: {  	(xrf2) =	vadd.scan.msk.f32 $0xffff, v58  }
0x10c: {  	(xrf2) =	vadd.scan.msk.f32 $0xffff, v59;
	_ =	sdelay $0x6  }
0x10d: {  	v60, _, _ =	vpop (xrf2)  }
0x10e: {  	v61, _, _ =	vpop (xrf2)  }
0x10f: {  	v62, _, _ =	vpop (xrf2)  }
0x110: {  	v63, _, _ =	vpop (xrf2)  }
0x111: {  	_ =	swait.ge [sflag:s3], $0x1000  }
0x112: {  	[sflag:s3] =	ssyncset.done $0x0  }
0x113: {  	[sflag:s3] =	ssyncadd.s32 $0xFFFFF000  }
0x114: {  	_ =	swait.ge [sflag:s3], $0x1000  }
0x115: {  	[sflag:s3] =	ssyncset.done $0x0  }
0x116: {  	[sflag:s3] =	ssyncadd.s32 $0xFFFFF000  }
0x117: {  	_ =	swait.ge [sflag:s3], $0x1000  }
0x118: {  	[sflag:s3] =	ssyncset.done $0x0  }
0x119: {  	[sflag:s3] =	ssyncadd.s32 $0xFFFFF000  }
0x11a: {  	_ =	swait.ge [sflag:s3], $0x1000  }
0x11b: {  	[sflag:s3] =	ssyncset.done $0x0  }
0x11c: {  	[sflag:s3] =	ssyncadd.s32 $0xFFFFF000  }
0x11d: {  	_ =	swait.ge [sflag:s3], $0x1000  }
0x11e: {  	[sflag:s3] =	ssyncset.done $0x0  }
0x11f: {  	[sflag:s3] =	ssyncadd.s32 $0xFFFFF000  }
0x120: {  	_ =	swait.ge [sflag:s3], $0x1000  }
0x121: {  	[sflag:s3] =	ssyncset.done $0x0  }
0x122: {  	[sflag:s3] =	ssyncadd.s32 $0xFFFFF000  }
0x123: {  	s6 =	sand.u32 $0x7F, s6;
	_ =	swait.ge [sflag:s3], $0x1000  }
0x124: {  	v32 =	vor.u32 s6, v0;
	[sflag:s3] =	ssyncset.done $0x0  }
0x125: {  	s7 =	sand.u32 $0x7F, s18;
	v33 =	vor.u32 s6, v1;
	[sflag:s3] =	ssyncadd.s32 $0xFFFFF000  }
0x126: {  	v34 =	vor.u32 s7, v0;
	_ =	swait.ge [sflag:s3], $0x1000  }
0x127: {  	s11 =	sand.u32 $0x7F, s19;
	v35 =	vor.u32 s7, v1;
	[sflag:s3] =	ssyncset.done $0x0  }
0x128: {  	s18 =	simm.s32 $0x4400;
	v36 =	vor.u32 s11, v0;
	[sflag:s3] =	ssyncadd.s32 $0xFFFFF000  }
0x129: {  	s12 =	sand.u32 $0x7F, s20;
	v37 =	vor.u32 s11, v1;
	v17 =	vld.idx.msk [tilespmem:v32+s18+$0x0], $0xffff  }
0x12a: {  	v38 =	vor.u32 s12, v0;
	v18 =	vld.idx.msk [tilespmem:v33+s18+$0x0], $0xffff  }
0x12b: {  	s17 =	sand.u32 $0x7F, s21;
	v39 =	vor.u32 s12, v1;
	v19 =	vld.idx.msk [tilespmem:v34+s0+$0x0], $0xffff  }
0x12c: {  	v40 =	vor.u32 s17, v0;
	v20 =	vld.idx.msk [tilespmem:v35+s0+$0x0], $0xffff  }
0x12d: {  	s20 =	sand.u32 $0x7F, s22;
	v41 =	vor.u32 s17, v1;
	v21 =	vld.idx.msk [tilespmem:v36+s15+$0x0], $0xffff  }
0x12e: {  	s19 =	simm.s32 $0xD400;
	v42 =	vor.u32 s20, v0;
	v22 =	vld.idx.msk [tilespmem:v37+s15+$0x0], $0xffff  }
0x12f: {  	s21 =	sand.u32 $0x7F, s23;
	v43 =	vor.u32 s20, v1;
	v23 =	vld.idx.msk [tilespmem:v38+s19+$0x0], $0xffff  }
0x130: {  	s9 =	simm.s32 $0x6400;
	v9 =	vbroadcast v9, $0xF;
	s22 =	sand.u32 $0x7F, s24;
	v29 =	vor.u32 s21, v0;
	v24 =	vld.idx.msk [tilespmem:v39+s19+$0x0], $0xffff  }
0x131: {  	v30 =	vor.u32 s22, v0;
	v25 =	vld.idx.msk [tilespmem:v40+s9+$0x0], $0xffff  }
0x132: {  	v8 =	vbroadcast v8, $0xF;
	v9 =	vadd.f32 v9, v4;
	s10 =	simm.s32 $0xE400;
	v31 =	vor.u32 s21, v1;
	v26 =	vld.idx.msk [tilespmem:v41+s9+$0x0], $0xffff  }
0x133: {  	v7 =	vbroadcast v7, $0xF;
	v32 =	vor.u32 s22, v1;
	v27 =	vld.idx.msk [tilespmem:v42+s10+$0x0], $0xffff  }
0x134: {  	v8 =	vadd.f32 v8, v4;
	v9 =	vsel vm0, v9, v4;
	v5 =	vbroadcast v5, $0xF;
	s24 =	simm.s32 $0x7400;
	v44 =	vld.idx.msk [tilespmem:v43+s10+$0x0], $0xffff  }
0x135: {  	v7 =	vadd.f32 v7, v9;
	s23 =	simm.s32 $0xF400;
	v46 =	vld.idx.msk [tilespmem:v29+s24+$0x0], $0xffff;
	v17 =	vmul.f32 v19, v17;
	v18 =	vmul.f32 v20, v18  }
0x136: {  	v8 =	vsel vm1, v9, v8;
	v47 =	vld.idx.msk [tilespmem:v30+s23+$0x0], $0xffff;
	v45 =	vmul.f32 v23, v21;
	v22 =	vmul.f32 v24, v22  }
0x137: {  	v5 =	vadd.f32 v5, v8;
	v48 =	vld.idx.msk [tilespmem:v31+s24+$0x0], $0xffff;
	v17 =	vmul.f32 v17, v2;
	v18 =	vmul.f32 v18, v3  }
0x138: {  	v7 =	vsel vm2, v8, v7;
	v49 =	vld.idx.msk [tilespmem:v32+s23+$0x0], $0xffff;
	v20 =	vmul.f32 v45, v2;
	v22 =	vmul.f32 v22, v3  }
0x139: {  	v12 =	vbroadcast v12, $0xF;
	v54 =	vbroadcast v11, $0xF;
	v50 =	vadd.f32 v18, v17  }
0x13a: {  	v52 =	vmul.f32 v27, v25;
	v19 =	vmul.f32 v44, v26;
	v51 =	vadd.f32 v22, v20  }
0x13b: {  	v5 =	vsel vm3, v7, v5;
	v8 =	vadd.f32 v12, v8;
	v10 =	vbroadcast v10, $0xF;
	(xrf2) =	vadd.scan.msk.f32 $0xffff, v50  }
0x13c: {  	v9 =	vadd.f32 v54, v5;
	v19 =	vmul.f32 v19, v3;
	v18 =	vmul.f32 v52, v2;
	(xrf2) =	vadd.scan.msk.f32 $0xffff, v51  }
0x13d: {  	v5 =	vsel vm4, v5, v8;
	v53 =	vmul.f32 v47, v46;
	v7 =	vmul.f32 v49, v48  }
0x13e: {  	v6 =	vbroadcast v6, $0xF;
	v8 =	vsel vm5, v5, v9;
	v55 =	vadd.f32 v19, v18  }
0x13f: {  	v5 =	vadd.f32 v10, v5;
	v56 =	vmul.f32 v53, v2;
	v7 =	vmul.f32 v7, v3  }
0x140: {  	v6 =	vadd.f32 v6, v8;
	v57 =	vbroadcast v60, $0xF;
	(xrf2) =	vadd.scan.msk.f32 $0xffff, v55  }
0x141: {  	v5 =	vsel vm6, v8, v5;
	v58 =	vbroadcast v61, $0xF;
	v7 =	vadd.f32 v7, v56  }
0x142: {  	v5 =	vsel vm7, v5, v6;
	v6 =	vadd.f32 v57, v8  }
0x143: {  	v59 =	vbroadcast v62, $0xF;
	(xrf2) =	vadd.scan.msk.f32 $0xffff, v7;
	v7 =	vadd.f32 v58, v5  }
0x144: {  	v5 =	vsel vm8, v5, v6;
	v6 =	vbroadcast v63, $0xF  }
0x145: {  	v7 =	vsel vm9, v5, v7;
	v5 =	vadd.f32 v59, v5;
	v60, _, _ =	vpop (xrf2)  }
0x146: {  	v6 =	vadd.f32 v6, v7;
	v61, _, _ =	vpop (xrf2)  }
0x147: {  	v5 =	vsel vm10, v7, v5;
	v9 =	vbroadcast v60, $0xF;
	v8 =	vbroadcast v61, $0xF  }
0x148: {  	v5 =	vsel vm11, v5, v6  }
0x149: {  	v6 =	vadd.f32 v9, v7;
	v7 =	vadd.f32 v8, v5  }
0x14a: {  	v62, _, _ =	vpop (xrf2)  }
0x14b: {  	v63 =	vbroadcast v62, $0xF  }
0x14c: {  	v5 =	vsel vm12, v5, v6  }
0x14d: {  	v6 =	vsel vm13, v5, v7;
	v5 =	vadd.f32 v63, v5;
	v7, _, _ =	vpop (xrf2)  }
0x14e: {  	v7 =	vadd.f32 v7, v6  }
0x14f: {  	v5 =	vsel vm14, v6, v5  }
0x150: {  	v5 =	vsel vm15, v5, v7  }
0x151: {  	v5 =	vsub.f32 $0.0e+00, v5;
	_ =	sdelay $0x1  }
0x152: {  	v5 =	vmul.f32 $1.442695020e+00, v5;
	_ =	sdelay $0x1  }
0x153: {  	(erf) = vpow2.f32 v5;
	_ =	sdelay $0x8  }
0x154: {  	v5 =	vpop (erf)  }
0x155: {  	v5 =	vadd.f32 $1.000000000e+00, v5;
	_ =	sdelay $0x1  }
0x156: {  	(erf) = vrcp.f32 v5;
	_ =	sdelay $0x4  }
0x157: {  	p0 =	sne.s32 s13, $0x7C0  }
.Ltmp0:
0x158: {  	_ = 	snop;
	(pc) =	sbr.rel @p0 .LBB2_2-.Ltmp0, $3  }
0x159: {  	_ =	sdelay $0x1  }
0x15a: {  	s31 =	rddreg [dreg:$0xd];
	v5 =	vpop (erf)  }
0x15b: {  	s13 =	sadd.s32 $0x40, s13;
	[tilespmem:s31+$0x10500] =	vst v5  }
0x15c: {  	s9 =	simm.s32 $0x0;
	s4 =	rddreg [dreg:$0xa];
	s6 =	simm.s32 $0x10500  }
0x15d: {  	[hbm4b:s4+s9] =	stream.linear.scatter [tilespmem:s6], [sflag:$0x3], $0x200, $0x38;
	[tilespmem:$0x10700] =	vst v63  }
0x15e: {  	s6 =	simm.s32 $0x3  }
0x15f: {  	_ =	swait.ge [sflag:s6], $0x200  }
0x160: {  	s7 =	rddreg [dreg:$0xc]  }
0x161: {  	s31 =	rddreg [dreg:$0xb];
	s7 =	sadd.s32 $0x1, s7  }
0x162: {  	p0 =	sne.s32 s7, s31  }
.Ltmp1:
0x163: {  	_ = 	snop;
	(pc) =	sbr.rel @p0 .LBB2_1-.Ltmp1, $3  }
0x164: {  	_ =	sdelay $0x1  }
0x165: {  	[sflag:s6] =	ssyncset.done $0x0  }
0x166: {  	[sflag:s6] =	ssyncadd.s32 $0xFFFFFE00  }
0x167: {  	_ =	sfence.sel $0x180000  }
0x168: {  	[bflag:$0x0] =	sbarrier.arrive $0xFFFF  }
0x169: {  	_ =	strace $0x90000047  }
0x16a: {  	s0 =	stileid.u32;
	[bflag:$0x2] =	sbarrier.arrive $0xFFFF  }
0x16b: {  	p0 =	sne.s32 s0, $0x0;
	s0 =	rddreg [dreg:$0x7]  }
0x16c: {  	s0 =	sadd.s32 @!p0 $0x100000, s0  }
0x16d: {  	[sflag:s0] =	ssyncadd.tile.s32 @!p0 $0x1;
	_ =	shalt  }
.Lfunc_end2:
_tile_overlayer_lowered:
.L_overlay_start_2:
0x16e: {  	(tag) =	ssettag $0x2  }
0x16f: {  	s0 =	rddreg [dreg:$0x0];
	s2 =	stileid.u32  }
0x170: {  	s1 =	rddreg [dreg:$0x1];
	p0 =	sne.s32 s2, $0x0  }
0x171: {  	s3 =	rddreg [dreg:$0x2];
	[bflag:$0x3] =	sbarrier.arrive $0xFFFF;
	s2 =	simm.s32 @!p0 $0x1C03  }
0x172: {  	[timem:s3], [sflag:s2] =	dma.local @!p0 [hbm:s0], s1  }
0x173: {  	s0 =	simm.s32 @!p0 $0x3  }
0x174: {  	_ =	swait.ge @!p0 [sflag:s0], s1  }
0x175: {  	s1 =	ssub.s32 @!p0 $0x0, s1;
	[sflag:s0] =	ssyncset.done @!p0 $0x0  }
0x176: {  	[sflag:s0] =	ssyncadd.s32 @!p0 s1  }
0x177: {  	[bflag:$0x3] =	sbarrier.arrive $0xFFFF  }
0x178: {  	_ =	shalt  }

</sc_bundles>
